<compile_context>
chip_gen: v7x
topology: tpu7x:2x2x1
jax: 0.10.2.dev20260603
libtpu: 0.0.44.dev20260713+nightly
codegen_flags: <defaults>
</compile_context>

<pallas_src>
import functools

import jax
import jax.numpy as jnp
from jax import lax
from jax.experimental import pallas as pl
from jax.experimental.pallas import tpu as pltpu
from jax.experimental.pallas import tpu_sc as plsc

_BOS_IDX = 1000001
_EOS_IDX = 1000002
_EMBED = 64
_NC = 2
_NS = 16
_NW = _NC * _NS
_CHUNK = 128
_K = 7
_NBUF = 2


@functools.partial(jax.jit, static_argnums=(2, 3))
def _sc_gather(table, idx_blocks, per_w, n_chunks):
    n_rows = _NW * per_w
    group_rows = _K * _CHUNK
    n_groups = per_w // group_rows
    tail_chunks = n_chunks - n_groups * _K
    tail_rows = per_w - n_groups * group_rows
    mesh = plsc.VectorSubcoreMesh(core_axis_name="c", subcore_axis_name="s")

    @functools.partial(
        pl.kernel,
        mesh=mesh,
        out_type=jax.ShapeDtypeStruct((n_rows, _EMBED), jnp.float32),
        scratch_types=[
            pltpu.VMEM((n_chunks, _CHUNK), jnp.int32),
            pltpu.VMEM((_NBUF, group_rows, _EMBED), jnp.float32),
            pltpu.SemaphoreType.DMA,
            pltpu.SemaphoreType.DMA,
        ],
        compiler_params=pltpu.CompilerParams(use_tc_tiling_on_sc=False),
    )
    def k(table_hbm, idx_hbm, out_hbm, idx_v, rows_v, sem0, sem1):
        wid = lax.axis_index("s") * _NC + lax.axis_index("c")
        base = wid * per_w
        sems = (sem0, sem1)
        pltpu.sync_copy(idx_hbm.at[wid], idx_v)

        def fire(first_chunk, count, b):
            cps = []
            for j in range(count):
                cps.append(pltpu.async_copy(
                    table_hbm.at[idx_v.at[first_chunk + j]],
                    rows_v.at[b, pl.ds(j * _CHUNK, _CHUNK)],
                    sems[b],
                ))
            return cps

        pending = [fire(0, _K, 0), fire(_K, _K, 1)]
        for g in range(n_groups):
            b = g % _NBUF
            for cp in pending[b]:
                cp.wait()
            pltpu.sync_copy(
                rows_v.at[b],
                out_hbm.at[pl.ds(base + g * group_rows, group_rows)],
            )
            ng = g + _NBUF
            if ng < n_groups:
                pending[b] = fire(ng * _K, _K, b)
            elif ng == n_groups and tail_chunks:
                pending[b] = fire(ng * _K, tail_chunks, b)
            else:
                pending[b] = []
        if tail_chunks:
            b = n_groups % _NBUF
            for cp in pending[b]:
                cp.wait()
            pltpu.sync_copy(
                rows_v.at[b, pl.ds(0, tail_rows)],
                out_hbm.at[pl.ds(base + n_groups * group_rows, tail_rows)],
            )

    return k(table, idx_blocks)


def kernel(indices, table):
    B, L = indices.shape
    bos = jnp.full((B, 1), _BOS_IDX, jnp.int32)
    eos = jnp.full((B, 1), _EOS_IDX, jnp.int32)
    idx = jnp.concatenate([bos, indices.astype(jnp.int32), eos], axis=1)
    n_rows = B * (L + 2)
    per_w = n_rows // _NW
    n_chunks = -(-per_w // _CHUNK)
    pad = n_chunks * _CHUNK - per_w
    idx_blocks = jnp.pad(idx.reshape(_NW, per_w), ((0, 0), (0, pad)))
    idx_blocks = idx_blocks.reshape(_NW, n_chunks, _CHUNK)
    out = _sc_gather(table, idx_blocks, per_w, n_chunks)
    return out.reshape(B, L + 2, _EMBED)

# --- scband reference (transcript-rebuilt; emitter-appended) ---
"""Pipeline reference for scband-embedding-dict-62964220559700 (READ-ONLY COPY).

The authoritative reference and input builder live on the scoring server;
editing this copy changes nothing except your own understanding.
"""

import jax, jax.numpy as jnp
import numpy as np

VOCAB = 1000000
UNK_IDX = 1000000
BOS_IDX = 1000001
EOS_IDX = 1000002
TABLE_ROWS = 1000003
EMBED = 64
B = 1024
L = 200


def setup_inputs(seed: int = 0) -> dict:
    key = jax.random.key(seed)
    k1, k2 = jax.random.split(key)
    indices = jax.random.randint(k1, (B, L), 0, VOCAB, dtype=jnp.int64 if jax.config.jax_enable_x64 else jnp.int32)
    table = jax.random.normal(k2, (TABLE_ROWS, EMBED), dtype=jnp.float32) * 0.02
    return {"indices": indices, "table": table}


def reference(indices, table):
    # Faithful tensorized version of EmbeddingDict.forward:
    # each sequence gets a BOS embedding prepended and an EOS embedding appended,
    # interior positions are plain embedding lookups (unk already folded into indices),
    # then sequences are padded to a common max length (all equal here -> [B, L+2, d]).
    mid = jnp.take(table, indices, axis=0)                       # [B, L, d] gather
    bos = jnp.broadcast_to(table[BOS_IDX], (indices.shape[0], 1, EMBED))
    eos = jnp.broadcast_to(table[EOS_IDX], (indices.shape[0], 1, EMBED))
    embedded = jnp.concatenate([bos, mid, eos], axis=1)          # [B, L+2, d]
    return embedded

if __name__ == "__main__":
    import jax
    _d = setup_inputs()
    print(jax.jit(kernel)(*tuple(_d.values())))

</pallas_src>

<mosaic_0001>
#map = affine_map<(d0, d1) -> (0, 0)>
#map1 = affine_map<(d0, d1) -> (0, 0, 0)>
module attributes {stable_mosaic.version = 14 : i64} {
  func.func @k(%arg0: i32, %arg1: i32, %arg2: memref<1000003x64xf32, #tpu.memory_space<hbm>>, %arg3: memref<32x51x128xi32, #tpu.memory_space<hbm>>, %arg4: memref<206848x64xf32, #tpu.memory_space<hbm>>, %arg5: memref<51x128xi32, #tpu.memory_space<vmem>>, %arg6: memref<2x896x64xf32, #tpu.memory_space<vmem>>, %arg7: memref<!tpu.dma_semaphore, #tpu.memory_space<semaphore_mem>>, %arg8: memref<!tpu.dma_semaphore, #tpu.memory_space<semaphore_mem>>) attributes {dimension_semantics = [#tpu.dimension_semantics<core_parallel>, #tpu.dimension_semantics<subcore_parallel>], iteration_bounds = array<i64: 2, 16>, scalar_prefetch = 0 : i64, scratch_operands = 4 : i64, tpu.core_type = #tpu.core_type<sc_vector_subcore>, window_params = [{transform_indices = #map}, {transform_indices = #map1}, {transform_indices = #map}]} {
    %mul3A = arith.constant 2 : i32
    %mul3A_0 = arith.muli %arg1, %mul3A : i32
    %add3A = arith.addi %mul3A_0, %arg0 : i32
    %mul3A_1 = arith.constant 6464 : i32
    %mul3A_2 = arith.muli %add3A, %mul3A_1 : i32
    "tpu.region"() ({
      %run_scoped3A_1248 = tpu.sem_alloc : memref<!tpu.dma_semaphore, #tpu.memory_space<semaphore_mem>>
      %dma_start3A_1249 = arith.constant 0 : i32
      %dma_start3A_1250 = arith.constant 0 : i32
      %dma_start3A_1251 = tpu.memref_slice %arg3[%add3A, %dma_start3A_1249, %dma_start3A_1250] : memref<32x51x128xi32, #tpu.memory_space<hbm>> -> memref<1x51x128xi32, #tpu.memory_space<hbm>>
      %dma_start3A_1252 = tpu.memref_squeeze %dma_start3A_1251 : memref<1x51x128xi32, #tpu.memory_space<hbm>> -> memref<51x128xi32, #tpu.memory_space<hbm>>
      %dma_start3A_1253 = arith.constant 0 : i32
      %dma_start3A_1254 = arith.constant 0 : i32
      %dma_start3A_1255 = tpu.memref_slice %arg3[%add3A, %dma_start3A_1253, %dma_start3A_1254] : memref<32x51x128xi32, #tpu.memory_space<hbm>> -> memref<1x51x128xi32, #tpu.memory_space<hbm>>
      %dma_start3A_1256 = tpu.memref_squeeze %dma_start3A_1255 : memref<1x51x128xi32, #tpu.memory_space<hbm>> -> memref<51x128xi32, #tpu.memory_space<hbm>>
      tpu.enqueue_dma source(%dma_start3A_1256 : memref<51x128xi32, #tpu.memory_space<hbm>>) target(%arg5 : memref<51x128xi32, #tpu.memory_space<vmem>>) target_semaphore(%run_scoped3A_1248 : memref<!tpu.dma_semaphore, #tpu.memory_space<semaphore_mem>>)
      %dma_wait3A_1257 = arith.constant 0 : i32
      %dma_wait3A_1258 = arith.constant 0 : i32
      %dma_wait3A_1259 = tpu.memref_slice %arg3[%add3A, %dma_wait3A_1257, %dma_wait3A_1258] : memref<32x51x128xi32, #tpu.memory_space<hbm>> -> memref<1x51x128xi32, #tpu.memory_space<hbm>>
      %dma_wait3A_1260 = tpu.memref_squeeze %dma_wait3A_1259 : memref<1x51x128xi32, #tpu.memory_space<hbm>> -> memref<51x128xi32, #tpu.memory_space<hbm>>
      %dma_wait3A_1261 = arith.constant 0 : i32
      %dma_wait3A_1262 = arith.constant 0 : i32
      %dma_wait3A_1263 = tpu.memref_slice %arg3[%add3A, %dma_wait3A_1261, %dma_wait3A_1262] : memref<32x51x128xi32, #tpu.memory_space<hbm>> -> memref<1x51x128xi32, #tpu.memory_space<hbm>>
      %dma_wait3A_1264 = tpu.memref_squeeze %dma_wait3A_1263 : memref<1x51x128xi32, #tpu.memory_space<hbm>> -> memref<51x128xi32, #tpu.memory_space<hbm>>
      tpu.wait_dma2 semaphore(%run_scoped3A_1248 : memref<!tpu.dma_semaphore, #tpu.memory_space<semaphore_mem>>) src(%dma_wait3A_1264 : memref<51x128xi32, #tpu.memory_space<hbm>>) dst(%arg5 : memref<51x128xi32, #tpu.memory_space<vmem>>)
      tpu.yield
    }) : () -> ()
    %dma_start3A = arith.constant 0 : i32
    %dma_start3A_3 = arith.constant 0 : i32
    %dma_start3A_4 = arith.constant 0 : i32
    %dma_start3A_5 = arith.constant 0 : i32
    %dma_start3A_6 = tpu.memref_slice %arg6[%dma_start3A_3, %dma_start3A_4, %dma_start3A_5] : memref<2x896x64xf32, #tpu.memory_space<vmem>> -> memref<1x128x64xf32, #tpu.memory_space<vmem>>
    %dma_start3A_7 = tpu.memref_squeeze %dma_start3A_6 : memref<1x128x64xf32, #tpu.memory_space<vmem>> -> memref<128x64xf32, #tpu.memory_space<vmem>>
    %dma_start3A_8 = arith.constant 0 : i32
    %dma_start3A_9 = tpu.memref_slice %arg5[%dma_start3A, %dma_start3A_8] : memref<51x128xi32, #tpu.memory_space<vmem>> -> memref<1x128xi32, #tpu.memory_space<vmem>>
    %dma_start3A_10 = tpu.memref_squeeze %dma_start3A_9 : memref<1x128xi32, #tpu.memory_space<vmem>> -> memref<128xi32, #tpu.memory_space<vmem>>
    %dma_start3A_11 = arith.constant 0 : i32
    %dma_start3A_12 = arith.constant 0 : i32
    %dma_start3A_13 = tpu.memref_slice %arg2[%dma_start3A_11, %dma_start3A_12] : memref<1000003x64xf32, #tpu.memory_space<hbm>> -> memref<1000003x64xf32, #tpu.memory_space<hbm>>
    tpu.enqueue_indirect_dma source(%dma_start3A_13 : memref<1000003x64xf32, #tpu.memory_space<hbm>>) target(%dma_start3A_7 : memref<128x64xf32, #tpu.memory_space<vmem>>) offsets(%dma_start3A_10 : memref<128xi32, #tpu.memory_space<vmem>>) semaphore(%arg7 : memref<!tpu.dma_semaphore, #tpu.memory_space<semaphore_mem>>)
    %dma_start3A_14 = arith.constant 1 : i32
    %dma_start3A_15 = arith.constant 0 : i32
    %dma_start3A_16 = arith.constant 128 : i32
    %dma_start3A_17 = arith.constant 0 : i32
    %dma_start3A_18 = tpu.memref_slice %arg6[%dma_start3A_15, %dma_start3A_16, %dma_start3A_17] : memref<2x896x64xf32, #tpu.memory_space<vmem>> -> memref<1x128x64xf32, #tpu.memory_space<vmem>>
    %dma_start3A_19 = tpu.memref_squeeze %dma_start3A_18 : memref<1x128x64xf32, #tpu.memory_space<vmem>> -> memref<128x64xf32, #tpu.memory_space<vmem>>
    %dma_start3A_20 = arith.constant 0 : i32
    %dma_start3A_21 = tpu.memref_slice %arg5[%dma_start3A_14, %dma_start3A_20] : memref<51x128xi32, #tpu.memory_space<vmem>> -> memref<1x128xi32, #tpu.memory_space<vmem>>
    %dma_start3A_22 = tpu.memref_squeeze %dma_start3A_21 : memref<1x128xi32, #tpu.memory_space<vmem>> -> memref<128xi32, #tpu.memory_space<vmem>>
    %dma_start3A_23 = arith.constant 0 : i32
    %dma_start3A_24 = arith.constant 0 : i32
    %dma_start3A_25 = tpu.memref_slice %arg2[%dma_start3A_23, %dma_start3A_24] : memref<1000003x64xf32, #tpu.memory_space<hbm>> -> memref<1000003x64xf32, #tpu.memory_space<hbm>>
    tpu.enqueue_indirect_dma source(%dma_start3A_25 : memref<1000003x64xf32, #tpu.memory_space<hbm>>) target(%dma_start3A_19 : memref<128x64xf32, #tpu.memory_space<vmem>>) offsets(%dma_start3A_22 : memref<128xi32, #tpu.memory_space<vmem>>) semaphore(%arg7 : memref<!tpu.dma_semaphore, #tpu.memory_space<semaphore_mem>>)
    %dma_start3A_26 = arith.constant 2 : i32
    %dma_start3A_27 = arith.constant 0 : i32
    %dma_start3A_28 = arith.constant 256 : i32
    %dma_start3A_29 = arith.constant 0 : i32
    %dma_start3A_30 = tpu.memref_slice %arg6[%dma_start3A_27, %dma_start3A_28, %dma_start3A_29] : memref<2x896x64xf32, #tpu.memory_space<vmem>> -> memref<1x128x64xf32, #tpu.memory_space<vmem>>
    %dma_start3A_31 = tpu.memref_squeeze %dma_start3A_30 : memref<1x128x64xf32, #tpu.memory_space<vmem>> -> memref<128x64xf32, #tpu.memory_space<vmem>>
    %dma_start3A_32 = arith.constant 0 : i32
    %dma_start3A_33 = tpu.memref_slice %arg5[%dma_start3A_26, %dma_start3A_32] : memref<51x128xi32, #tpu.memory_space<vmem>> -> memref<1x128xi32, #tpu.memory_space<vmem>>
    %dma_start3A_34 = tpu.memref_squeeze %dma_start3A_33 : memref<1x128xi32, #tpu.memory_space<vmem>> -> memref<128xi32, #tpu.memory_space<vmem>>
    %dma_start3A_35 = arith.constant 0 : i32
    %dma_start3A_36 = arith.constant 0 : i32
    %dma_start3A_37 = tpu.memref_slice %arg2[%dma_start3A_35, %dma_start3A_36] : memref<1000003x64xf32, #tpu.memory_space<hbm>> -> memref<1000003x64xf32, #tpu.memory_space<hbm>>
    tpu.enqueue_indirect_dma source(%dma_start3A_37 : memref<1000003x64xf32, #tpu.memory_space<hbm>>) target(%dma_start3A_31 : memref<128x64xf32, #tpu.memory_space<vmem>>) offsets(%dma_start3A_34 : memref<128xi32, #tpu.memory_space<vmem>>) semaphore(%arg7 : memref<!tpu.dma_semaphore, #tpu.memory_space<semaphore_mem>>)
    %dma_start3A_38 = arith.constant 3 : i32
    %dma_start3A_39 = arith.constant 0 : i32
    %dma_start3A_40 = arith.constant 384 : i32
    %dma_start3A_41 = arith.constant 0 : i32
    %dma_start3A_42 = tpu.memref_slice %arg6[%dma_start3A_39, %dma_start3A_40, %dma_start3A_41] : memref<2x896x64xf32, #tpu.memory_space<vmem>> -> memref<1x128x64xf32, #tpu.memory_space<vmem>>
    %dma_start3A_43 = tpu.memref_squeeze %dma_start3A_42 : memref<1x128x64xf32, #tpu.memory_space<vmem>> -> memref<128x64xf32, #tpu.memory_space<vmem>>
    %dma_start3A_44 = arith.constant 0 : i32
    %dma_start3A_45 = tpu.memref_slice %arg5[%dma_start3A_38, %dma_start3A_44] : memref<51x128xi32, #tpu.memory_space<vmem>> -> memref<1x128xi32, #tpu.memory_space<vmem>>
    %dma_start3A_46 = tpu.memref_squeeze %dma_start3A_45 : memref<1x128xi32, #tpu.memory_space<vmem>> -> memref<128xi32, #tpu.memory_space<vmem>>
    %dma_start3A_47 = arith.constant 0 : i32
    %dma_start3A_48 = arith.constant 0 : i32
    %dma_start3A_49 = tpu.memref_slice %arg2[%dma_start3A_47, %dma_start3A_48] : memref<1000003x64xf32, #tpu.memory_space<hbm>> -> memref<1000003x64xf32, #tpu.memory_space<hbm>>
    tpu.enqueue_indirect_dma source(%dma_start3A_49 : memref<1000003x64xf32, #tpu.memory_space<hbm>>) target(%dma_start3A_43 : memref<128x64xf32, #tpu.memory_space<vmem>>) offsets(%dma_start3A_46 : memref<128xi32, #tpu.memory_space<vmem>>) semaphore(%arg7 : memref<!tpu.dma_semaphore, #tpu.memory_space<semaphore_mem>>)
    %dma_start3A_50 = arith.constant 4 : i32
    %dma_start3A_51 = arith.constant 0 : i32
    %dma_start3A_52 = arith.constant 512 : i32
    %dma_start3A_53 = arith.constant 0 : i32
    %dma_start3A_54 = tpu.memref_slice %arg6[%dma_start3A_51, %dma_start3A_52, %dma_start3A_53] : memref<2x896x64xf32, #tpu.memory_space<vmem>> -> memref<1x128x64xf32, #tpu.memory_space<vmem>>
    %dma_start3A_55 = tpu.memref_squeeze %dma_start3A_54 : memref<1x128x64xf32, #tpu.memory_space<vmem>> -> memref<128x64xf32, #tpu.memory_space<vmem>>
    %dma_start3A_56 = arith.constant 0 : i32
    %dma_start3A_57 = tpu.memref_slice %arg5[%dma_start3A_50, %dma_start3A_56] : memref<51x128xi32, #tpu.memory_space<vmem>> -> memref<1x128xi32, #tpu.memory_space<vmem>>
    %dma_start3A_58 = tpu.memref_squeeze %dma_start3A_57 : memref<1x128xi32, #tpu.memory_space<vmem>> -> memref<128xi32, #tpu.memory_space<vmem>>
    %dma_start3A_59 = arith.constant 0 : i32
    %dma_start3A_60 = arith.constant 0 : i32
    %dma_start3A_61 = tpu.memref_slice %arg2[%dma_start3A_59, %dma_start3A_60] : memref<1000003x64xf32, #tpu.memory_space<hbm>> -> memref<1000003x64xf32, #tpu.memory_space<hbm>>
    tpu.enqueue_indirect_dma source(%dma_start3A_61 : memref<1000003x64xf32, #tpu.memory_space<hbm>>) target(%dma_start3A_55 : memref<128x64xf32, #tpu.memory_space<vmem>>) offsets(%dma_start3A_58 : memref<128xi32, #tpu.memory_space<vmem>>) semaphore(%arg7 : memref<!tpu.dma_semaphore, #tpu.memory_space<semaphore_mem>>)
    %dma_start3A_62 = arith.constant 5 : i32
    %dma_start3A_63 = arith.constant 0 : i32
    %dma_start3A_64 = arith.constant 640 : i32
    %dma_start3A_65 = arith.constant 0 : i32
    %dma_start3A_66 = tpu.memref_slice %arg6[%dma_start3A_63, %dma_start3A_64, %dma_start3A_65] : memref<2x896x64xf32, #tpu.memory_space<vmem>> -> memref<1x128x64xf32, #tpu.memory_space<vmem>>
    %dma_start3A_67 = tpu.memref_squeeze %dma_start3A_66 : memref<1x128x64xf32, #tpu.memory_space<vmem>> -> memref<128x64xf32, #tpu.memory_space<vmem>>
    %dma_start3A_68 = arith.constant 0 : i32
    %dma_start3A_69 = tpu.memref_slice %arg5[%dma_start3A_62, %dma_start3A_68] : memref<51x128xi32, #tpu.memory_space<vmem>> -> memref<1x128xi32, #tpu.memory_space<vmem>>
    %dma_start3A_70 = tpu.memref_squeeze %dma_start3A_69 : memref<1x128xi32, #tpu.memory_space<vmem>> -> memref<128xi32, #tpu.memory_space<vmem>>
    %dma_start3A_71 = arith.constant 0 : i32
    %dma_start3A_72 = arith.constant 0 : i32
    %dma_start3A_73 = tpu.memref_slice %arg2[%dma_start3A_71, %dma_start3A_72] : memref<1000003x64xf32, #tpu.memory_space<hbm>> -> memref<1000003x64xf32, #tpu.memory_space<hbm>>
    tpu.enqueue_indirect_dma source(%dma_start3A_73 : memref<1000003x64xf32, #tpu.memory_space<hbm>>) target(%dma_start3A_67 : memref<128x64xf32, #tpu.memory_space<vmem>>) offsets(%dma_start3A_70 : memref<128xi32, #tpu.memory_space<vmem>>) semaphore(%arg7 : memref<!tpu.dma_semaphore, #tpu.memory_space<semaphore_mem>>)
    %dma_start3A_74 = arith.constant 6 : i32
    %dma_start3A_75 = arith.constant 0 : i32
    %dma_start3A_76 = arith.constant 768 : i32
    %dma_start3A_77 = arith.constant 0 : i32
    %dma_start3A_78 = tpu.memref_slice %arg6[%dma_start3A_75, %dma_start3A_76, %dma_start3A_77] : memref<2x896x64xf32, #tpu.memory_space<vmem>> -> memref<1x128x64xf32, #tpu.memory_space<vmem>>
    %dma_start3A_79 = tpu.memref_squeeze %dma_start3A_78 : memref<1x128x64xf32, #tpu.memory_space<vmem>> -> memref<128x64xf32, #tpu.memory_space<vmem>>
    %dma_start3A_80 = arith.constant 0 : i32
    %dma_start3A_81 = tpu.memref_slice %arg5[%dma_start3A_74, %dma_start3A_80] : memref<51x128xi32, #tpu.memory_space<vmem>> -> memref<1x128xi32, #tpu.memory_space<vmem>>
    %dma_start3A_82 = tpu.memref_squeeze %dma_start3A_81 : memref<1x128xi32, #tpu.memory_space<vmem>> -> memref<128xi32, #tpu.memory_space<vmem>>
    %dma_start3A_83 = arith.constant 0 : i32
    %dma_start3A_84 = arith.constant 0 : i32
    %dma_start3A_85 = tpu.memref_slice %arg2[%dma_start3A_83, %dma_start3A_84] : memref<1000003x64xf32, #tpu.memory_space<hbm>> -> memref<1000003x64xf32, #tpu.memory_space<hbm>>
    tpu.enqueue_indirect_dma source(%dma_start3A_85 : memref<1000003x64xf32, #tpu.memory_space<hbm>>) target(%dma_start3A_79 : memref<128x64xf32, #tpu.memory_space<vmem>>) offsets(%dma_start3A_82 : memref<128xi32, #tpu.memory_space<vmem>>) semaphore(%arg7 : memref<!tpu.dma_semaphore, #tpu.memory_space<semaphore_mem>>)
    %dma_start3A_86 = arith.constant 7 : i32
    %dma_start3A_87 = arith.constant 1 : i32
    %dma_start3A_88 = arith.constant 0 : i32
    %dma_start3A_89 = arith.constant 0 : i32
    %dma_start3A_90 = tpu.memref_slice %arg6[%dma_start3A_87, %dma_start3A_88, %dma_start3A_89] : memref<2x896x64xf32, #tpu.memory_space<vmem>> -> memref<1x128x64xf32, #tpu.memory_space<vmem>>
    %dma_start3A_91 = tpu.memref_squeeze %dma_start3A_90 : memref<1x128x64xf32, #tpu.memory_space<vmem>> -> memref<128x64xf32, #tpu.memory_space<vmem>>
    %dma_start3A_92 = arith.constant 0 : i32
    %dma_start3A_93 = tpu.memref_slice %arg5[%dma_start3A_86, %dma_start3A_92] : memref<51x128xi32, #tpu.memory_space<vmem>> -> memref<1x128xi32, #tpu.memory_space<vmem>>
    %dma_start3A_94 = tpu.memref_squeeze %dma_start3A_93 : memref<1x128xi32, #tpu.memory_space<vmem>> -> memref<128xi32, #tpu.memory_space<vmem>>
    %dma_start3A_95 = arith.constant 0 : i32
    %dma_start3A_96 = arith.constant 0 : i32
    %dma_start3A_97 = tpu.memref_slice %arg2[%dma_start3A_95, %dma_start3A_96] : memref<1000003x64xf32, #tpu.memory_space<hbm>> -> memref<1000003x64xf32, #tpu.memory_space<hbm>>
    tpu.enqueue_indirect_dma source(%dma_start3A_97 : memref<1000003x64xf32, #tpu.memory_space<hbm>>) target(%dma_start3A_91 : memref<128x64xf32, #tpu.memory_space<vmem>>) offsets(%dma_start3A_94 : memref<128xi32, #tpu.memory_space<vmem>>) semaphore(%arg8 : memref<!tpu.dma_semaphore, #tpu.memory_space<semaphore_mem>>)
    %dma_start3A_98 = arith.constant 8 : i32
    %dma_start3A_99 = arith.constant 1 : i32
    %dma_start3A_100 = arith.constant 128 : i32
    %dma_start3A_101 = arith.constant 0 : i32
    %dma_start3A_102 = tpu.memref_slice %arg6[%dma_start3A_99, %dma_start3A_100, %dma_start3A_101] : memref<2x896x64xf32, #tpu.memory_space<vmem>> -> memref<1x128x64xf32, #tpu.memory_space<vmem>>
    %dma_start3A_103 = tpu.memref_squeeze %dma_start3A_102 : memref<1x128x64xf32, #tpu.memory_space<vmem>> -> memref<128x64xf32, #tpu.memory_space<vmem>>
    %dma_start3A_104 = arith.constant 0 : i32
    %dma_start3A_105 = tpu.memref_slice %arg5[%dma_start3A_98, %dma_start3A_104] : memref<51x128xi32, #tpu.memory_space<vmem>> -> memref<1x128xi32, #tpu.memory_space<vmem>>
    %dma_start3A_106 = tpu.memref_squeeze %dma_start3A_105 : memref<1x128xi32, #tpu.memory_space<vmem>> -> memref<128xi32, #tpu.memory_space<vmem>>
    %dma_start3A_107 = arith.constant 0 : i32
    %dma_start3A_108 = arith.constant 0 : i32
    %dma_start3A_109 = tpu.memref_slice %arg2[%dma_start3A_107, %dma_start3A_108] : memref<1000003x64xf32, #tpu.memory_space<hbm>> -> memref<1000003x64xf32, #tpu.memory_space<hbm>>
    tpu.enqueue_indirect_dma source(%dma_start3A_109 : memref<1000003x64xf32, #tpu.memory_space<hbm>>) target(%dma_start3A_103 : memref<128x64xf32, #tpu.memory_space<vmem>>) offsets(%dma_start3A_106 : memref<128xi32, #tpu.memory_space<vmem>>) semaphore(%arg8 : memref<!tpu.dma_semaphore, #tpu.memory_space<semaphore_mem>>)
    %dma_start3A_110 = arith.constant 9 : i32
    %dma_start3A_111 = arith.constant 1 : i32
    %dma_start3A_112 = arith.constant 256 : i32
    %dma_start3A_113 = arith.constant 0 : i32
    %dma_start3A_114 = tpu.memref_slice %arg6[%dma_start3A_111, %dma_start3A_112, %dma_start3A_113] : memref<2x896x64xf32, #tpu.memory_space<vmem>> -> memref<1x128x64xf32, #tpu.memory_space<vmem>>
    %dma_start3A_115 = tpu.memref_squeeze %dma_start3A_114 : memref<1x128x64xf32, #tpu.memory_space<vmem>> -> memref<128x64xf32, #tpu.memory_space<vmem>>
    %dma_start3A_116 = arith.constant 0 : i32
    %dma_start3A_117 = tpu.memref_slice %arg5[%dma_start3A_110, %dma_start3A_116] : memref<51x128xi32, #tpu.memory_space<vmem>> -> memref<1x128xi32, #tpu.memory_space<vmem>>
    %dma_start3A_118 = tpu.memref_squeeze %dma_start3A_117 : memref<1x128xi32, #tpu.memory_space<vmem>> -> memref<128xi32, #tpu.memory_space<vmem>>
    %dma_start3A_119 = arith.constant 0 : i32
    %dma_start3A_120 = arith.constant 0 : i32
    %dma_start3A_121 = tpu.memref_slice %arg2[%dma_start3A_119, %dma_start3A_120] : memref<1000003x64xf32, #tpu.memory_space<hbm>> -> memref<1000003x64xf32, #tpu.memory_space<hbm>>
    tpu.enqueue_indirect_dma source(%dma_start3A_121 : memref<1000003x64xf32, #tpu.memory_space<hbm>>) target(%dma_start3A_115 : memref<128x64xf32, #tpu.memory_space<vmem>>) offsets(%dma_start3A_118 : memref<128xi32, #tpu.memory_space<vmem>>) semaphore(%arg8 : memref<!tpu.dma_semaphore, #tpu.memory_space<semaphore_mem>>)
    %dma_start3A_122 = arith.constant 10 : i32
    %dma_start3A_123 = arith.constant 1 : i32
    %dma_start3A_124 = arith.constant 384 : i32
    %dma_start3A_125 = arith.constant 0 : i32
    %dma_start3A_126 = tpu.memref_slice %arg6[%dma_start3A_123, %dma_start3A_124, %dma_start3A_125] : memref<2x896x64xf32, #tpu.memory_space<vmem>> -> memref<1x128x64xf32, #tpu.memory_space<vmem>>
    %dma_start3A_127 = tpu.memref_squeeze %dma_start3A_126 : memref<1x128x64xf32, #tpu.memory_space<vmem>> -> memref<128x64xf32, #tpu.memory_space<vmem>>
    %dma_start3A_128 = arith.constant 0 : i32
    %dma_start3A_129 = tpu.memref_slice %arg5[%dma_start3A_122, %dma_start3A_128] : memref<51x128xi32, #tpu.memory_space<vmem>> -> memref<1x128xi32, #tpu.memory_space<vmem>>
    %dma_start3A_130 = tpu.memref_squeeze %dma_start3A_129 : memref<1x128xi32, #tpu.memory_space<vmem>> -> memref<128xi32, #tpu.memory_space<vmem>>
    %dma_start3A_131 = arith.constant 0 : i32
    %dma_start3A_132 = arith.constant 0 : i32
    %dma_start3A_133 = tpu.memref_slice %arg2[%dma_start3A_131, %dma_start3A_132] : memref<1000003x64xf32, #tpu.memory_space<hbm>> -> memref<1000003x64xf32, #tpu.memory_space<hbm>>
    tpu.enqueue_indirect_dma source(%dma_start3A_133 : memref<1000003x64xf32, #tpu.memory_space<hbm>>) target(%dma_start3A_127 : memref<128x64xf32, #tpu.memory_space<vmem>>) offsets(%dma_start3A_130 : memref<128xi32, #tpu.memory_space<vmem>>) semaphore(%arg8 : memref<!tpu.dma_semaphore, #tpu.memory_space<semaphore_mem>>)
    %dma_start3A_134 = arith.constant 11 : i32
    %dma_start3A_135 = arith.constant 1 : i32
    %dma_start3A_136 = arith.constant 512 : i32
    %dma_start3A_137 = arith.constant 0 : i32
    %dma_start3A_138 = tpu.memref_slice %arg6[%dma_start3A_135, %dma_start3A_136, %dma_start3A_137] : memref<2x896x64xf32, #tpu.memory_space<vmem>> -> memref<1x128x64xf32, #tpu.memory_space<vmem>>
    %dma_start3A_139 = tpu.memref_squeeze %dma_start3A_138 : memref<1x128x64xf32, #tpu.memory_space<vmem>> -> memref<128x64xf32, #tpu.memory_space<vmem>>
    %dma_start3A_140 = arith.constant 0 : i32
    %dma_start3A_141 = tpu.memref_slice %arg5[%dma_start3A_134, %dma_start3A_140] : memref<51x128xi32, #tpu.memory_space<vmem>> -> memref<1x128xi32, #tpu.memory_space<vmem>>
    %dma_start3A_142 = tpu.memref_squeeze %dma_start3A_141 : memref<1x128xi32, #tpu.memory_space<vmem>> -> memref<128xi32, #tpu.memory_space<vmem>>
    %dma_start3A_143 = arith.constant 0 : i32
    %dma_start3A_144 = arith.constant 0 : i32
    %dma_start3A_145 = tpu.memref_slice %arg2[%dma_start3A_143, %dma_start3A_144] : memref<1000003x64xf32, #tpu.memory_space<hbm>> -> memref<1000003x64xf32, #tpu.memory_space<hbm>>
    tpu.enqueue_indirect_dma source(%dma_start3A_145 : memref<1000003x64xf32, #tpu.memory_space<hbm>>) target(%dma_start3A_139 : memref<128x64xf32, #tpu.memory_space<vmem>>) offsets(%dma_start3A_142 : memref<128xi32, #tpu.memory_space<vmem>>) semaphore(%arg8 : memref<!tpu.dma_semaphore, #tpu.memory_space<semaphore_mem>>)
    %dma_start3A_146 = arith.constant 12 : i32
    %dma_start3A_147 = arith.constant 1 : i32
    %dma_start3A_148 = arith.constant 640 : i32
    %dma_start3A_149 = arith.constant 0 : i32
    %dma_start3A_150 = tpu.memref_slice %arg6[%dma_start3A_147, %dma_start3A_148, %dma_start3A_149] : memref<2x896x64xf32, #tpu.memory_space<vmem>> -> memref<1x128x64xf32, #tpu.memory_space<vmem>>
    %dma_start3A_151 = tpu.memref_squeeze %dma_start3A_150 : memref<1x128x64xf32, #tpu.memory_space<vmem>> -> memref<128x64xf32, #tpu.memory_space<vmem>>
    %dma_start3A_152 = arith.constant 0 : i32
    %dma_start3A_153 = tpu.memref_slice %arg5[%dma_start3A_146, %dma_start3A_152] : memref<51x128xi32, #tpu.memory_space<vmem>> -> memref<1x128xi32, #tpu.memory_space<vmem>>
    %dma_start3A_154 = tpu.memref_squeeze %dma_start3A_153 : memref<1x128xi32, #tpu.memory_space<vmem>> -> memref<128xi32, #tpu.memory_space<vmem>>
    %dma_start3A_155 = arith.constant 0 : i32
    %dma_start3A_156 = arith.constant 0 : i32
    %dma_start3A_157 = tpu.memref_slice %arg2[%dma_start3A_155, %dma_start3A_156] : memref<1000003x64xf32, #tpu.memory_space<hbm>> -> memref<1000003x64xf32, #tpu.memory_space<hbm>>
    tpu.enqueue_indirect_dma source(%dma_start3A_157 : memref<1000003x64xf32, #tpu.memory_space<hbm>>) target(%dma_start3A_151 : memref<128x64xf32, #tpu.memory_space<vmem>>) offsets(%dma_start3A_154 : memref<128xi32, #tpu.memory_space<vmem>>) semaphore(%arg8 : memref<!tpu.dma_semaphore, #tpu.memory_space<semaphore_mem>>)
    %dma_start3A_158 = arith.constant 13 : i32
    %dma_start3A_159 = arith.constant 1 : i32
    %dma_start3A_160 = arith.constant 768 : i32
    %dma_start3A_161 = arith.constant 0 : i32
    %dma_start3A_162 = tpu.memref_slice %arg6[%dma_start3A_159, %dma_start3A_160, %dma_start3A_161] : memref<2x896x64xf32, #tpu.memory_space<vmem>> -> memref<1x128x64xf32, #tpu.memory_space<vmem>>
    %dma_start3A_163 = tpu.memref_squeeze %dma_start3A_162 : memref<1x128x64xf32, #tpu.memory_space<vmem>> -> memref<128x64xf32, #tpu.memory_space<vmem>>
    %dma_start3A_164 = arith.constant 0 : i32
    %dma_start3A_165 = tpu.memref_slice %arg5[%dma_start3A_158, %dma_start3A_164] : memref<51x128xi32, #tpu.memory_space<vmem>> -> memref<1x128xi32, #tpu.memory_space<vmem>>
    %dma_start3A_166 = tpu.memref_squeeze %dma_start3A_165 : memref<1x128xi32, #tpu.memory_space<vmem>> -> memref<128xi32, #tpu.memory_space<vmem>>
    %dma_start3A_167 = arith.constant 0 : i32
    %dma_start3A_168 = arith.constant 0 : i32
    %dma_start3A_169 = tpu.memref_slice %arg2[%dma_start3A_167, %dma_start3A_168] : memref<1000003x64xf32, #tpu.memory_space<hbm>> -> memref<1000003x64xf32, #tpu.memory_space<hbm>>
    tpu.enqueue_indirect_dma source(%dma_start3A_169 : memref<1000003x64xf32, #tpu.memory_space<hbm>>) target(%dma_start3A_163 : memref<128x64xf32, #tpu.memory_space<vmem>>) offsets(%dma_start3A_166 : memref<128xi32, #tpu.memory_space<vmem>>) semaphore(%arg8 : memref<!tpu.dma_semaphore, #tpu.memory_space<semaphore_mem>>)
    %dma_wait3A = arith.constant 0 : i32
    %dma_wait3A_170 = arith.constant 0 : i32
    %dma_wait3A_171 = arith.constant 0 : i32
    %dma_wait3A_172 = arith.constant 0 : i32
    %dma_wait3A_173 = tpu.memref_slice %arg6[%dma_wait3A_170, %dma_wait3A_171, %dma_wait3A_172] : memref<2x896x64xf32, #tpu.memory_space<vmem>> -> memref<1x128x64xf32, #tpu.memory_space<vmem>>
    %dma_wait3A_174 = tpu.memref_squeeze %dma_wait3A_173 : memref<1x128x64xf32, #tpu.memory_space<vmem>> -> memref<128x64xf32, #tpu.memory_space<vmem>>
    %dma_wait3A_175 = arith.constant 0 : i32
    %dma_wait3A_176 = tpu.memref_slice %arg5[%dma_wait3A, %dma_wait3A_175] : memref<51x128xi32, #tpu.memory_space<vmem>> -> memref<1x128xi32, #tpu.memory_space<vmem>>
    %dma_wait3A_177 = tpu.memref_squeeze %dma_wait3A_176 : memref<1x128xi32, #tpu.memory_space<vmem>> -> memref<128xi32, #tpu.memory_space<vmem>>
    %dma_wait3A_178 = arith.constant 0 : i32
    %dma_wait3A_179 = arith.constant 0 : i32
    %dma_wait3A_180 = tpu.memref_slice %arg2[%dma_wait3A_178, %dma_wait3A_179] : memref<1000003x64xf32, #tpu.memory_space<hbm>> -> memref<1000003x64xf32, #tpu.memory_space<hbm>>
    tpu.wait_indirect_dma semaphore(%arg7 : memref<!tpu.dma_semaphore, #tpu.memory_space<semaphore_mem>>) src(%dma_wait3A_180 : memref<1000003x64xf32, #tpu.memory_space<hbm>>) dst(%dma_wait3A_174 : memref<128x64xf32, #tpu.memory_space<vmem>>)
    %dma_wait3A_181 = arith.constant 1 : i32
    %dma_wait3A_182 = arith.constant 0 : i32
    %dma_wait3A_183 = arith.constant 128 : i32
    %dma_wait3A_184 = arith.constant 0 : i32
    %dma_wait3A_185 = tpu.memref_slice %arg6[%dma_wait3A_182, %dma_wait3A_183, %dma_wait3A_184] : memref<2x896x64xf32, #tpu.memory_space<vmem>> -> memref<1x128x64xf32, #tpu.memory_space<vmem>>
    %dma_wait3A_186 = tpu.memref_squeeze %dma_wait3A_185 : memref<1x128x64xf32, #tpu.memory_space<vmem>> -> memref<128x64xf32, #tpu.memory_space<vmem>>
    %dma_wait3A_187 = arith.constant 0 : i32
    %dma_wait3A_188 = tpu.memref_slice %arg5[%dma_wait3A_181, %dma_wait3A_187] : memref<51x128xi32, #tpu.memory_space<vmem>> -> memref<1x128xi32, #tpu.memory_space<vmem>>
    %dma_wait3A_189 = tpu.memref_squeeze %dma_wait3A_188 : memref<1x128xi32, #tpu.memory_space<vmem>> -> memref<128xi32, #tpu.memory_space<vmem>>
    %dma_wait3A_190 = arith.constant 0 : i32
    %dma_wait3A_191 = arith.constant 0 : i32
    %dma_wait3A_192 = tpu.memref_slice %arg2[%dma_wait3A_190, %dma_wait3A_191] : memref<1000003x64xf32, #tpu.memory_space<hbm>> -> memref<1000003x64xf32, #tpu.memory_space<hbm>>
    tpu.wait_indirect_dma semaphore(%arg7 : memref<!tpu.dma_semaphore, #tpu.memory_space<semaphore_mem>>) src(%dma_wait3A_192 : memref<1000003x64xf32, #tpu.memory_space<hbm>>) dst(%dma_wait3A_186 : memref<128x64xf32, #tpu.memory_space<vmem>>)
    %dma_wait3A_193 = arith.constant 2 : i32
    %dma_wait3A_194 = arith.constant 0 : i32
    %dma_wait3A_195 = arith.constant 256 : i32
    %dma_wait3A_196 = arith.constant 0 : i32
    %dma_wait3A_197 = tpu.memref_slice %arg6[%dma_wait3A_194, %dma_wait3A_195, %dma_wait3A_196] : memref<2x896x64xf32, #tpu.memory_space<vmem>> -> memref<1x128x64xf32, #tpu.memory_space<vmem>>
    %dma_wait3A_198 = tpu.memref_squeeze %dma_wait3A_197 : memref<1x128x64xf32, #tpu.memory_space<vmem>> -> memref<128x64xf32, #tpu.memory_space<vmem>>
    %dma_wait3A_199 = arith.constant 0 : i32
    %dma_wait3A_200 = tpu.memref_slice %arg5[%dma_wait3A_193, %dma_wait3A_199] : memref<51x128xi32, #tpu.memory_space<vmem>> -> memref<1x128xi32, #tpu.memory_space<vmem>>
    %dma_wait3A_201 = tpu.memref_squeeze %dma_wait3A_200 : memref<1x128xi32, #tpu.memory_space<vmem>> -> memref<128xi32, #tpu.memory_space<vmem>>
    %dma_wait3A_202 = arith.constant 0 : i32
    %dma_wait3A_203 = arith.constant 0 : i32
    %dma_wait3A_204 = tpu.memref_slice %arg2[%dma_wait3A_202, %dma_wait3A_203] : memref<1000003x64xf32, #tpu.memory_space<hbm>> -> memref<1000003x64xf32, #tpu.memory_space<hbm>>
    tpu.wait_indirect_dma semaphore(%arg7 : memref<!tpu.dma_semaphore, #tpu.memory_space<semaphore_mem>>) src(%dma_wait3A_204 : memref<1000003x64xf32, #tpu.memory_space<hbm>>) dst(%dma_wait3A_198 : memref<128x64xf32, #tpu.memory_space<vmem>>)
    %dma_wait3A_205 = arith.constant 3 : i32
    %dma_wait3A_206 = arith.constant 0 : i32
    %dma_wait3A_207 = arith.constant 384 : i32
    %dma_wait3A_208 = arith.constant 0 : i32
    %dma_wait3A_209 = tpu.memref_slice %arg6[%dma_wait3A_206, %dma_wait3A_207, %dma_wait3A_208] : memref<2x896x64xf32, #tpu.memory_space<vmem>> -> memref<1x128x64xf32, #tpu.memory_space<vmem>>
    %dma_wait3A_210 = tpu.memref_squeeze %dma_wait3A_209 : memref<1x128x64xf32, #tpu.memory_space<vmem>> -> memref<128x64xf32, #tpu.memory_space<vmem>>
    %dma_wait3A_211 = arith.constant 0 : i32
    %dma_wait3A_212 = tpu.memref_slice %arg5[%dma_wait3A_205, %dma_wait3A_211] : memref<51x128xi32, #tpu.memory_space<vmem>> -> memref<1x128xi32, #tpu.memory_space<vmem>>
    %dma_wait3A_213 = tpu.memref_squeeze %dma_wait3A_212 : memref<1x128xi32, #tpu.memory_space<vmem>> -> memref<128xi32, #tpu.memory_space<vmem>>
    %dma_wait3A_214 = arith.constant 0 : i32
    %dma_wait3A_215 = arith.constant 0 : i32
    %dma_wait3A_216 = tpu.memref_slice %arg2[%dma_wait3A_214, %dma_wait3A_215] : memref<1000003x64xf32, #tpu.memory_space<hbm>> -> memref<1000003x64xf32, #tpu.memory_space<hbm>>
    tpu.wait_indirect_dma semaphore(%arg7 : memref<!tpu.dma_semaphore, #tpu.memory_space<semaphore_mem>>) src(%dma_wait3A_216 : memref<1000003x64xf32, #tpu.memory_space<hbm>>) dst(%dma_wait3A_210 : memref<128x64xf32, #tpu.memory_space<vmem>>)
    %dma_wait3A_217 = arith.constant 4 : i32
    %dma_wait3A_218 = arith.constant 0 : i32
    %dma_wait3A_219 = arith.constant 512 : i32
    %dma_wait3A_220 = arith.constant 0 : i32
    %dma_wait3A_221 = tpu.memref_slice %arg6[%dma_wait3A_218, %dma_wait3A_219, %dma_wait3A_220] : memref<2x896x64xf32, #tpu.memory_space<vmem>> -> memref<1x128x64xf32, #tpu.memory_space<vmem>>
    %dma_wait3A_222 = tpu.memref_squeeze %dma_wait3A_221 : memref<1x128x64xf32, #tpu.memory_space<vmem>> -> memref<128x64xf32, #tpu.memory_space<vmem>>
    %dma_wait3A_223 = arith.constant 0 : i32
    %dma_wait3A_224 = tpu.memref_slice %arg5[%dma_wait3A_217, %dma_wait3A_223] : memref<51x128xi32, #tpu.memory_space<vmem>> -> memref<1x128xi32, #tpu.memory_space<vmem>>
    %dma_wait3A_225 = tpu.memref_squeeze %dma_wait3A_224 : memref<1x128xi32, #tpu.memory_space<vmem>> -> memref<128xi32, #tpu.memory_space<vmem>>
    %dma_wait3A_226 = arith.constant 0 : i32
    %dma_wait3A_227 = arith.constant 0 : i32
    %dma_wait3A_228 = tpu.memref_slice %arg2[%dma_wait3A_226, %dma_wait3A_227] : memref<1000003x64xf32, #tpu.memory_space<hbm>> -> memref<1000003x64xf32, #tpu.memory_space<hbm>>
    tpu.wait_indirect_dma semaphore(%arg7 : memref<!tpu.dma_semaphore, #tpu.memory_space<semaphore_mem>>) src(%dma_wait3A_228 : memref<1000003x64xf32, #tpu.memory_space<hbm>>) dst(%dma_wait3A_222 : memref<128x64xf32, #tpu.memory_space<vmem>>)
    %dma_wait3A_229 = arith.constant 5 : i32
    %dma_wait3A_230 = arith.constant 0 : i32
    %dma_wait3A_231 = arith.constant 640 : i32
    %dma_wait3A_232 = arith.constant 0 : i32
    %dma_wait3A_233 = tpu.memref_slice %arg6[%dma_wait3A_230, %dma_wait3A_231, %dma_wait3A_232] : memref<2x896x64xf32, #tpu.memory_space<vmem>> -> memref<1x128x64xf32, #tpu.memory_space<vmem>>
    %dma_wait3A_234 = tpu.memref_squeeze %dma_wait3A_233 : memref<1x128x64xf32, #tpu.memory_space<vmem>> -> memref<128x64xf32, #tpu.memory_space<vmem>>
    %dma_wait3A_235 = arith.constant 0 : i32
    %dma_wait3A_236 = tpu.memref_slice %arg5[%dma_wait3A_229, %dma_wait3A_235] : memref<51x128xi32, #tpu.memory_space<vmem>> -> memref<1x128xi32, #tpu.memory_space<vmem>>
    %dma_wait3A_237 = tpu.memref_squeeze %dma_wait3A_236 : memref<1x128xi32, #tpu.memory_space<vmem>> -> memref<128xi32, #tpu.memory_space<vmem>>
    %dma_wait3A_238 = arith.constant 0 : i32
    %dma_wait3A_239 = arith.constant 0 : i32
    %dma_wait3A_240 = tpu.memref_slice %arg2[%dma_wait3A_238, %dma_wait3A_239] : memref<1000003x64xf32, #tpu.memory_space<hbm>> -> memref<1000003x64xf32, #tpu.memory_space<hbm>>
    tpu.wait_indirect_dma semaphore(%arg7 : memref<!tpu.dma_semaphore, #tpu.memory_space<semaphore_mem>>) src(%dma_wait3A_240 : memref<1000003x64xf32, #tpu.memory_space<hbm>>) dst(%dma_wait3A_234 : memref<128x64xf32, #tpu.memory_space<vmem>>)
    %dma_wait3A_241 = arith.constant 6 : i32
    %dma_wait3A_242 = arith.constant 0 : i32
    %dma_wait3A_243 = arith.constant 768 : i32
    %dma_wait3A_244 = arith.constant 0 : i32
    %dma_wait3A_245 = tpu.memref_slice %arg6[%dma_wait3A_242, %dma_wait3A_243, %dma_wait3A_244] : memref<2x896x64xf32, #tpu.memory_space<vmem>> -> memref<1x128x64xf32, #tpu.memory_space<vmem>>
    %dma_wait3A_246 = tpu.memref_squeeze %dma_wait3A_245 : memref<1x128x64xf32, #tpu.memory_space<vmem>> -> memref<128x64xf32, #tpu.memory_space<vmem>>
    %dma_wait3A_247 = arith.constant 0 : i32
    %dma_wait3A_248 = tpu.memref_slice %arg5[%dma_wait3A_241, %dma_wait3A_247] : memref<51x128xi32, #tpu.memory_space<vmem>> -> memref<1x128xi32, #tpu.memory_space<vmem>>
    %dma_wait3A_249 = tpu.memref_squeeze %dma_wait3A_248 : memref<1x128xi32, #tpu.memory_space<vmem>> -> memref<128xi32, #tpu.memory_space<vmem>>
    %dma_wait3A_250 = arith.constant 0 : i32
    %dma_wait3A_251 = arith.constant 0 : i32
    %dma_wait3A_252 = tpu.memref_slice %arg2[%dma_wait3A_250, %dma_wait3A_251] : memref<1000003x64xf32, #tpu.memory_space<hbm>> -> memref<1000003x64xf32, #tpu.memory_space<hbm>>
    tpu.wait_indirect_dma semaphore(%arg7 : memref<!tpu.dma_semaphore, #tpu.memory_space<semaphore_mem>>) src(%dma_wait3A_252 : memref<1000003x64xf32, #tpu.memory_space<hbm>>) dst(%dma_wait3A_246 : memref<128x64xf32, #tpu.memory_space<vmem>>)
    %add3A_253 = arith.constant 0 : i32
    %add3A_254 = arith.addi %mul3A_2, %add3A_253 : i32
    %run_scoped3A = arith.constant 0 : i32
    "tpu.region"() ({
      %run_scoped3A_1248 = tpu.sem_alloc : memref<!tpu.dma_semaphore, #tpu.memory_space<semaphore_mem>>
      %dma_start3A_1249 = arith.constant 0 : i32
      %dma_start3A_1250 = arith.constant 0 : i32
      %dma_start3A_1251 = tpu.memref_slice %arg6[%run_scoped3A, %dma_start3A_1249, %dma_start3A_1250] : memref<2x896x64xf32, #tpu.memory_space<vmem>> -> memref<1x896x64xf32, #tpu.memory_space<vmem>>
      %dma_start3A_1252 = tpu.memref_squeeze %dma_start3A_1251 : memref<1x896x64xf32, #tpu.memory_space<vmem>> -> memref<896x64xf32, #tpu.memory_space<vmem>>
      %dma_start3A_1253 = arith.constant 0 : i32
      %dma_start3A_1254 = tpu.memref_slice %arg4[%add3A_254, %dma_start3A_1253] : memref<206848x64xf32, #tpu.memory_space<hbm>> -> memref<896x64xf32, #tpu.memory_space<hbm>>
      %dma_start3A_1255 = arith.constant 0 : i32
      %dma_start3A_1256 = tpu.memref_slice %arg4[%add3A_254, %dma_start3A_1255] : memref<206848x64xf32, #tpu.memory_space<hbm>> -> memref<896x64xf32, #tpu.memory_space<hbm>>
      %dma_start3A_1257 = arith.constant 0 : i32
      %dma_start3A_1258 = arith.constant 0 : i32
      %dma_start3A_1259 = tpu.memref_slice %arg6[%run_scoped3A, %dma_start3A_1257, %dma_start3A_1258] : memref<2x896x64xf32, #tpu.memory_space<vmem>> -> memref<1x896x64xf32, #tpu.memory_space<vmem>>
      %dma_start3A_1260 = tpu.memref_squeeze %dma_start3A_1259 : memref<1x896x64xf32, #tpu.memory_space<vmem>> -> memref<896x64xf32, #tpu.memory_space<vmem>>
      tpu.enqueue_dma source(%dma_start3A_1260 : memref<896x64xf32, #tpu.memory_space<vmem>>) target(%dma_start3A_1256 : memref<896x64xf32, #tpu.memory_space<hbm>>) target_semaphore(%run_scoped3A_1248 : memref<!tpu.dma_semaphore, #tpu.memory_space<semaphore_mem>>)
      %dma_wait3A_1261 = arith.constant 0 : i32
      %dma_wait3A_1262 = arith.constant 0 : i32
      %dma_wait3A_1263 = tpu.memref_slice %arg6[%run_scoped3A, %dma_wait3A_1261, %dma_wait3A_1262] : memref<2x896x64xf32, #tpu.memory_space<vmem>> -> memref<1x896x64xf32, #tpu.memory_space<vmem>>
      %dma_wait3A_1264 = tpu.memref_squeeze %dma_wait3A_1263 : memref<1x896x64xf32, #tpu.memory_space<vmem>> -> memref<896x64xf32, #tpu.memory_space<vmem>>
      %dma_wait3A_1265 = arith.constant 0 : i32
      %dma_wait3A_1266 = tpu.memref_slice %arg4[%add3A_254, %dma_wait3A_1265] : memref<206848x64xf32, #tpu.memory_space<hbm>> -> memref<896x64xf32, #tpu.memory_space<hbm>>
      %dma_wait3A_1267 = arith.constant 0 : i32
      %dma_wait3A_1268 = tpu.memref_slice %arg4[%add3A_254, %dma_wait3A_1267] : memref<206848x64xf32, #tpu.memory_space<hbm>> -> memref<896x64xf32, #tpu.memory_space<hbm>>
      %dma_wait3A_1269 = arith.constant 0 : i32
      %dma_wait3A_1270 = arith.constant 0 : i32
      %dma_wait3A_1271 = tpu.memref_slice %arg6[%run_scoped3A, %dma_wait3A_1269, %dma_wait3A_1270] : memref<2x896x64xf32, #tpu.memory_space<vmem>> -> memref<1x896x64xf32, #tpu.memory_space<vmem>>
      %dma_wait3A_1272 = tpu.memref_squeeze %dma_wait3A_1271 : memref<1x896x64xf32, #tpu.memory_space<vmem>> -> memref<896x64xf32, #tpu.memory_space<vmem>>
      tpu.wait_dma2 semaphore(%run_scoped3A_1248 : memref<!tpu.dma_semaphore, #tpu.memory_space<semaphore_mem>>) src(%dma_wait3A_1272 : memref<896x64xf32, #tpu.memory_space<vmem>>) dst(%dma_wait3A_1268 : memref<896x64xf32, #tpu.memory_space<hbm>>)
      tpu.yield
    }) : () -> ()
    %dma_start3A_255 = arith.constant 14 : i32
    %dma_start3A_256 = arith.constant 0 : i32
    %dma_start3A_257 = arith.constant 0 : i32
    %dma_start3A_258 = arith.constant 0 : i32
    %dma_start3A_259 = tpu.memref_slice %arg6[%dma_start3A_256, %dma_start3A_257, %dma_start3A_258] : memref<2x896x64xf32, #tpu.memory_space<vmem>> -> memref<1x128x64xf32, #tpu.memory_space<vmem>>
    %dma_start3A_260 = tpu.memref_squeeze %dma_start3A_259 : memref<1x128x64xf32, #tpu.memory_space<vmem>> -> memref<128x64xf32, #tpu.memory_space<vmem>>
    %dma_start3A_261 = arith.constant 0 : i32
    %dma_start3A_262 = tpu.memref_slice %arg5[%dma_start3A_255, %dma_start3A_261] : memref<51x128xi32, #tpu.memory_space<vmem>> -> memref<1x128xi32, #tpu.memory_space<vmem>>
    %dma_start3A_263 = tpu.memref_squeeze %dma_start3A_262 : memref<1x128xi32, #tpu.memory_space<vmem>> -> memref<128xi32, #tpu.memory_space<vmem>>
    %dma_start3A_264 = arith.constant 0 : i32
    %dma_start3A_265 = arith.constant 0 : i32
    %dma_start3A_266 = tpu.memref_slice %arg2[%dma_start3A_264, %dma_start3A_265] : memref<1000003x64xf32, #tpu.memory_space<hbm>> -> memref<1000003x64xf32, #tpu.memory_space<hbm>>
    tpu.enqueue_indirect_dma source(%dma_start3A_266 : memref<1000003x64xf32, #tpu.memory_space<hbm>>) target(%dma_start3A_260 : memref<128x64xf32, #tpu.memory_space<vmem>>) offsets(%dma_start3A_263 : memref<128xi32, #tpu.memory_space<vmem>>) semaphore(%arg7 : memref<!tpu.dma_semaphore, #tpu.memory_space<semaphore_mem>>)
    %dma_start3A_267 = arith.constant 15 : i32
    %dma_start3A_268 = arith.constant 0 : i32
    %dma_start3A_269 = arith.constant 128 : i32
    %dma_start3A_270 = arith.constant 0 : i32
    %dma_start3A_271 = tpu.memref_slice %arg6[%dma_start3A_268, %dma_start3A_269, %dma_start3A_270] : memref<2x896x64xf32, #tpu.memory_space<vmem>> -> memref<1x128x64xf32, #tpu.memory_space<vmem>>
    %dma_start3A_272 = tpu.memref_squeeze %dma_start3A_271 : memref<1x128x64xf32, #tpu.memory_space<vmem>> -> memref<128x64xf32, #tpu.memory_space<vmem>>
    %dma_start3A_273 = arith.constant 0 : i32
    %dma_start3A_274 = tpu.memref_slice %arg5[%dma_start3A_267, %dma_start3A_273] : memref<51x128xi32, #tpu.memory_space<vmem>> -> memref<1x128xi32, #tpu.memory_space<vmem>>
    %dma_start3A_275 = tpu.memref_squeeze %dma_start3A_274 : memref<1x128xi32, #tpu.memory_space<vmem>> -> memref<128xi32, #tpu.memory_space<vmem>>
    %dma_start3A_276 = arith.constant 0 : i32
    %dma_start3A_277 = arith.constant 0 : i32
    %dma_start3A_278 = tpu.memref_slice %arg2[%dma_start3A_276, %dma_start3A_277] : memref<1000003x64xf32, #tpu.memory_space<hbm>> -> memref<1000003x64xf32, #tpu.memory_space<hbm>>
    tpu.enqueue_indirect_dma source(%dma_start3A_278 : memref<1000003x64xf32, #tpu.memory_space<hbm>>) target(%dma_start3A_272 : memref<128x64xf32, #tpu.memory_space<vmem>>) offsets(%dma_start3A_275 : memref<128xi32, #tpu.memory_space<vmem>>) semaphore(%arg7 : memref<!tpu.dma_semaphore, #tpu.memory_space<semaphore_mem>>)
    %dma_start3A_279 = arith.constant 16 : i32
    %dma_start3A_280 = arith.constant 0 : i32
    %dma_start3A_281 = arith.constant 256 : i32
    %dma_start3A_282 = arith.constant 0 : i32
    %dma_start3A_283 = tpu.memref_slice %arg6[%dma_start3A_280, %dma_start3A_281, %dma_start3A_282] : memref<2x896x64xf32, #tpu.memory_space<vmem>> -> memref<1x128x64xf32, #tpu.memory_space<vmem>>
    %dma_start3A_284 = tpu.memref_squeeze %dma_start3A_283 : memref<1x128x64xf32, #tpu.memory_space<vmem>> -> memref<128x64xf32, #tpu.memory_space<vmem>>
    %dma_start3A_285 = arith.constant 0 : i32
    %dma_start3A_286 = tpu.memref_slice %arg5[%dma_start3A_279, %dma_start3A_285] : memref<51x128xi32, #tpu.memory_space<vmem>> -> memref<1x128xi32, #tpu.memory_space<vmem>>
    %dma_start3A_287 = tpu.memref_squeeze %dma_start3A_286 : memref<1x128xi32, #tpu.memory_space<vmem>> -> memref<128xi32, #tpu.memory_space<vmem>>
    %dma_start3A_288 = arith.constant 0 : i32
    %dma_start3A_289 = arith.constant 0 : i32
    %dma_start3A_290 = tpu.memref_slice %arg2[%dma_start3A_288, %dma_start3A_289] : memref<1000003x64xf32, #tpu.memory_space<hbm>> -> memref<1000003x64xf32, #tpu.memory_space<hbm>>
    tpu.enqueue_indirect_dma source(%dma_start3A_290 : memref<1000003x64xf32, #tpu.memory_space<hbm>>) target(%dma_start3A_284 : memref<128x64xf32, #tpu.memory_space<vmem>>) offsets(%dma_start3A_287 : memref<128xi32, #tpu.memory_space<vmem>>) semaphore(%arg7 : memref<!tpu.dma_semaphore, #tpu.memory_space<semaphore_mem>>)
    %dma_start3A_291 = arith.constant 17 : i32
    %dma_start3A_292 = arith.constant 0 : i32
    %dma_start3A_293 = arith.constant 384 : i32
    %dma_start3A_294 = arith.constant 0 : i32
    %dma_start3A_295 = tpu.memref_slice %arg6[%dma_start3A_292, %dma_start3A_293, %dma_start3A_294] : memref<2x896x64xf32, #tpu.memory_space<vmem>> -> memref<1x128x64xf32, #tpu.memory_space<vmem>>
    %dma_start3A_296 = tpu.memref_squeeze %dma_start3A_295 : memref<1x128x64xf32, #tpu.memory_space<vmem>> -> memref<128x64xf32, #tpu.memory_space<vmem>>
    %dma_start3A_297 = arith.constant 0 : i32
    %dma_start3A_298 = tpu.memref_slice %arg5[%dma_start3A_291, %dma_start3A_297] : memref<51x128xi32, #tpu.memory_space<vmem>> -> memref<1x128xi32, #tpu.memory_space<vmem>>
    %dma_start3A_299 = tpu.memref_squeeze %dma_start3A_298 : memref<1x128xi32, #tpu.memory_space<vmem>> -> memref<128xi32, #tpu.memory_space<vmem>>
    %dma_start3A_300 = arith.constant 0 : i32
    %dma_start3A_301 = arith.constant 0 : i32
    %dma_start3A_302 = tpu.memref_slice %arg2[%dma_start3A_300, %dma_start3A_301] : memref<1000003x64xf32, #tpu.memory_space<hbm>> -> memref<1000003x64xf32, #tpu.memory_space<hbm>>
    tpu.enqueue_indirect_dma source(%dma_start3A_302 : memref<1000003x64xf32, #tpu.memory_space<hbm>>) target(%dma_start3A_296 : memref<128x64xf32, #tpu.memory_space<vmem>>) offsets(%dma_start3A_299 : memref<128xi32, #tpu.memory_space<vmem>>) semaphore(%arg7 : memref<!tpu.dma_semaphore, #tpu.memory_space<semaphore_mem>>)
    %dma_start3A_303 = arith.constant 18 : i32
    %dma_start3A_304 = arith.constant 0 : i32
    %dma_start3A_305 = arith.constant 512 : i32
    %dma_start3A_306 = arith.constant 0 : i32
    %dma_start3A_307 = tpu.memref_slice %arg6[%dma_start3A_304, %dma_start3A_305, %dma_start3A_306] : memref<2x896x64xf32, #tpu.memory_space<vmem>> -> memref<1x128x64xf32, #tpu.memory_space<vmem>>
    %dma_start3A_308 = tpu.memref_squeeze %dma_start3A_307 : memref<1x128x64xf32, #tpu.memory_space<vmem>> -> memref<128x64xf32, #tpu.memory_space<vmem>>
    %dma_start3A_309 = arith.constant 0 : i32
    %dma_start3A_310 = tpu.memref_slice %arg5[%dma_start3A_303, %dma_start3A_309] : memref<51x128xi32, #tpu.memory_space<vmem>> -> memref<1x128xi32, #tpu.memory_space<vmem>>
    %dma_start3A_311 = tpu.memref_squeeze %dma_start3A_310 : memref<1x128xi32, #tpu.memory_space<vmem>> -> memref<128xi32, #tpu.memory_space<vmem>>
    %dma_start3A_312 = arith.constant 0 : i32
    %dma_start3A_313 = arith.constant 0 : i32
    %dma_start3A_314 = tpu.memref_slice %arg2[%dma_start3A_312, %dma_start3A_313] : memref<1000003x64xf32, #tpu.memory_space<hbm>> -> memref<1000003x64xf32, #tpu.memory_space<hbm>>
    tpu.enqueue_indirect_dma source(%dma_start3A_314 : memref<1000003x64xf32, #tpu.memory_space<hbm>>) target(%dma_start3A_308 : memref<128x64xf32, #tpu.memory_space<vmem>>) offsets(%dma_start3A_311 : memref<128xi32, #tpu.memory_space<vmem>>) semaphore(%arg7 : memref<!tpu.dma_semaphore, #tpu.memory_space<semaphore_mem>>)
    %dma_start3A_315 = arith.constant 19 : i32
    %dma_start3A_316 = arith.constant 0 : i32
    %dma_start3A_317 = arith.constant 640 : i32
    %dma_start3A_318 = arith.constant 0 : i32
    %dma_start3A_319 = tpu.memref_slice %arg6[%dma_start3A_316, %dma_start3A_317, %dma_start3A_318] : memref<2x896x64xf32, #tpu.memory_space<vmem>> -> memref<1x128x64xf32, #tpu.memory_space<vmem>>
    %dma_start3A_320 = tpu.memref_squeeze %dma_start3A_319 : memref<1x128x64xf32, #tpu.memory_space<vmem>> -> memref<128x64xf32, #tpu.memory_space<vmem>>
    %dma_start3A_321 = arith.constant 0 : i32
    %dma_start3A_322 = tpu.memref_slice %arg5[%dma_start3A_315, %dma_start3A_321] : memref<51x128xi32, #tpu.memory_space<vmem>> -> memref<1x128xi32, #tpu.memory_space<vmem>>
    %dma_start3A_323 = tpu.memref_squeeze %dma_start3A_322 : memref<1x128xi32, #tpu.memory_space<vmem>> -> memref<128xi32, #tpu.memory_space<vmem>>
    %dma_start3A_324 = arith.constant 0 : i32
    %dma_start3A_325 = arith.constant 0 : i32
    %dma_start3A_326 = tpu.memref_slice %arg2[%dma_start3A_324, %dma_start3A_325] : memref<1000003x64xf32, #tpu.memory_space<hbm>> -> memref<1000003x64xf32, #tpu.memory_space<hbm>>
    tpu.enqueue_indirect_dma source(%dma_start3A_326 : memref<1000003x64xf32, #tpu.memory_space<hbm>>) target(%dma_start3A_320 : memref<128x64xf32, #tpu.memory_space<vmem>>) offsets(%dma_start3A_323 : memref<128xi32, #tpu.memory_space<vmem>>) semaphore(%arg7 : memref<!tpu.dma_semaphore, #tpu.memory_space<semaphore_mem>>)
    %dma_start3A_327 = arith.constant 20 : i32
    %dma_start3A_328 = arith.constant 0 : i32
    %dma_start3A_329 = arith.constant 768 : i32
    %dma_start3A_330 = arith.constant 0 : i32
    %dma_start3A_331 = tpu.memref_slice %arg6[%dma_start3A_328, %dma_start3A_329, %dma_start3A_330] : memref<2x896x64xf32, #tpu.memory_space<vmem>> -> memref<1x128x64xf32, #tpu.memory_space<vmem>>
    %dma_start3A_332 = tpu.memref_squeeze %dma_start3A_331 : memref<1x128x64xf32, #tpu.memory_space<vmem>> -> memref<128x64xf32, #tpu.memory_space<vmem>>
    %dma_start3A_333 = arith.constant 0 : i32
    %dma_start3A_334 = tpu.memref_slice %arg5[%dma_start3A_327, %dma_start3A_333] : memref<51x128xi32, #tpu.memory_space<vmem>> -> memref<1x128xi32, #tpu.memory_space<vmem>>
    %dma_start3A_335 = tpu.memref_squeeze %dma_start3A_334 : memref<1x128xi32, #tpu.memory_space<vmem>> -> memref<128xi32, #tpu.memory_space<vmem>>
    %dma_start3A_336 = arith.constant 0 : i32
    %dma_start3A_337 = arith.constant 0 : i32
    %dma_start3A_338 = tpu.memref_slice %arg2[%dma_start3A_336, %dma_start3A_337] : memref<1000003x64xf32, #tpu.memory_space<hbm>> -> memref<1000003x64xf32, #tpu.memory_space<hbm>>
    tpu.enqueue_indirect_dma source(%dma_start3A_338 : memref<1000003x64xf32, #tpu.memory_space<hbm>>) target(%dma_start3A_332 : memref<128x64xf32, #tpu.memory_space<vmem>>) offsets(%dma_start3A_335 : memref<128xi32, #tpu.memory_space<vmem>>) semaphore(%arg7 : memref<!tpu.dma_semaphore, #tpu.memory_space<semaphore_mem>>)
    %dma_wait3A_339 = arith.constant 7 : i32
    %dma_wait3A_340 = arith.constant 1 : i32
    %dma_wait3A_341 = arith.constant 0 : i32
    %dma_wait3A_342 = arith.constant 0 : i32
    %dma_wait3A_343 = tpu.memref_slice %arg6[%dma_wait3A_340, %dma_wait3A_341, %dma_wait3A_342] : memref<2x896x64xf32, #tpu.memory_space<vmem>> -> memref<1x128x64xf32, #tpu.memory_space<vmem>>
    %dma_wait3A_344 = tpu.memref_squeeze %dma_wait3A_343 : memref<1x128x64xf32, #tpu.memory_space<vmem>> -> memref<128x64xf32, #tpu.memory_space<vmem>>
    %dma_wait3A_345 = arith.constant 0 : i32
    %dma_wait3A_346 = tpu.memref_slice %arg5[%dma_wait3A_339, %dma_wait3A_345] : memref<51x128xi32, #tpu.memory_space<vmem>> -> memref<1x128xi32, #tpu.memory_space<vmem>>
    %dma_wait3A_347 = tpu.memref_squeeze %dma_wait3A_346 : memref<1x128xi32, #tpu.memory_space<vmem>> -> memref<128xi32, #tpu.memory_space<vmem>>
    %dma_wait3A_348 = arith.constant 0 : i32
    %dma_wait3A_349 = arith.constant 0 : i32
    %dma_wait3A_350 = tpu.memref_slice %arg2[%dma_wait3A_348, %dma_wait3A_349] : memref<1000003x64xf32, #tpu.memory_space<hbm>> -> memref<1000003x64xf32, #tpu.memory_space<hbm>>
    tpu.wait_indirect_dma semaphore(%arg8 : memref<!tpu.dma_semaphore, #tpu.memory_space<semaphore_mem>>) src(%dma_wait3A_350 : memref<1000003x64xf32, #tpu.memory_space<hbm>>) dst(%dma_wait3A_344 : memref<128x64xf32, #tpu.memory_space<vmem>>)
    %dma_wait3A_351 = arith.constant 8 : i32
    %dma_wait3A_352 = arith.constant 1 : i32
    %dma_wait3A_353 = arith.constant 128 : i32
    %dma_wait3A_354 = arith.constant 0 : i32
    %dma_wait3A_355 = tpu.memref_slice %arg6[%dma_wait3A_352, %dma_wait3A_353, %dma_wait3A_354] : memref<2x896x64xf32, #tpu.memory_space<vmem>> -> memref<1x128x64xf32, #tpu.memory_space<vmem>>
    %dma_wait3A_356 = tpu.memref_squeeze %dma_wait3A_355 : memref<1x128x64xf32, #tpu.memory_space<vmem>> -> memref<128x64xf32, #tpu.memory_space<vmem>>
    %dma_wait3A_357 = arith.constant 0 : i32
    %dma_wait3A_358 = tpu.memref_slice %arg5[%dma_wait3A_351, %dma_wait3A_357] : memref<51x128xi32, #tpu.memory_space<vmem>> -> memref<1x128xi32, #tpu.memory_space<vmem>>
    %dma_wait3A_359 = tpu.memref_squeeze %dma_wait3A_358 : memref<1x128xi32, #tpu.memory_space<vmem>> -> memref<128xi32, #tpu.memory_space<vmem>>
    %dma_wait3A_360 = arith.constant 0 : i32
    %dma_wait3A_361 = arith.constant 0 : i32
    %dma_wait3A_362 = tpu.memref_slice %arg2[%dma_wait3A_360, %dma_wait3A_361] : memref<1000003x64xf32, #tpu.memory_space<hbm>> -> memref<1000003x64xf32, #tpu.memory_space<hbm>>
    tpu.wait_indirect_dma semaphore(%arg8 : memref<!tpu.dma_semaphore, #tpu.memory_space<semaphore_mem>>) src(%dma_wait3A_362 : memref<1000003x64xf32, #tpu.memory_space<hbm>>) dst(%dma_wait3A_356 : memref<128x64xf32, #tpu.memory_space<vmem>>)
    %dma_wait3A_363 = arith.constant 9 : i32
    %dma_wait3A_364 = arith.constant 1 : i32
    %dma_wait3A_365 = arith.constant 256 : i32
    %dma_wait3A_366 = arith.constant 0 : i32
    %dma_wait3A_367 = tpu.memref_slice %arg6[%dma_wait3A_364, %dma_wait3A_365, %dma_wait3A_366] : memref<2x896x64xf32, #tpu.memory_space<vmem>> -> memref<1x128x64xf32, #tpu.memory_space<vmem>>
    %dma_wait3A_368 = tpu.memref_squeeze %dma_wait3A_367 : memref<1x128x64xf32, #tpu.memory_space<vmem>> -> memref<128x64xf32, #tpu.memory_space<vmem>>
    %dma_wait3A_369 = arith.constant 0 : i32
    %dma_wait3A_370 = tpu.memref_slice %arg5[%dma_wait3A_363, %dma_wait3A_369] : memref<51x128xi32, #tpu.memory_space<vmem>> -> memref<1x128xi32, #tpu.memory_space<vmem>>
    %dma_wait3A_371 = tpu.memref_squeeze %dma_wait3A_370 : memref<1x128xi32, #tpu.memory_space<vmem>> -> memref<128xi32, #tpu.memory_space<vmem>>
    %dma_wait3A_372 = arith.constant 0 : i32
    %dma_wait3A_373 = arith.constant 0 : i32
    %dma_wait3A_374 = tpu.memref_slice %arg2[%dma_wait3A_372, %dma_wait3A_373] : memref<1000003x64xf32, #tpu.memory_space<hbm>> -> memref<1000003x64xf32, #tpu.memory_space<hbm>>
    tpu.wait_indirect_dma semaphore(%arg8 : memref<!tpu.dma_semaphore, #tpu.memory_space<semaphore_mem>>) src(%dma_wait3A_374 : memref<1000003x64xf32, #tpu.memory_space<hbm>>) dst(%dma_wait3A_368 : memref<128x64xf32, #tpu.memory_space<vmem>>)
    %dma_wait3A_375 = arith.constant 10 : i32
    %dma_wait3A_376 = arith.constant 1 : i32
    %dma_wait3A_377 = arith.constant 384 : i32
    %dma_wait3A_378 = arith.constant 0 : i32
    %dma_wait3A_379 = tpu.memref_slice %arg6[%dma_wait3A_376, %dma_wait3A_377, %dma_wait3A_378] : memref<2x896x64xf32, #tpu.memory_space<vmem>> -> memref<1x128x64xf32, #tpu.memory_space<vmem>>
    %dma_wait3A_380 = tpu.memref_squeeze %dma_wait3A_379 : memref<1x128x64xf32, #tpu.memory_space<vmem>> -> memref<128x64xf32, #tpu.memory_space<vmem>>
    %dma_wait3A_381 = arith.constant 0 : i32
    %dma_wait3A_382 = tpu.memref_slice %arg5[%dma_wait3A_375, %dma_wait3A_381] : memref<51x128xi32, #tpu.memory_space<vmem>> -> memref<1x128xi32, #tpu.memory_space<vmem>>
    %dma_wait3A_383 = tpu.memref_squeeze %dma_wait3A_382 : memref<1x128xi32, #tpu.memory_space<vmem>> -> memref<128xi32, #tpu.memory_space<vmem>>
    %dma_wait3A_384 = arith.constant 0 : i32
    %dma_wait3A_385 = arith.constant 0 : i32
    %dma_wait3A_386 = tpu.memref_slice %arg2[%dma_wait3A_384, %dma_wait3A_385] : memref<1000003x64xf32, #tpu.memory_space<hbm>> -> memref<1000003x64xf32, #tpu.memory_space<hbm>>
    tpu.wait_indirect_dma semaphore(%arg8 : memref<!tpu.dma_semaphore, #tpu.memory_space<semaphore_mem>>) src(%dma_wait3A_386 : memref<1000003x64xf32, #tpu.memory_space<hbm>>) dst(%dma_wait3A_380 : memref<128x64xf32, #tpu.memory_space<vmem>>)
    %dma_wait3A_387 = arith.constant 11 : i32
    %dma_wait3A_388 = arith.constant 1 : i32
    %dma_wait3A_389 = arith.constant 512 : i32
    %dma_wait3A_390 = arith.constant 0 : i32
    %dma_wait3A_391 = tpu.memref_slice %arg6[%dma_wait3A_388, %dma_wait3A_389, %dma_wait3A_390] : memref<2x896x64xf32, #tpu.memory_space<vmem>> -> memref<1x128x64xf32, #tpu.memory_space<vmem>>
    %dma_wait3A_392 = tpu.memref_squeeze %dma_wait3A_391 : memref<1x128x64xf32, #tpu.memory_space<vmem>> -> memref<128x64xf32, #tpu.memory_space<vmem>>
    %dma_wait3A_393 = arith.constant 0 : i32
    %dma_wait3A_394 = tpu.memref_slice %arg5[%dma_wait3A_387, %dma_wait3A_393] : memref<51x128xi32, #tpu.memory_space<vmem>> -> memref<1x128xi32, #tpu.memory_space<vmem>>
    %dma_wait3A_395 = tpu.memref_squeeze %dma_wait3A_394 : memref<1x128xi32, #tpu.memory_space<vmem>> -> memref<128xi32, #tpu.memory_space<vmem>>
    %dma_wait3A_396 = arith.constant 0 : i32
    %dma_wait3A_397 = arith.constant 0 : i32
    %dma_wait3A_398 = tpu.memref_slice %arg2[%dma_wait3A_396, %dma_wait3A_397] : memref<1000003x64xf32, #tpu.memory_space<hbm>> -> memref<1000003x64xf32, #tpu.memory_space<hbm>>
    tpu.wait_indirect_dma semaphore(%arg8 : memref<!tpu.dma_semaphore, #tpu.memory_space<semaphore_mem>>) src(%dma_wait3A_398 : memref<1000003x64xf32, #tpu.memory_space<hbm>>) dst(%dma_wait3A_392 : memref<128x64xf32, #tpu.memory_space<vmem>>)
    %dma_wait3A_399 = arith.constant 12 : i32
    %dma_wait3A_400 = arith.constant 1 : i32
    %dma_wait3A_401 = arith.constant 640 : i32
    %dma_wait3A_402 = arith.constant 0 : i32
    %dma_wait3A_403 = tpu.memref_slice %arg6[%dma_wait3A_400, %dma_wait3A_401, %dma_wait3A_402] : memref<2x896x64xf32, #tpu.memory_space<vmem>> -> memref<1x128x64xf32, #tpu.memory_space<vmem>>
    %dma_wait3A_404 = tpu.memref_squeeze %dma_wait3A_403 : memref<1x128x64xf32, #tpu.memory_space<vmem>> -> memref<128x64xf32, #tpu.memory_space<vmem>>
    %dma_wait3A_405 = arith.constant 0 : i32
    %dma_wait3A_406 = tpu.memref_slice %arg5[%dma_wait3A_399, %dma_wait3A_405] : memref<51x128xi32, #tpu.memory_space<vmem>> -> memref<1x128xi32, #tpu.memory_space<vmem>>
    %dma_wait3A_407 = tpu.memref_squeeze %dma_wait3A_406 : memref<1x128xi32, #tpu.memory_space<vmem>> -> memref<128xi32, #tpu.memory_space<vmem>>
    %dma_wait3A_408 = arith.constant 0 : i32
    %dma_wait3A_409 = arith.constant 0 : i32
    %dma_wait3A_410 = tpu.memref_slice %arg2[%dma_wait3A_408, %dma_wait3A_409] : memref<1000003x64xf32, #tpu.memory_space<hbm>> -> memref<1000003x64xf32, #tpu.memory_space<hbm>>
    tpu.wait_indirect_dma semaphore(%arg8 : memref<!tpu.dma_semaphore, #tpu.memory_space<semaphore_mem>>) src(%dma_wait3A_410 : memref<1000003x64xf32, #tpu.memory_space<hbm>>) dst(%dma_wait3A_404 : memref<128x64xf32, #tpu.memory_space<vmem>>)
    %dma_wait3A_411 = arith.constant 13 : i32
    %dma_wait3A_412 = arith.constant 1 : i32
    %dma_wait3A_413 = arith.constant 768 : i32
    %dma_wait3A_414 = arith.constant 0 : i32
    %dma_wait3A_415 = tpu.memref_slice %arg6[%dma_wait3A_412, %dma_wait3A_413, %dma_wait3A_414] : memref<2x896x64xf32, #tpu.memory_space<vmem>> -> memref<1x128x64xf32, #tpu.memory_space<vmem>>
    %dma_wait3A_416 = tpu.memref_squeeze %dma_wait3A_415 : memref<1x128x64xf32, #tpu.memory_space<vmem>> -> memref<128x64xf32, #tpu.memory_space<vmem>>
    %dma_wait3A_417 = arith.constant 0 : i32
    %dma_wait3A_418 = tpu.memref_slice %arg5[%dma_wait3A_411, %dma_wait3A_417] : memref<51x128xi32, #tpu.memory_space<vmem>> -> memref<1x128xi32, #tpu.memory_space<vmem>>
    %dma_wait3A_419 = tpu.memref_squeeze %dma_wait3A_418 : memref<1x128xi32, #tpu.memory_space<vmem>> -> memref<128xi32, #tpu.memory_space<vmem>>
    %dma_wait3A_420 = arith.constant 0 : i32
    %dma_wait3A_421 = arith.constant 0 : i32
    %dma_wait3A_422 = tpu.memref_slice %arg2[%dma_wait3A_420, %dma_wait3A_421] : memref<1000003x64xf32, #tpu.memory_space<hbm>> -> memref<1000003x64xf32, #tpu.memory_space<hbm>>
    tpu.wait_indirect_dma semaphore(%arg8 : memref<!tpu.dma_semaphore, #tpu.memory_space<semaphore_mem>>) src(%dma_wait3A_422 : memref<1000003x64xf32, #tpu.memory_space<hbm>>) dst(%dma_wait3A_416 : memref<128x64xf32, #tpu.memory_space<vmem>>)
    %add3A_423 = arith.constant 896 : i32
    %add3A_424 = arith.addi %mul3A_2, %add3A_423 : i32
    %run_scoped3A_425 = arith.constant 1 : i32
    "tpu.region"() ({
      %run_scoped3A_1248 = tpu.sem_alloc : memref<!tpu.dma_semaphore, #tpu.memory_space<semaphore_mem>>
      %dma_start3A_1249 = arith.constant 0 : i32
      %dma_start3A_1250 = arith.constant 0 : i32
      %dma_start3A_1251 = tpu.memref_slice %arg6[%run_scoped3A_425, %dma_start3A_1249, %dma_start3A_1250] : memref<2x896x64xf32, #tpu.memory_space<vmem>> -> memref<1x896x64xf32, #tpu.memory_space<vmem>>
      %dma_start3A_1252 = tpu.memref_squeeze %dma_start3A_1251 : memref<1x896x64xf32, #tpu.memory_space<vmem>> -> memref<896x64xf32, #tpu.memory_space<vmem>>
      %dma_start3A_1253 = arith.constant 0 : i32
      %dma_start3A_1254 = tpu.memref_slice %arg4[%add3A_424, %dma_start3A_1253] : memref<206848x64xf32, #tpu.memory_space<hbm>> -> memref<896x64xf32, #tpu.memory_space<hbm>>
      %dma_start3A_1255 = arith.constant 0 : i32
      %dma_start3A_1256 = tpu.memref_slice %arg4[%add3A_424, %dma_start3A_1255] : memref<206848x64xf32, #tpu.memory_space<hbm>> -> memref<896x64xf32, #tpu.memory_space<hbm>>
      %dma_start3A_1257 = arith.constant 0 : i32
      %dma_start3A_1258 = arith.constant 0 : i32
      %dma_start3A_1259 = tpu.memref_slice %arg6[%run_scoped3A_425, %dma_start3A_1257, %dma_start3A_1258] : memref<2x896x64xf32, #tpu.memory_space<vmem>> -> memref<1x896x64xf32, #tpu.memory_space<vmem>>
      %dma_start3A_1260 = tpu.memref_squeeze %dma_start3A_1259 : memref<1x896x64xf32, #tpu.memory_space<vmem>> -> memref<896x64xf32, #tpu.memory_space<vmem>>
      tpu.enqueue_dma source(%dma_start3A_1260 : memref<896x64xf32, #tpu.memory_space<vmem>>) target(%dma_start3A_1256 : memref<896x64xf32, #tpu.memory_space<hbm>>) target_semaphore(%run_scoped3A_1248 : memref<!tpu.dma_semaphore, #tpu.memory_space<semaphore_mem>>)
      %dma_wait3A_1261 = arith.constant 0 : i32
      %dma_wait3A_1262 = arith.constant 0 : i32
      %dma_wait3A_1263 = tpu.memref_slice %arg6[%run_scoped3A_425, %dma_wait3A_1261, %dma_wait3A_1262] : memref<2x896x64xf32, #tpu.memory_space<vmem>> -> memref<1x896x64xf32, #tpu.memory_space<vmem>>
      %dma_wait3A_1264 = tpu.memref_squeeze %dma_wait3A_1263 : memref<1x896x64xf32, #tpu.memory_space<vmem>> -> memref<896x64xf32, #tpu.memory_space<vmem>>
      %dma_wait3A_1265 = arith.constant 0 : i32
      %dma_wait3A_1266 = tpu.memref_slice %arg4[%add3A_424, %dma_wait3A_1265] : memref<206848x64xf32, #tpu.memory_space<hbm>> -> memref<896x64xf32, #tpu.memory_space<hbm>>
      %dma_wait3A_1267 = arith.constant 0 : i32
      %dma_wait3A_1268 = tpu.memref_slice %arg4[%add3A_424, %dma_wait3A_1267] : memref<206848x64xf32, #tpu.memory_space<hbm>> -> memref<896x64xf32, #tpu.memory_space<hbm>>
      %dma_wait3A_1269 = arith.constant 0 : i32
      %dma_wait3A_1270 = arith.constant 0 : i32
      %dma_wait3A_1271 = tpu.memref_slice %arg6[%run_scoped3A_425, %dma_wait3A_1269, %dma_wait3A_1270] : memref<2x896x64xf32, #tpu.memory_space<vmem>> -> memref<1x896x64xf32, #tpu.memory_space<vmem>>
      %dma_wait3A_1272 = tpu.memref_squeeze %dma_wait3A_1271 : memref<1x896x64xf32, #tpu.memory_space<vmem>> -> memref<896x64xf32, #tpu.memory_space<vmem>>
      tpu.wait_dma2 semaphore(%run_scoped3A_1248 : memref<!tpu.dma_semaphore, #tpu.memory_space<semaphore_mem>>) src(%dma_wait3A_1272 : memref<896x64xf32, #tpu.memory_space<vmem>>) dst(%dma_wait3A_1268 : memref<896x64xf32, #tpu.memory_space<hbm>>)
      tpu.yield
    }) : () -> ()
    %dma_start3A_426 = arith.constant 21 : i32
    %dma_start3A_427 = arith.constant 1 : i32
    %dma_start3A_428 = arith.constant 0 : i32
    %dma_start3A_429 = arith.constant 0 : i32
    %dma_start3A_430 = tpu.memref_slice %arg6[%dma_start3A_427, %dma_start3A_428, %dma_start3A_429] : memref<2x896x64xf32, #tpu.memory_space<vmem>> -> memref<1x128x64xf32, #tpu.memory_space<vmem>>
    %dma_start3A_431 = tpu.memref_squeeze %dma_start3A_430 : memref<1x128x64xf32, #tpu.memory_space<vmem>> -> memref<128x64xf32, #tpu.memory_space<vmem>>
    %dma_start3A_432 = arith.constant 0 : i32
    %dma_start3A_433 = tpu.memref_slice %arg5[%dma_start3A_426, %dma_start3A_432] : memref<51x128xi32, #tpu.memory_space<vmem>> -> memref<1x128xi32, #tpu.memory_space<vmem>>
    %dma_start3A_434 = tpu.memref_squeeze %dma_start3A_433 : memref<1x128xi32, #tpu.memory_space<vmem>> -> memref<128xi32, #tpu.memory_space<vmem>>
    %dma_start3A_435 = arith.constant 0 : i32
    %dma_start3A_436 = arith.constant 0 : i32
    %dma_start3A_437 = tpu.memref_slice %arg2[%dma_start3A_435, %dma_start3A_436] : memref<1000003x64xf32, #tpu.memory_space<hbm>> -> memref<1000003x64xf32, #tpu.memory_space<hbm>>
    tpu.enqueue_indirect_dma source(%dma_start3A_437 : memref<1000003x64xf32, #tpu.memory_space<hbm>>) target(%dma_start3A_431 : memref<128x64xf32, #tpu.memory_space<vmem>>) offsets(%dma_start3A_434 : memref<128xi32, #tpu.memory_space<vmem>>) semaphore(%arg8 : memref<!tpu.dma_semaphore, #tpu.memory_space<semaphore_mem>>)
    %dma_start3A_438 = arith.constant 22 : i32
    %dma_start3A_439 = arith.constant 1 : i32
    %dma_start3A_440 = arith.constant 128 : i32
    %dma_start3A_441 = arith.constant 0 : i32
    %dma_start3A_442 = tpu.memref_slice %arg6[%dma_start3A_439, %dma_start3A_440, %dma_start3A_441] : memref<2x896x64xf32, #tpu.memory_space<vmem>> -> memref<1x128x64xf32, #tpu.memory_space<vmem>>
    %dma_start3A_443 = tpu.memref_squeeze %dma_start3A_442 : memref<1x128x64xf32, #tpu.memory_space<vmem>> -> memref<128x64xf32, #tpu.memory_space<vmem>>
    %dma_start3A_444 = arith.constant 0 : i32
    %dma_start3A_445 = tpu.memref_slice %arg5[%dma_start3A_438, %dma_start3A_444] : memref<51x128xi32, #tpu.memory_space<vmem>> -> memref<1x128xi32, #tpu.memory_space<vmem>>
    %dma_start3A_446 = tpu.memref_squeeze %dma_start3A_445 : memref<1x128xi32, #tpu.memory_space<vmem>> -> memref<128xi32, #tpu.memory_space<vmem>>
    %dma_start3A_447 = arith.constant 0 : i32
    %dma_start3A_448 = arith.constant 0 : i32
    %dma_start3A_449 = tpu.memref_slice %arg2[%dma_start3A_447, %dma_start3A_448] : memref<1000003x64xf32, #tpu.memory_space<hbm>> -> memref<1000003x64xf32, #tpu.memory_space<hbm>>
    tpu.enqueue_indirect_dma source(%dma_start3A_449 : memref<1000003x64xf32, #tpu.memory_space<hbm>>) target(%dma_start3A_443 : memref<128x64xf32, #tpu.memory_space<vmem>>) offsets(%dma_start3A_446 : memref<128xi32, #tpu.memory_space<vmem>>) semaphore(%arg8 : memref<!tpu.dma_semaphore, #tpu.memory_space<semaphore_mem>>)
    %dma_start3A_450 = arith.constant 23 : i32
    %dma_start3A_451 = arith.constant 1 : i32
    %dma_start3A_452 = arith.constant 256 : i32
    %dma_start3A_453 = arith.constant 0 : i32
    %dma_start3A_454 = tpu.memref_slice %arg6[%dma_start3A_451, %dma_start3A_452, %dma_start3A_453] : memref<2x896x64xf32, #tpu.memory_space<vmem>> -> memref<1x128x64xf32, #tpu.memory_space<vmem>>
    %dma_start3A_455 = tpu.memref_squeeze %dma_start3A_454 : memref<1x128x64xf32, #tpu.memory_space<vmem>> -> memref<128x64xf32, #tpu.memory_space<vmem>>
    %dma_start3A_456 = arith.constant 0 : i32
    %dma_start3A_457 = tpu.memref_slice %arg5[%dma_start3A_450, %dma_start3A_456] : memref<51x128xi32, #tpu.memory_space<vmem>> -> memref<1x128xi32, #tpu.memory_space<vmem>>
    %dma_start3A_458 = tpu.memref_squeeze %dma_start3A_457 : memref<1x128xi32, #tpu.memory_space<vmem>> -> memref<128xi32, #tpu.memory_space<vmem>>
    %dma_start3A_459 = arith.constant 0 : i32
    %dma_start3A_460 = arith.constant 0 : i32
    %dma_start3A_461 = tpu.memref_slice %arg2[%dma_start3A_459, %dma_start3A_460] : memref<1000003x64xf32, #tpu.memory_space<hbm>> -> memref<1000003x64xf32, #tpu.memory_space<hbm>>
    tpu.enqueue_indirect_dma source(%dma_start3A_461 : memref<1000003x64xf32, #tpu.memory_space<hbm>>) target(%dma_start3A_455 : memref<128x64xf32, #tpu.memory_space<vmem>>) offsets(%dma_start3A_458 : memref<128xi32, #tpu.memory_space<vmem>>) semaphore(%arg8 : memref<!tpu.dma_semaphore, #tpu.memory_space<semaphore_mem>>)
    %dma_start3A_462 = arith.constant 24 : i32
    %dma_start3A_463 = arith.constant 1 : i32
    %dma_start3A_464 = arith.constant 384 : i32
    %dma_start3A_465 = arith.constant 0 : i32
    %dma_start3A_466 = tpu.memref_slice %arg6[%dma_start3A_463, %dma_start3A_464, %dma_start3A_465] : memref<2x896x64xf32, #tpu.memory_space<vmem>> -> memref<1x128x64xf32, #tpu.memory_space<vmem>>
    %dma_start3A_467 = tpu.memref_squeeze %dma_start3A_466 : memref<1x128x64xf32, #tpu.memory_space<vmem>> -> memref<128x64xf32, #tpu.memory_space<vmem>>
    %dma_start3A_468 = arith.constant 0 : i32
    %dma_start3A_469 = tpu.memref_slice %arg5[%dma_start3A_462, %dma_start3A_468] : memref<51x128xi32, #tpu.memory_space<vmem>> -> memref<1x128xi32, #tpu.memory_space<vmem>>
    %dma_start3A_470 = tpu.memref_squeeze %dma_start3A_469 : memref<1x128xi32, #tpu.memory_space<vmem>> -> memref<128xi32, #tpu.memory_space<vmem>>
    %dma_start3A_471 = arith.constant 0 : i32
    %dma_start3A_472 = arith.constant 0 : i32
    %dma_start3A_473 = tpu.memref_slice %arg2[%dma_start3A_471, %dma_start3A_472] : memref<1000003x64xf32, #tpu.memory_space<hbm>> -> memref<1000003x64xf32, #tpu.memory_space<hbm>>
    tpu.enqueue_indirect_dma source(%dma_start3A_473 : memref<1000003x64xf32, #tpu.memory_space<hbm>>) target(%dma_start3A_467 : memref<128x64xf32, #tpu.memory_space<vmem>>) offsets(%dma_start3A_470 : memref<128xi32, #tpu.memory_space<vmem>>) semaphore(%arg8 : memref<!tpu.dma_semaphore, #tpu.memory_space<semaphore_mem>>)
    %dma_start3A_474 = arith.constant 25 : i32
    %dma_start3A_475 = arith.constant 1 : i32
    %dma_start3A_476 = arith.constant 512 : i32
    %dma_start3A_477 = arith.constant 0 : i32
    %dma_start3A_478 = tpu.memref_slice %arg6[%dma_start3A_475, %dma_start3A_476, %dma_start3A_477] : memref<2x896x64xf32, #tpu.memory_space<vmem>> -> memref<1x128x64xf32, #tpu.memory_space<vmem>>
    %dma_start3A_479 = tpu.memref_squeeze %dma_start3A_478 : memref<1x128x64xf32, #tpu.memory_space<vmem>> -> memref<128x64xf32, #tpu.memory_space<vmem>>
    %dma_start3A_480 = arith.constant 0 : i32
    %dma_start3A_481 = tpu.memref_slice %arg5[%dma_start3A_474, %dma_start3A_480] : memref<51x128xi32, #tpu.memory_space<vmem>> -> memref<1x128xi32, #tpu.memory_space<vmem>>
    %dma_start3A_482 = tpu.memref_squeeze %dma_start3A_481 : memref<1x128xi32, #tpu.memory_space<vmem>> -> memref<128xi32, #tpu.memory_space<vmem>>
    %dma_start3A_483 = arith.constant 0 : i32
    %dma_start3A_484 = arith.constant 0 : i32
    %dma_start3A_485 = tpu.memref_slice %arg2[%dma_start3A_483, %dma_start3A_484] : memref<1000003x64xf32, #tpu.memory_space<hbm>> -> memref<1000003x64xf32, #tpu.memory_space<hbm>>
    tpu.enqueue_indirect_dma source(%dma_start3A_485 : memref<1000003x64xf32, #tpu.memory_space<hbm>>) target(%dma_start3A_479 : memref<128x64xf32, #tpu.memory_space<vmem>>) offsets(%dma_start3A_482 : memref<128xi32, #tpu.memory_space<vmem>>) semaphore(%arg8 : memref<!tpu.dma_semaphore, #tpu.memory_space<semaphore_mem>>)
    %dma_start3A_486 = arith.constant 26 : i32
    %dma_start3A_487 = arith.constant 1 : i32
    %dma_start3A_488 = arith.constant 640 : i32
    %dma_start3A_489 = arith.constant 0 : i32
    %dma_start3A_490 = tpu.memref_slice %arg6[%dma_start3A_487, %dma_start3A_488, %dma_start3A_489] : memref<2x896x64xf32, #tpu.memory_space<vmem>> -> memref<1x128x64xf32, #tpu.memory_space<vmem>>
    %dma_start3A_491 = tpu.memref_squeeze %dma_start3A_490 : memref<1x128x64xf32, #tpu.memory_space<vmem>> -> memref<128x64xf32, #tpu.memory_space<vmem>>
    %dma_start3A_492 = arith.constant 0 : i32
    %dma_start3A_493 = tpu.memref_slice %arg5[%dma_start3A_486, %dma_start3A_492] : memref<51x128xi32, #tpu.memory_space<vmem>> -> memref<1x128xi32, #tpu.memory_space<vmem>>
    %dma_start3A_494 = tpu.memref_squeeze %dma_start3A_493 : memref<1x128xi32, #tpu.memory_space<vmem>> -> memref<128xi32, #tpu.memory_space<vmem>>
    %dma_start3A_495 = arith.constant 0 : i32
    %dma_start3A_496 = arith.constant 0 : i32
    %dma_start3A_497 = tpu.memref_slice %arg2[%dma_start3A_495, %dma_start3A_496] : memref<1000003x64xf32, #tpu.memory_space<hbm>> -> memref<1000003x64xf32, #tpu.memory_space<hbm>>
    tpu.enqueue_indirect_dma source(%dma_start3A_497 : memref<1000003x64xf32, #tpu.memory_space<hbm>>) target(%dma_start3A_491 : memref<128x64xf32, #tpu.memory_space<vmem>>) offsets(%dma_start3A_494 : memref<128xi32, #tpu.memory_space<vmem>>) semaphore(%arg8 : memref<!tpu.dma_semaphore, #tpu.memory_space<semaphore_mem>>)
    %dma_start3A_498 = arith.constant 27 : i32
    %dma_start3A_499 = arith.constant 1 : i32
    %dma_start3A_500 = arith.constant 768 : i32
    %dma_start3A_501 = arith.constant 0 : i32
    %dma_start3A_502 = tpu.memref_slice %arg6[%dma_start3A_499, %dma_start3A_500, %dma_start3A_501] : memref<2x896x64xf32, #tpu.memory_space<vmem>> -> memref<1x128x64xf32, #tpu.memory_space<vmem>>
    %dma_start3A_503 = tpu.memref_squeeze %dma_start3A_502 : memref<1x128x64xf32, #tpu.memory_space<vmem>> -> memref<128x64xf32, #tpu.memory_space<vmem>>
    %dma_start3A_504 = arith.constant 0 : i32
    %dma_start3A_505 = tpu.memref_slice %arg5[%dma_start3A_498, %dma_start3A_504] : memref<51x128xi32, #tpu.memory_space<vmem>> -> memref<1x128xi32, #tpu.memory_space<vmem>>
    %dma_start3A_506 = tpu.memref_squeeze %dma_start3A_505 : memref<1x128xi32, #tpu.memory_space<vmem>> -> memref<128xi32, #tpu.memory_space<vmem>>
    %dma_start3A_507 = arith.constant 0 : i32
    %dma_start3A_508 = arith.constant 0 : i32
    %dma_start3A_509 = tpu.memref_slice %arg2[%dma_start3A_507, %dma_start3A_508] : memref<1000003x64xf32, #tpu.memory_space<hbm>> -> memref<1000003x64xf32, #tpu.memory_space<hbm>>
    tpu.enqueue_indirect_dma source(%dma_start3A_509 : memref<1000003x64xf32, #tpu.memory_space<hbm>>) target(%dma_start3A_503 : memref<128x64xf32, #tpu.memory_space<vmem>>) offsets(%dma_start3A_506 : memref<128xi32, #tpu.memory_space<vmem>>) semaphore(%arg8 : memref<!tpu.dma_semaphore, #tpu.memory_space<semaphore_mem>>)
    %dma_wait3A_510 = arith.constant 14 : i32
    %dma_wait3A_511 = arith.constant 0 : i32
    %dma_wait3A_512 = arith.constant 0 : i32
    %dma_wait3A_513 = arith.constant 0 : i32
    %dma_wait3A_514 = tpu.memref_slice %arg6[%dma_wait3A_511, %dma_wait3A_512, %dma_wait3A_513] : memref<2x896x64xf32, #tpu.memory_space<vmem>> -> memref<1x128x64xf32, #tpu.memory_space<vmem>>
    %dma_wait3A_515 = tpu.memref_squeeze %dma_wait3A_514 : memref<1x128x64xf32, #tpu.memory_space<vmem>> -> memref<128x64xf32, #tpu.memory_space<vmem>>
    %dma_wait3A_516 = arith.constant 0 : i32
    %dma_wait3A_517 = tpu.memref_slice %arg5[%dma_wait3A_510, %dma_wait3A_516] : memref<51x128xi32, #tpu.memory_space<vmem>> -> memref<1x128xi32, #tpu.memory_space<vmem>>
    %dma_wait3A_518 = tpu.memref_squeeze %dma_wait3A_517 : memref<1x128xi32, #tpu.memory_space<vmem>> -> memref<128xi32, #tpu.memory_space<vmem>>
    %dma_wait3A_519 = arith.constant 0 : i32
    %dma_wait3A_520 = arith.constant 0 : i32
    %dma_wait3A_521 = tpu.memref_slice %arg2[%dma_wait3A_519, %dma_wait3A_520] : memref<1000003x64xf32, #tpu.memory_space<hbm>> -> memref<1000003x64xf32, #tpu.memory_space<hbm>>
    tpu.wait_indirect_dma semaphore(%arg7 : memref<!tpu.dma_semaphore, #tpu.memory_space<semaphore_mem>>) src(%dma_wait3A_521 : memref<1000003x64xf32, #tpu.memory_space<hbm>>) dst(%dma_wait3A_515 : memref<128x64xf32, #tpu.memory_space<vmem>>)
    %dma_wait3A_522 = arith.constant 15 : i32
    %dma_wait3A_523 = arith.constant 0 : i32
    %dma_wait3A_524 = arith.constant 128 : i32
    %dma_wait3A_525 = arith.constant 0 : i32
    %dma_wait3A_526 = tpu.memref_slice %arg6[%dma_wait3A_523, %dma_wait3A_524, %dma_wait3A_525] : memref<2x896x64xf32, #tpu.memory_space<vmem>> -> memref<1x128x64xf32, #tpu.memory_space<vmem>>
    %dma_wait3A_527 = tpu.memref_squeeze %dma_wait3A_526 : memref<1x128x64xf32, #tpu.memory_space<vmem>> -> memref<128x64xf32, #tpu.memory_space<vmem>>
    %dma_wait3A_528 = arith.constant 0 : i32
    %dma_wait3A_529 = tpu.memref_slice %arg5[%dma_wait3A_522, %dma_wait3A_528] : memref<51x128xi32, #tpu.memory_space<vmem>> -> memref<1x128xi32, #tpu.memory_space<vmem>>
    %dma_wait3A_530 = tpu.memref_squeeze %dma_wait3A_529 : memref<1x128xi32, #tpu.memory_space<vmem>> -> memref<128xi32, #tpu.memory_space<vmem>>
    %dma_wait3A_531 = arith.constant 0 : i32
    %dma_wait3A_532 = arith.constant 0 : i32
    %dma_wait3A_533 = tpu.memref_slice %arg2[%dma_wait3A_531, %dma_wait3A_532] : memref<1000003x64xf32, #tpu.memory_space<hbm>> -> memref<1000003x64xf32, #tpu.memory_space<hbm>>
    tpu.wait_indirect_dma semaphore(%arg7 : memref<!tpu.dma_semaphore, #tpu.memory_space<semaphore_mem>>) src(%dma_wait3A_533 : memref<1000003x64xf32, #tpu.memory_space<hbm>>) dst(%dma_wait3A_527 : memref<128x64xf32, #tpu.memory_space<vmem>>)
    %dma_wait3A_534 = arith.constant 16 : i32
    %dma_wait3A_535 = arith.constant 0 : i32
    %dma_wait3A_536 = arith.constant 256 : i32
    %dma_wait3A_537 = arith.constant 0 : i32
    %dma_wait3A_538 = tpu.memref_slice %arg6[%dma_wait3A_535, %dma_wait3A_536, %dma_wait3A_537] : memref<2x896x64xf32, #tpu.memory_space<vmem>> -> memref<1x128x64xf32, #tpu.memory_space<vmem>>
    %dma_wait3A_539 = tpu.memref_squeeze %dma_wait3A_538 : memref<1x128x64xf32, #tpu.memory_space<vmem>> -> memref<128x64xf32, #tpu.memory_space<vmem>>
    %dma_wait3A_540 = arith.constant 0 : i32
    %dma_wait3A_541 = tpu.memref_slice %arg5[%dma_wait3A_534, %dma_wait3A_540] : memref<51x128xi32, #tpu.memory_space<vmem>> -> memref<1x128xi32, #tpu.memory_space<vmem>>
    %dma_wait3A_542 = tpu.memref_squeeze %dma_wait3A_541 : memref<1x128xi32, #tpu.memory_space<vmem>> -> memref<128xi32, #tpu.memory_space<vmem>>
    %dma_wait3A_543 = arith.constant 0 : i32
    %dma_wait3A_544 = arith.constant 0 : i32
    %dma_wait3A_545 = tpu.memref_slice %arg2[%dma_wait3A_543, %dma_wait3A_544] : memref<1000003x64xf32, #tpu.memory_space<hbm>> -> memref<1000003x64xf32, #tpu.memory_space<hbm>>
    tpu.wait_indirect_dma semaphore(%arg7 : memref<!tpu.dma_semaphore, #tpu.memory_space<semaphore_mem>>) src(%dma_wait3A_545 : memref<1000003x64xf32, #tpu.memory_space<hbm>>) dst(%dma_wait3A_539 : memref<128x64xf32, #tpu.memory_space<vmem>>)
    %dma_wait3A_546 = arith.constant 17 : i32
    %dma_wait3A_547 = arith.constant 0 : i32
    %dma_wait3A_548 = arith.constant 384 : i32
    %dma_wait3A_549 = arith.constant 0 : i32
    %dma_wait3A_550 = tpu.memref_slice %arg6[%dma_wait3A_547, %dma_wait3A_548, %dma_wait3A_549] : memref<2x896x64xf32, #tpu.memory_space<vmem>> -> memref<1x128x64xf32, #tpu.memory_space<vmem>>
    %dma_wait3A_551 = tpu.memref_squeeze %dma_wait3A_550 : memref<1x128x64xf32, #tpu.memory_space<vmem>> -> memref<128x64xf32, #tpu.memory_space<vmem>>
    %dma_wait3A_552 = arith.constant 0 : i32
    %dma_wait3A_553 = tpu.memref_slice %arg5[%dma_wait3A_546, %dma_wait3A_552] : memref<51x128xi32, #tpu.memory_space<vmem>> -> memref<1x128xi32, #tpu.memory_space<vmem>>
    %dma_wait3A_554 = tpu.memref_squeeze %dma_wait3A_553 : memref<1x128xi32, #tpu.memory_space<vmem>> -> memref<128xi32, #tpu.memory_space<vmem>>
    %dma_wait3A_555 = arith.constant 0 : i32
    %dma_wait3A_556 = arith.constant 0 : i32
    %dma_wait3A_557 = tpu.memref_slice %arg2[%dma_wait3A_555, %dma_wait3A_556] : memref<1000003x64xf32, #tpu.memory_space<hbm>> -> memref<1000003x64xf32, #tpu.memory_space<hbm>>
    tpu.wait_indirect_dma semaphore(%arg7 : memref<!tpu.dma_semaphore, #tpu.memory_space<semaphore_mem>>) src(%dma_wait3A_557 : memref<1000003x64xf32, #tpu.memory_space<hbm>>) dst(%dma_wait3A_551 : memref<128x64xf32, #tpu.memory_space<vmem>>)
    %dma_wait3A_558 = arith.constant 18 : i32
    %dma_wait3A_559 = arith.constant 0 : i32
    %dma_wait3A_560 = arith.constant 512 : i32
    %dma_wait3A_561 = arith.constant 0 : i32
    %dma_wait3A_562 = tpu.memref_slice %arg6[%dma_wait3A_559, %dma_wait3A_560, %dma_wait3A_561] : memref<2x896x64xf32, #tpu.memory_space<vmem>> -> memref<1x128x64xf32, #tpu.memory_space<vmem>>
    %dma_wait3A_563 = tpu.memref_squeeze %dma_wait3A_562 : memref<1x128x64xf32, #tpu.memory_space<vmem>> -> memref<128x64xf32, #tpu.memory_space<vmem>>
    %dma_wait3A_564 = arith.constant 0 : i32
    %dma_wait3A_565 = tpu.memref_slice %arg5[%dma_wait3A_558, %dma_wait3A_564] : memref<51x128xi32, #tpu.memory_space<vmem>> -> memref<1x128xi32, #tpu.memory_space<vmem>>
    %dma_wait3A_566 = tpu.memref_squeeze %dma_wait3A_565 : memref<1x128xi32, #tpu.memory_space<vmem>> -> memref<128xi32, #tpu.memory_space<vmem>>
    %dma_wait3A_567 = arith.constant 0 : i32
    %dma_wait3A_568 = arith.constant 0 : i32
    %dma_wait3A_569 = tpu.memref_slice %arg2[%dma_wait3A_567, %dma_wait3A_568] : memref<1000003x64xf32, #tpu.memory_space<hbm>> -> memref<1000003x64xf32, #tpu.memory_space<hbm>>
    tpu.wait_indirect_dma semaphore(%arg7 : memref<!tpu.dma_semaphore, #tpu.memory_space<semaphore_mem>>) src(%dma_wait3A_569 : memref<1000003x64xf32, #tpu.memory_space<hbm>>) dst(%dma_wait3A_563 : memref<128x64xf32, #tpu.memory_space<vmem>>)
    %dma_wait3A_570 = arith.constant 19 : i32
    %dma_wait3A_571 = arith.constant 0 : i32
    %dma_wait3A_572 = arith.constant 640 : i32
    %dma_wait3A_573 = arith.constant 0 : i32
    %dma_wait3A_574 = tpu.memref_slice %arg6[%dma_wait3A_571, %dma_wait3A_572, %dma_wait3A_573] : memref<2x896x64xf32, #tpu.memory_space<vmem>> -> memref<1x128x64xf32, #tpu.memory_space<vmem>>
    %dma_wait3A_575 = tpu.memref_squeeze %dma_wait3A_574 : memref<1x128x64xf32, #tpu.memory_space<vmem>> -> memref<128x64xf32, #tpu.memory_space<vmem>>
    %dma_wait3A_576 = arith.constant 0 : i32
    %dma_wait3A_577 = tpu.memref_slice %arg5[%dma_wait3A_570, %dma_wait3A_576] : memref<51x128xi32, #tpu.memory_space<vmem>> -> memref<1x128xi32, #tpu.memory_space<vmem>>
    %dma_wait3A_578 = tpu.memref_squeeze %dma_wait3A_577 : memref<1x128xi32, #tpu.memory_space<vmem>> -> memref<128xi32, #tpu.memory_space<vmem>>
    %dma_wait3A_579 = arith.constant 0 : i32
    %dma_wait3A_580 = arith.constant 0 : i32
    %dma_wait3A_581 = tpu.memref_slice %arg2[%dma_wait3A_579, %dma_wait3A_580] : memref<1000003x64xf32, #tpu.memory_space<hbm>> -> memref<1000003x64xf32, #tpu.memory_space<hbm>>
    tpu.wait_indirect_dma semaphore(%arg7 : memref<!tpu.dma_semaphore, #tpu.memory_space<semaphore_mem>>) src(%dma_wait3A_581 : memref<1000003x64xf32, #tpu.memory_space<hbm>>) dst(%dma_wait3A_575 : memref<128x64xf32, #tpu.memory_space<vmem>>)
    %dma_wait3A_582 = arith.constant 20 : i32
    %dma_wait3A_583 = arith.constant 0 : i32
    %dma_wait3A_584 = arith.constant 768 : i32
    %dma_wait3A_585 = arith.constant 0 : i32
    %dma_wait3A_586 = tpu.memref_slice %arg6[%dma_wait3A_583, %dma_wait3A_584, %dma_wait3A_585] : memref<2x896x64xf32, #tpu.memory_space<vmem>> -> memref<1x128x64xf32, #tpu.memory_space<vmem>>
    %dma_wait3A_587 = tpu.memref_squeeze %dma_wait3A_586 : memref<1x128x64xf32, #tpu.memory_space<vmem>> -> memref<128x64xf32, #tpu.memory_space<vmem>>
    %dma_wait3A_588 = arith.constant 0 : i32
    %dma_wait3A_589 = tpu.memref_slice %arg5[%dma_wait3A_582, %dma_wait3A_588] : memref<51x128xi32, #tpu.memory_space<vmem>> -> memref<1x128xi32, #tpu.memory_space<vmem>>
    %dma_wait3A_590 = tpu.memref_squeeze %dma_wait3A_589 : memref<1x128xi32, #tpu.memory_space<vmem>> -> memref<128xi32, #tpu.memory_space<vmem>>
    %dma_wait3A_591 = arith.constant 0 : i32
    %dma_wait3A_592 = arith.constant 0 : i32
    %dma_wait3A_593 = tpu.memref_slice %arg2[%dma_wait3A_591, %dma_wait3A_592] : memref<1000003x64xf32, #tpu.memory_space<hbm>> -> memref<1000003x64xf32, #tpu.memory_space<hbm>>
    tpu.wait_indirect_dma semaphore(%arg7 : memref<!tpu.dma_semaphore, #tpu.memory_space<semaphore_mem>>) src(%dma_wait3A_593 : memref<1000003x64xf32, #tpu.memory_space<hbm>>) dst(%dma_wait3A_587 : memref<128x64xf32, #tpu.memory_space<vmem>>)
    %add3A_594 = arith.constant 1792 : i32
    %add3A_595 = arith.addi %mul3A_2, %add3A_594 : i32
    %run_scoped3A_596 = arith.constant 0 : i32
    "tpu.region"() ({
      %run_scoped3A_1248 = tpu.sem_alloc : memref<!tpu.dma_semaphore, #tpu.memory_space<semaphore_mem>>
      %dma_start3A_1249 = arith.constant 0 : i32
      %dma_start3A_1250 = arith.constant 0 : i32
      %dma_start3A_1251 = tpu.memref_slice %arg6[%run_scoped3A_596, %dma_start3A_1249, %dma_start3A_1250] : memref<2x896x64xf32, #tpu.memory_space<vmem>> -> memref<1x896x64xf32, #tpu.memory_space<vmem>>
      %dma_start3A_1252 = tpu.memref_squeeze %dma_start3A_1251 : memref<1x896x64xf32, #tpu.memory_space<vmem>> -> memref<896x64xf32, #tpu.memory_space<vmem>>
      %dma_start3A_1253 = arith.constant 0 : i32
      %dma_start3A_1254 = tpu.memref_slice %arg4[%add3A_595, %dma_start3A_1253] : memref<206848x64xf32, #tpu.memory_space<hbm>> -> memref<896x64xf32, #tpu.memory_space<hbm>>
      %dma_start3A_1255 = arith.constant 0 : i32
      %dma_start3A_1256 = tpu.memref_slice %arg4[%add3A_595, %dma_start3A_1255] : memref<206848x64xf32, #tpu.memory_space<hbm>> -> memref<896x64xf32, #tpu.memory_space<hbm>>
      %dma_start3A_1257 = arith.constant 0 : i32
      %dma_start3A_1258 = arith.constant 0 : i32
      %dma_start3A_1259 = tpu.memref_slice %arg6[%run_scoped3A_596, %dma_start3A_1257, %dma_start3A_1258] : memref<2x896x64xf32, #tpu.memory_space<vmem>> -> memref<1x896x64xf32, #tpu.memory_space<vmem>>
      %dma_start3A_1260 = tpu.memref_squeeze %dma_start3A_1259 : memref<1x896x64xf32, #tpu.memory_space<vmem>> -> memref<896x64xf32, #tpu.memory_space<vmem>>
      tpu.enqueue_dma source(%dma_start3A_1260 : memref<896x64xf32, #tpu.memory_space<vmem>>) target(%dma_start3A_1256 : memref<896x64xf32, #tpu.memory_space<hbm>>) target_semaphore(%run_scoped3A_1248 : memref<!tpu.dma_semaphore, #tpu.memory_space<semaphore_mem>>)
      %dma_wait3A_1261 = arith.constant 0 : i32
      %dma_wait3A_1262 = arith.constant 0 : i32
      %dma_wait3A_1263 = tpu.memref_slice %arg6[%run_scoped3A_596, %dma_wait3A_1261, %dma_wait3A_1262] : memref<2x896x64xf32, #tpu.memory_space<vmem>> -> memref<1x896x64xf32, #tpu.memory_space<vmem>>
      %dma_wait3A_1264 = tpu.memref_squeeze %dma_wait3A_1263 : memref<1x896x64xf32, #tpu.memory_space<vmem>> -> memref<896x64xf32, #tpu.memory_space<vmem>>
      %dma_wait3A_1265 = arith.constant 0 : i32
      %dma_wait3A_1266 = tpu.memref_slice %arg4[%add3A_595, %dma_wait3A_1265] : memref<206848x64xf32, #tpu.memory_space<hbm>> -> memref<896x64xf32, #tpu.memory_space<hbm>>
      %dma_wait3A_1267 = arith.constant 0 : i32
      %dma_wait3A_1268 = tpu.memref_slice %arg4[%add3A_595, %dma_wait3A_1267] : memref<206848x64xf32, #tpu.memory_space<hbm>> -> memref<896x64xf32, #tpu.memory_space<hbm>>
      %dma_wait3A_1269 = arith.constant 0 : i32
      %dma_wait3A_1270 = arith.constant 0 : i32
      %dma_wait3A_1271 = tpu.memref_slice %arg6[%run_scoped3A_596, %dma_wait3A_1269, %dma_wait3A_1270] : memref<2x896x64xf32, #tpu.memory_space<vmem>> -> memref<1x896x64xf32, #tpu.memory_space<vmem>>
      %dma_wait3A_1272 = tpu.memref_squeeze %dma_wait3A_1271 : memref<1x896x64xf32, #tpu.memory_space<vmem>> -> memref<896x64xf32, #tpu.memory_space<vmem>>
      tpu.wait_dma2 semaphore(%run_scoped3A_1248 : memref<!tpu.dma_semaphore, #tpu.memory_space<semaphore_mem>>) src(%dma_wait3A_1272 : memref<896x64xf32, #tpu.memory_space<vmem>>) dst(%dma_wait3A_1268 : memref<896x64xf32, #tpu.memory_space<hbm>>)
      tpu.yield
    }) : () -> ()
    %dma_start3A_597 = arith.constant 28 : i32
    %dma_start3A_598 = arith.constant 0 : i32
    %dma_start3A_599 = arith.constant 0 : i32
    %dma_start3A_600 = arith.constant 0 : i32
    %dma_start3A_601 = tpu.memref_slice %arg6[%dma_start3A_598, %dma_start3A_599, %dma_start3A_600] : memref<2x896x64xf32, #tpu.memory_space<vmem>> -> memref<1x128x64xf32, #tpu.memory_space<vmem>>
    %dma_start3A_602 = tpu.memref_squeeze %dma_start3A_601 : memref<1x128x64xf32, #tpu.memory_space<vmem>> -> memref<128x64xf32, #tpu.memory_space<vmem>>
    %dma_start3A_603 = arith.constant 0 : i32
    %dma_start3A_604 = tpu.memref_slice %arg5[%dma_start3A_597, %dma_start3A_603] : memref<51x128xi32, #tpu.memory_space<vmem>> -> memref<1x128xi32, #tpu.memory_space<vmem>>
    %dma_start3A_605 = tpu.memref_squeeze %dma_start3A_604 : memref<1x128xi32, #tpu.memory_space<vmem>> -> memref<128xi32, #tpu.memory_space<vmem>>
    %dma_start3A_606 = arith.constant 0 : i32
    %dma_start3A_607 = arith.constant 0 : i32
    %dma_start3A_608 = tpu.memref_slice %arg2[%dma_start3A_606, %dma_start3A_607] : memref<1000003x64xf32, #tpu.memory_space<hbm>> -> memref<1000003x64xf32, #tpu.memory_space<hbm>>
    tpu.enqueue_indirect_dma source(%dma_start3A_608 : memref<1000003x64xf32, #tpu.memory_space<hbm>>) target(%dma_start3A_602 : memref<128x64xf32, #tpu.memory_space<vmem>>) offsets(%dma_start3A_605 : memref<128xi32, #tpu.memory_space<vmem>>) semaphore(%arg7 : memref<!tpu.dma_semaphore, #tpu.memory_space<semaphore_mem>>)
    %dma_start3A_609 = arith.constant 29 : i32
    %dma_start3A_610 = arith.constant 0 : i32
    %dma_start3A_611 = arith.constant 128 : i32
    %dma_start3A_612 = arith.constant 0 : i32
    %dma_start3A_613 = tpu.memref_slice %arg6[%dma_start3A_610, %dma_start3A_611, %dma_start3A_612] : memref<2x896x64xf32, #tpu.memory_space<vmem>> -> memref<1x128x64xf32, #tpu.memory_space<vmem>>
    %dma_start3A_614 = tpu.memref_squeeze %dma_start3A_613 : memref<1x128x64xf32, #tpu.memory_space<vmem>> -> memref<128x64xf32, #tpu.memory_space<vmem>>
    %dma_start3A_615 = arith.constant 0 : i32
    %dma_start3A_616 = tpu.memref_slice %arg5[%dma_start3A_609, %dma_start3A_615] : memref<51x128xi32, #tpu.memory_space<vmem>> -> memref<1x128xi32, #tpu.memory_space<vmem>>
    %dma_start3A_617 = tpu.memref_squeeze %dma_start3A_616 : memref<1x128xi32, #tpu.memory_space<vmem>> -> memref<128xi32, #tpu.memory_space<vmem>>
    %dma_start3A_618 = arith.constant 0 : i32
    %dma_start3A_619 = arith.constant 0 : i32
    %dma_start3A_620 = tpu.memref_slice %arg2[%dma_start3A_618, %dma_start3A_619] : memref<1000003x64xf32, #tpu.memory_space<hbm>> -> memref<1000003x64xf32, #tpu.memory_space<hbm>>
    tpu.enqueue_indirect_dma source(%dma_start3A_620 : memref<1000003x64xf32, #tpu.memory_space<hbm>>) target(%dma_start3A_614 : memref<128x64xf32, #tpu.memory_space<vmem>>) offsets(%dma_start3A_617 : memref<128xi32, #tpu.memory_space<vmem>>) semaphore(%arg7 : memref<!tpu.dma_semaphore, #tpu.memory_space<semaphore_mem>>)
    %dma_start3A_621 = arith.constant 30 : i32
    %dma_start3A_622 = arith.constant 0 : i32
    %dma_start3A_623 = arith.constant 256 : i32
    %dma_start3A_624 = arith.constant 0 : i32
    %dma_start3A_625 = tpu.memref_slice %arg6[%dma_start3A_622, %dma_start3A_623, %dma_start3A_624] : memref<2x896x64xf32, #tpu.memory_space<vmem>> -> memref<1x128x64xf32, #tpu.memory_space<vmem>>
    %dma_start3A_626 = tpu.memref_squeeze %dma_start3A_625 : memref<1x128x64xf32, #tpu.memory_space<vmem>> -> memref<128x64xf32, #tpu.memory_space<vmem>>
    %dma_start3A_627 = arith.constant 0 : i32
    %dma_start3A_628 = tpu.memref_slice %arg5[%dma_start3A_621, %dma_start3A_627] : memref<51x128xi32, #tpu.memory_space<vmem>> -> memref<1x128xi32, #tpu.memory_space<vmem>>
    %dma_start3A_629 = tpu.memref_squeeze %dma_start3A_628 : memref<1x128xi32, #tpu.memory_space<vmem>> -> memref<128xi32, #tpu.memory_space<vmem>>
    %dma_start3A_630 = arith.constant 0 : i32
    %dma_start3A_631 = arith.constant 0 : i32
    %dma_start3A_632 = tpu.memref_slice %arg2[%dma_start3A_630, %dma_start3A_631] : memref<1000003x64xf32, #tpu.memory_space<hbm>> -> memref<1000003x64xf32, #tpu.memory_space<hbm>>
    tpu.enqueue_indirect_dma source(%dma_start3A_632 : memref<1000003x64xf32, #tpu.memory_space<hbm>>) target(%dma_start3A_626 : memref<128x64xf32, #tpu.memory_space<vmem>>) offsets(%dma_start3A_629 : memref<128xi32, #tpu.memory_space<vmem>>) semaphore(%arg7 : memref<!tpu.dma_semaphore, #tpu.memory_space<semaphore_mem>>)
    %dma_start3A_633 = arith.constant 31 : i32
    %dma_start3A_634 = arith.constant 0 : i32
    %dma_start3A_635 = arith.constant 384 : i32
    %dma_start3A_636 = arith.constant 0 : i32
    %dma_start3A_637 = tpu.memref_slice %arg6[%dma_start3A_634, %dma_start3A_635, %dma_start3A_636] : memref<2x896x64xf32, #tpu.memory_space<vmem>> -> memref<1x128x64xf32, #tpu.memory_space<vmem>>
    %dma_start3A_638 = tpu.memref_squeeze %dma_start3A_637 : memref<1x128x64xf32, #tpu.memory_space<vmem>> -> memref<128x64xf32, #tpu.memory_space<vmem>>
    %dma_start3A_639 = arith.constant 0 : i32
    %dma_start3A_640 = tpu.memref_slice %arg5[%dma_start3A_633, %dma_start3A_639] : memref<51x128xi32, #tpu.memory_space<vmem>> -> memref<1x128xi32, #tpu.memory_space<vmem>>
    %dma_start3A_641 = tpu.memref_squeeze %dma_start3A_640 : memref<1x128xi32, #tpu.memory_space<vmem>> -> memref<128xi32, #tpu.memory_space<vmem>>
    %dma_start3A_642 = arith.constant 0 : i32
    %dma_start3A_643 = arith.constant 0 : i32
    %dma_start3A_644 = tpu.memref_slice %arg2[%dma_start3A_642, %dma_start3A_643] : memref<1000003x64xf32, #tpu.memory_space<hbm>> -> memref<1000003x64xf32, #tpu.memory_space<hbm>>
    tpu.enqueue_indirect_dma source(%dma_start3A_644 : memref<1000003x64xf32, #tpu.memory_space<hbm>>) target(%dma_start3A_638 : memref<128x64xf32, #tpu.memory_space<vmem>>) offsets(%dma_start3A_641 : memref<128xi32, #tpu.memory_space<vmem>>) semaphore(%arg7 : memref<!tpu.dma_semaphore, #tpu.memory_space<semaphore_mem>>)
    %dma_start3A_645 = arith.constant 32 : i32
    %dma_start3A_646 = arith.constant 0 : i32
    %dma_start3A_647 = arith.constant 512 : i32
    %dma_start3A_648 = arith.constant 0 : i32
    %dma_start3A_649 = tpu.memref_slice %arg6[%dma_start3A_646, %dma_start3A_647, %dma_start3A_648] : memref<2x896x64xf32, #tpu.memory_space<vmem>> -> memref<1x128x64xf32, #tpu.memory_space<vmem>>
    %dma_start3A_650 = tpu.memref_squeeze %dma_start3A_649 : memref<1x128x64xf32, #tpu.memory_space<vmem>> -> memref<128x64xf32, #tpu.memory_space<vmem>>
    %dma_start3A_651 = arith.constant 0 : i32
    %dma_start3A_652 = tpu.memref_slice %arg5[%dma_start3A_645, %dma_start3A_651] : memref<51x128xi32, #tpu.memory_space<vmem>> -> memref<1x128xi32, #tpu.memory_space<vmem>>
    %dma_start3A_653 = tpu.memref_squeeze %dma_start3A_652 : memref<1x128xi32, #tpu.memory_space<vmem>> -> memref<128xi32, #tpu.memory_space<vmem>>
    %dma_start3A_654 = arith.constant 0 : i32
    %dma_start3A_655 = arith.constant 0 : i32
    %dma_start3A_656 = tpu.memref_slice %arg2[%dma_start3A_654, %dma_start3A_655] : memref<1000003x64xf32, #tpu.memory_space<hbm>> -> memref<1000003x64xf32, #tpu.memory_space<hbm>>
    tpu.enqueue_indirect_dma source(%dma_start3A_656 : memref<1000003x64xf32, #tpu.memory_space<hbm>>) target(%dma_start3A_650 : memref<128x64xf32, #tpu.memory_space<vmem>>) offsets(%dma_start3A_653 : memref<128xi32, #tpu.memory_space<vmem>>) semaphore(%arg7 : memref<!tpu.dma_semaphore, #tpu.memory_space<semaphore_mem>>)
    %dma_start3A_657 = arith.constant 33 : i32
    %dma_start3A_658 = arith.constant 0 : i32
    %dma_start3A_659 = arith.constant 640 : i32
    %dma_start3A_660 = arith.constant 0 : i32
    %dma_start3A_661 = tpu.memref_slice %arg6[%dma_start3A_658, %dma_start3A_659, %dma_start3A_660] : memref<2x896x64xf32, #tpu.memory_space<vmem>> -> memref<1x128x64xf32, #tpu.memory_space<vmem>>
    %dma_start3A_662 = tpu.memref_squeeze %dma_start3A_661 : memref<1x128x64xf32, #tpu.memory_space<vmem>> -> memref<128x64xf32, #tpu.memory_space<vmem>>
    %dma_start3A_663 = arith.constant 0 : i32
    %dma_start3A_664 = tpu.memref_slice %arg5[%dma_start3A_657, %dma_start3A_663] : memref<51x128xi32, #tpu.memory_space<vmem>> -> memref<1x128xi32, #tpu.memory_space<vmem>>
    %dma_start3A_665 = tpu.memref_squeeze %dma_start3A_664 : memref<1x128xi32, #tpu.memory_space<vmem>> -> memref<128xi32, #tpu.memory_space<vmem>>
    %dma_start3A_666 = arith.constant 0 : i32
    %dma_start3A_667 = arith.constant 0 : i32
    %dma_start3A_668 = tpu.memref_slice %arg2[%dma_start3A_666, %dma_start3A_667] : memref<1000003x64xf32, #tpu.memory_space<hbm>> -> memref<1000003x64xf32, #tpu.memory_space<hbm>>
    tpu.enqueue_indirect_dma source(%dma_start3A_668 : memref<1000003x64xf32, #tpu.memory_space<hbm>>) target(%dma_start3A_662 : memref<128x64xf32, #tpu.memory_space<vmem>>) offsets(%dma_start3A_665 : memref<128xi32, #tpu.memory_space<vmem>>) semaphore(%arg7 : memref<!tpu.dma_semaphore, #tpu.memory_space<semaphore_mem>>)
    %dma_start3A_669 = arith.constant 34 : i32
    %dma_start3A_670 = arith.constant 0 : i32
    %dma_start3A_671 = arith.constant 768 : i32
    %dma_start3A_672 = arith.constant 0 : i32
    %dma_start3A_673 = tpu.memref_slice %arg6[%dma_start3A_670, %dma_start3A_671, %dma_start3A_672] : memref<2x896x64xf32, #tpu.memory_space<vmem>> -> memref<1x128x64xf32, #tpu.memory_space<vmem>>
    %dma_start3A_674 = tpu.memref_squeeze %dma_start3A_673 : memref<1x128x64xf32, #tpu.memory_space<vmem>> -> memref<128x64xf32, #tpu.memory_space<vmem>>
    %dma_start3A_675 = arith.constant 0 : i32
    %dma_start3A_676 = tpu.memref_slice %arg5[%dma_start3A_669, %dma_start3A_675] : memref<51x128xi32, #tpu.memory_space<vmem>> -> memref<1x128xi32, #tpu.memory_space<vmem>>
    %dma_start3A_677 = tpu.memref_squeeze %dma_start3A_676 : memref<1x128xi32, #tpu.memory_space<vmem>> -> memref<128xi32, #tpu.memory_space<vmem>>
    %dma_start3A_678 = arith.constant 0 : i32
    %dma_start3A_679 = arith.constant 0 : i32
    %dma_start3A_680 = tpu.memref_slice %arg2[%dma_start3A_678, %dma_start3A_679] : memref<1000003x64xf32, #tpu.memory_space<hbm>> -> memref<1000003x64xf32, #tpu.memory_space<hbm>>
    tpu.enqueue_indirect_dma source(%dma_start3A_680 : memref<1000003x64xf32, #tpu.memory_space<hbm>>) target(%dma_start3A_674 : memref<128x64xf32, #tpu.memory_space<vmem>>) offsets(%dma_start3A_677 : memref<128xi32, #tpu.memory_space<vmem>>) semaphore(%arg7 : memref<!tpu.dma_semaphore, #tpu.memory_space<semaphore_mem>>)
    %dma_wait3A_681 = arith.constant 21 : i32
    %dma_wait3A_682 = arith.constant 1 : i32
    %dma_wait3A_683 = arith.constant 0 : i32
    %dma_wait3A_684 = arith.constant 0 : i32
    %dma_wait3A_685 = tpu.memref_slice %arg6[%dma_wait3A_682, %dma_wait3A_683, %dma_wait3A_684] : memref<2x896x64xf32, #tpu.memory_space<vmem>> -> memref<1x128x64xf32, #tpu.memory_space<vmem>>
    %dma_wait3A_686 = tpu.memref_squeeze %dma_wait3A_685 : memref<1x128x64xf32, #tpu.memory_space<vmem>> -> memref<128x64xf32, #tpu.memory_space<vmem>>
    %dma_wait3A_687 = arith.constant 0 : i32
    %dma_wait3A_688 = tpu.memref_slice %arg5[%dma_wait3A_681, %dma_wait3A_687] : memref<51x128xi32, #tpu.memory_space<vmem>> -> memref<1x128xi32, #tpu.memory_space<vmem>>
    %dma_wait3A_689 = tpu.memref_squeeze %dma_wait3A_688 : memref<1x128xi32, #tpu.memory_space<vmem>> -> memref<128xi32, #tpu.memory_space<vmem>>
    %dma_wait3A_690 = arith.constant 0 : i32
    %dma_wait3A_691 = arith.constant 0 : i32
    %dma_wait3A_692 = tpu.memref_slice %arg2[%dma_wait3A_690, %dma_wait3A_691] : memref<1000003x64xf32, #tpu.memory_space<hbm>> -> memref<1000003x64xf32, #tpu.memory_space<hbm>>
    tpu.wait_indirect_dma semaphore(%arg8 : memref<!tpu.dma_semaphore, #tpu.memory_space<semaphore_mem>>) src(%dma_wait3A_692 : memref<1000003x64xf32, #tpu.memory_space<hbm>>) dst(%dma_wait3A_686 : memref<128x64xf32, #tpu.memory_space<vmem>>)
    %dma_wait3A_693 = arith.constant 22 : i32
    %dma_wait3A_694 = arith.constant 1 : i32
    %dma_wait3A_695 = arith.constant 128 : i32
    %dma_wait3A_696 = arith.constant 0 : i32
    %dma_wait3A_697 = tpu.memref_slice %arg6[%dma_wait3A_694, %dma_wait3A_695, %dma_wait3A_696] : memref<2x896x64xf32, #tpu.memory_space<vmem>> -> memref<1x128x64xf32, #tpu.memory_space<vmem>>
    %dma_wait3A_698 = tpu.memref_squeeze %dma_wait3A_697 : memref<1x128x64xf32, #tpu.memory_space<vmem>> -> memref<128x64xf32, #tpu.memory_space<vmem>>
    %dma_wait3A_699 = arith.constant 0 : i32
    %dma_wait3A_700 = tpu.memref_slice %arg5[%dma_wait3A_693, %dma_wait3A_699] : memref<51x128xi32, #tpu.memory_space<vmem>> -> memref<1x128xi32, #tpu.memory_space<vmem>>
    %dma_wait3A_701 = tpu.memref_squeeze %dma_wait3A_700 : memref<1x128xi32, #tpu.memory_space<vmem>> -> memref<128xi32, #tpu.memory_space<vmem>>
    %dma_wait3A_702 = arith.constant 0 : i32
    %dma_wait3A_703 = arith.constant 0 : i32
    %dma_wait3A_704 = tpu.memref_slice %arg2[%dma_wait3A_702, %dma_wait3A_703] : memref<1000003x64xf32, #tpu.memory_space<hbm>> -> memref<1000003x64xf32, #tpu.memory_space<hbm>>
    tpu.wait_indirect_dma semaphore(%arg8 : memref<!tpu.dma_semaphore, #tpu.memory_space<semaphore_mem>>) src(%dma_wait3A_704 : memref<1000003x64xf32, #tpu.memory_space<hbm>>) dst(%dma_wait3A_698 : memref<128x64xf32, #tpu.memory_space<vmem>>)
    %dma_wait3A_705 = arith.constant 23 : i32
    %dma_wait3A_706 = arith.constant 1 : i32
    %dma_wait3A_707 = arith.constant 256 : i32
    %dma_wait3A_708 = arith.constant 0 : i32
    %dma_wait3A_709 = tpu.memref_slice %arg6[%dma_wait3A_706, %dma_wait3A_707, %dma_wait3A_708] : memref<2x896x64xf32, #tpu.memory_space<vmem>> -> memref<1x128x64xf32, #tpu.memory_space<vmem>>
    %dma_wait3A_710 = tpu.memref_squeeze %dma_wait3A_709 : memref<1x128x64xf32, #tpu.memory_space<vmem>> -> memref<128x64xf32, #tpu.memory_space<vmem>>
    %dma_wait3A_711 = arith.constant 0 : i32
    %dma_wait3A_712 = tpu.memref_slice %arg5[%dma_wait3A_705, %dma_wait3A_711] : memref<51x128xi32, #tpu.memory_space<vmem>> -> memref<1x128xi32, #tpu.memory_space<vmem>>
    %dma_wait3A_713 = tpu.memref_squeeze %dma_wait3A_712 : memref<1x128xi32, #tpu.memory_space<vmem>> -> memref<128xi32, #tpu.memory_space<vmem>>
    %dma_wait3A_714 = arith.constant 0 : i32
    %dma_wait3A_715 = arith.constant 0 : i32
    %dma_wait3A_716 = tpu.memref_slice %arg2[%dma_wait3A_714, %dma_wait3A_715] : memref<1000003x64xf32, #tpu.memory_space<hbm>> -> memref<1000003x64xf32, #tpu.memory_space<hbm>>
    tpu.wait_indirect_dma semaphore(%arg8 : memref<!tpu.dma_semaphore, #tpu.memory_space<semaphore_mem>>) src(%dma_wait3A_716 : memref<1000003x64xf32, #tpu.memory_space<hbm>>) dst(%dma_wait3A_710 : memref<128x64xf32, #tpu.memory_space<vmem>>)
    %dma_wait3A_717 = arith.constant 24 : i32
    %dma_wait3A_718 = arith.constant 1 : i32
    %dma_wait3A_719 = arith.constant 384 : i32
    %dma_wait3A_720 = arith.constant 0 : i32
    %dma_wait3A_721 = tpu.memref_slice %arg6[%dma_wait3A_718, %dma_wait3A_719, %dma_wait3A_720] : memref<2x896x64xf32, #tpu.memory_space<vmem>> -> memref<1x128x64xf32, #tpu.memory_space<vmem>>
    %dma_wait3A_722 = tpu.memref_squeeze %dma_wait3A_721 : memref<1x128x64xf32, #tpu.memory_space<vmem>> -> memref<128x64xf32, #tpu.memory_space<vmem>>
    %dma_wait3A_723 = arith.constant 0 : i32
    %dma_wait3A_724 = tpu.memref_slice %arg5[%dma_wait3A_717, %dma_wait3A_723] : memref<51x128xi32, #tpu.memory_space<vmem>> -> memref<1x128xi32, #tpu.memory_space<vmem>>
    %dma_wait3A_725 = tpu.memref_squeeze %dma_wait3A_724 : memref<1x128xi32, #tpu.memory_space<vmem>> -> memref<128xi32, #tpu.memory_space<vmem>>
    %dma_wait3A_726 = arith.constant 0 : i32
    %dma_wait3A_727 = arith.constant 0 : i32
    %dma_wait3A_728 = tpu.memref_slice %arg2[%dma_wait3A_726, %dma_wait3A_727] : memref<1000003x64xf32, #tpu.memory_space<hbm>> -> memref<1000003x64xf32, #tpu.memory_space<hbm>>
    tpu.wait_indirect_dma semaphore(%arg8 : memref<!tpu.dma_semaphore, #tpu.memory_space<semaphore_mem>>) src(%dma_wait3A_728 : memref<1000003x64xf32, #tpu.memory_space<hbm>>) dst(%dma_wait3A_722 : memref<128x64xf32, #tpu.memory_space<vmem>>)
    %dma_wait3A_729 = arith.constant 25 : i32
    %dma_wait3A_730 = arith.constant 1 : i32
    %dma_wait3A_731 = arith.constant 512 : i32
    %dma_wait3A_732 = arith.constant 0 : i32
    %dma_wait3A_733 = tpu.memref_slice %arg6[%dma_wait3A_730, %dma_wait3A_731, %dma_wait3A_732] : memref<2x896x64xf32, #tpu.memory_space<vmem>> -> memref<1x128x64xf32, #tpu.memory_space<vmem>>
    %dma_wait3A_734 = tpu.memref_squeeze %dma_wait3A_733 : memref<1x128x64xf32, #tpu.memory_space<vmem>> -> memref<128x64xf32, #tpu.memory_space<vmem>>
    %dma_wait3A_735 = arith.constant 0 : i32
    %dma_wait3A_736 = tpu.memref_slice %arg5[%dma_wait3A_729, %dma_wait3A_735] : memref<51x128xi32, #tpu.memory_space<vmem>> -> memref<1x128xi32, #tpu.memory_space<vmem>>
    %dma_wait3A_737 = tpu.memref_squeeze %dma_wait3A_736 : memref<1x128xi32, #tpu.memory_space<vmem>> -> memref<128xi32, #tpu.memory_space<vmem>>
    %dma_wait3A_738 = arith.constant 0 : i32
    %dma_wait3A_739 = arith.constant 0 : i32
    %dma_wait3A_740 = tpu.memref_slice %arg2[%dma_wait3A_738, %dma_wait3A_739] : memref<1000003x64xf32, #tpu.memory_space<hbm>> -> memref<1000003x64xf32, #tpu.memory_space<hbm>>
    tpu.wait_indirect_dma semaphore(%arg8 : memref<!tpu.dma_semaphore, #tpu.memory_space<semaphore_mem>>) src(%dma_wait3A_740 : memref<1000003x64xf32, #tpu.memory_space<hbm>>) dst(%dma_wait3A_734 : memref<128x64xf32, #tpu.memory_space<vmem>>)
    %dma_wait3A_741 = arith.constant 26 : i32
    %dma_wait3A_742 = arith.constant 1 : i32
    %dma_wait3A_743 = arith.constant 640 : i32
    %dma_wait3A_744 = arith.constant 0 : i32
    %dma_wait3A_745 = tpu.memref_slice %arg6[%dma_wait3A_742, %dma_wait3A_743, %dma_wait3A_744] : memref<2x896x64xf32, #tpu.memory_space<vmem>> -> memref<1x128x64xf32, #tpu.memory_space<vmem>>
    %dma_wait3A_746 = tpu.memref_squeeze %dma_wait3A_745 : memref<1x128x64xf32, #tpu.memory_space<vmem>> -> memref<128x64xf32, #tpu.memory_space<vmem>>
    %dma_wait3A_747 = arith.constant 0 : i32
    %dma_wait3A_748 = tpu.memref_slice %arg5[%dma_wait3A_741, %dma_wait3A_747] : memref<51x128xi32, #tpu.memory_space<vmem>> -> memref<1x128xi32, #tpu.memory_space<vmem>>
    %dma_wait3A_749 = tpu.memref_squeeze %dma_wait3A_748 : memref<1x128xi32, #tpu.memory_space<vmem>> -> memref<128xi32, #tpu.memory_space<vmem>>
    %dma_wait3A_750 = arith.constant 0 : i32
    %dma_wait3A_751 = arith.constant 0 : i32
    %dma_wait3A_752 = tpu.memref_slice %arg2[%dma_wait3A_750, %dma_wait3A_751] : memref<1000003x64xf32, #tpu.memory_space<hbm>> -> memref<1000003x64xf32, #tpu.memory_space<hbm>>
    tpu.wait_indirect_dma semaphore(%arg8 : memref<!tpu.dma_semaphore, #tpu.memory_space<semaphore_mem>>) src(%dma_wait3A_752 : memref<1000003x64xf32, #tpu.memory_space<hbm>>) dst(%dma_wait3A_746 : memref<128x64xf32, #tpu.memory_space<vmem>>)
    %dma_wait3A_753 = arith.constant 27 : i32
    %dma_wait3A_754 = arith.constant 1 : i32
    %dma_wait3A_755 = arith.constant 768 : i32
    %dma_wait3A_756 = arith.constant 0 : i32
    %dma_wait3A_757 = tpu.memref_slice %arg6[%dma_wait3A_754, %dma_wait3A_755, %dma_wait3A_756] : memref<2x896x64xf32, #tpu.memory_space<vmem>> -> memref<1x128x64xf32, #tpu.memory_space<vmem>>
    %dma_wait3A_758 = tpu.memref_squeeze %dma_wait3A_757 : memref<1x128x64xf32, #tpu.memory_space<vmem>> -> memref<128x64xf32, #tpu.memory_space<vmem>>
    %dma_wait3A_759 = arith.constant 0 : i32
    %dma_wait3A_760 = tpu.memref_slice %arg5[%dma_wait3A_753, %dma_wait3A_759] : memref<51x128xi32, #tpu.memory_space<vmem>> -> memref<1x128xi32, #tpu.memory_space<vmem>>
    %dma_wait3A_761 = tpu.memref_squeeze %dma_wait3A_760 : memref<1x128xi32, #tpu.memory_space<vmem>> -> memref<128xi32, #tpu.memory_space<vmem>>
    %dma_wait3A_762 = arith.constant 0 : i32
    %dma_wait3A_763 = arith.constant 0 : i32
    %dma_wait3A_764 = tpu.memref_slice %arg2[%dma_wait3A_762, %dma_wait3A_763] : memref<1000003x64xf32, #tpu.memory_space<hbm>> -> memref<1000003x64xf32, #tpu.memory_space<hbm>>
    tpu.wait_indirect_dma semaphore(%arg8 : memref<!tpu.dma_semaphore, #tpu.memory_space<semaphore_mem>>) src(%dma_wait3A_764 : memref<1000003x64xf32, #tpu.memory_space<hbm>>) dst(%dma_wait3A_758 : memref<128x64xf32, #tpu.memory_space<vmem>>)
    %add3A_765 = arith.constant 2688 : i32
    %add3A_766 = arith.addi %mul3A_2, %add3A_765 : i32
    %run_scoped3A_767 = arith.constant 1 : i32
    "tpu.region"() ({
      %run_scoped3A_1248 = tpu.sem_alloc : memref<!tpu.dma_semaphore, #tpu.memory_space<semaphore_mem>>
      %dma_start3A_1249 = arith.constant 0 : i32
      %dma_start3A_1250 = arith.constant 0 : i32
      %dma_start3A_1251 = tpu.memref_slice %arg6[%run_scoped3A_767, %dma_start3A_1249, %dma_start3A_1250] : memref<2x896x64xf32, #tpu.memory_space<vmem>> -> memref<1x896x64xf32, #tpu.memory_space<vmem>>
      %dma_start3A_1252 = tpu.memref_squeeze %dma_start3A_1251 : memref<1x896x64xf32, #tpu.memory_space<vmem>> -> memref<896x64xf32, #tpu.memory_space<vmem>>
      %dma_start3A_1253 = arith.constant 0 : i32
      %dma_start3A_1254 = tpu.memref_slice %arg4[%add3A_766, %dma_start3A_1253] : memref<206848x64xf32, #tpu.memory_space<hbm>> -> memref<896x64xf32, #tpu.memory_space<hbm>>
      %dma_start3A_1255 = arith.constant 0 : i32
      %dma_start3A_1256 = tpu.memref_slice %arg4[%add3A_766, %dma_start3A_1255] : memref<206848x64xf32, #tpu.memory_space<hbm>> -> memref<896x64xf32, #tpu.memory_space<hbm>>
      %dma_start3A_1257 = arith.constant 0 : i32
      %dma_start3A_1258 = arith.constant 0 : i32
      %dma_start3A_1259 = tpu.memref_slice %arg6[%run_scoped3A_767, %dma_start3A_1257, %dma_start3A_1258] : memref<2x896x64xf32, #tpu.memory_space<vmem>> -> memref<1x896x64xf32, #tpu.memory_space<vmem>>
      %dma_start3A_1260 = tpu.memref_squeeze %dma_start3A_1259 : memref<1x896x64xf32, #tpu.memory_space<vmem>> -> memref<896x64xf32, #tpu.memory_space<vmem>>
      tpu.enqueue_dma source(%dma_start3A_1260 : memref<896x64xf32, #tpu.memory_space<vmem>>) target(%dma_start3A_1256 : memref<896x64xf32, #tpu.memory_space<hbm>>) target_semaphore(%run_scoped3A_1248 : memref<!tpu.dma_semaphore, #tpu.memory_space<semaphore_mem>>)
      %dma_wait3A_1261 = arith.constant 0 : i32
      %dma_wait3A_1262 = arith.constant 0 : i32
      %dma_wait3A_1263 = tpu.memref_slice %arg6[%run_scoped3A_767, %dma_wait3A_1261, %dma_wait3A_1262] : memref<2x896x64xf32, #tpu.memory_space<vmem>> -> memref<1x896x64xf32, #tpu.memory_space<vmem>>
      %dma_wait3A_1264 = tpu.memref_squeeze %dma_wait3A_1263 : memref<1x896x64xf32, #tpu.memory_space<vmem>> -> memref<896x64xf32, #tpu.memory_space<vmem>>
      %dma_wait3A_1265 = arith.constant 0 : i32
      %dma_wait3A_1266 = tpu.memref_slice %arg4[%add3A_766, %dma_wait3A_1265] : memref<206848x64xf32, #tpu.memory_space<hbm>> -> memref<896x64xf32, #tpu.memory_space<hbm>>
      %dma_wait3A_1267 = arith.constant 0 : i32
      %dma_wait3A_1268 = tpu.memref_slice %arg4[%add3A_766, %dma_wait3A_1267] : memref<206848x64xf32, #tpu.memory_space<hbm>> -> memref<896x64xf32, #tpu.memory_space<hbm>>
      %dma_wait3A_1269 = arith.constant 0 : i32
      %dma_wait3A_1270 = arith.constant 0 : i32
      %dma_wait3A_1271 = tpu.memref_slice %arg6[%run_scoped3A_767, %dma_wait3A_1269, %dma_wait3A_1270] : memref<2x896x64xf32, #tpu.memory_space<vmem>> -> memref<1x896x64xf32, #tpu.memory_space<vmem>>
      %dma_wait3A_1272 = tpu.memref_squeeze %dma_wait3A_1271 : memref<1x896x64xf32, #tpu.memory_space<vmem>> -> memref<896x64xf32, #tpu.memory_space<vmem>>
      tpu.wait_dma2 semaphore(%run_scoped3A_1248 : memref<!tpu.dma_semaphore, #tpu.memory_space<semaphore_mem>>) src(%dma_wait3A_1272 : memref<896x64xf32, #tpu.memory_space<vmem>>) dst(%dma_wait3A_1268 : memref<896x64xf32, #tpu.memory_space<hbm>>)
      tpu.yield
    }) : () -> ()
    %dma_start3A_768 = arith.constant 35 : i32
    %dma_start3A_769 = arith.constant 1 : i32
    %dma_start3A_770 = arith.constant 0 : i32
    %dma_start3A_771 = arith.constant 0 : i32
    %dma_start3A_772 = tpu.memref_slice %arg6[%dma_start3A_769, %dma_start3A_770, %dma_start3A_771] : memref<2x896x64xf32, #tpu.memory_space<vmem>> -> memref<1x128x64xf32, #tpu.memory_space<vmem>>
    %dma_start3A_773 = tpu.memref_squeeze %dma_start3A_772 : memref<1x128x64xf32, #tpu.memory_space<vmem>> -> memref<128x64xf32, #tpu.memory_space<vmem>>
    %dma_start3A_774 = arith.constant 0 : i32
    %dma_start3A_775 = tpu.memref_slice %arg5[%dma_start3A_768, %dma_start3A_774] : memref<51x128xi32, #tpu.memory_space<vmem>> -> memref<1x128xi32, #tpu.memory_space<vmem>>
    %dma_start3A_776 = tpu.memref_squeeze %dma_start3A_775 : memref<1x128xi32, #tpu.memory_space<vmem>> -> memref<128xi32, #tpu.memory_space<vmem>>
    %dma_start3A_777 = arith.constant 0 : i32
    %dma_start3A_778 = arith.constant 0 : i32
    %dma_start3A_779 = tpu.memref_slice %arg2[%dma_start3A_777, %dma_start3A_778] : memref<1000003x64xf32, #tpu.memory_space<hbm>> -> memref<1000003x64xf32, #tpu.memory_space<hbm>>
    tpu.enqueue_indirect_dma source(%dma_start3A_779 : memref<1000003x64xf32, #tpu.memory_space<hbm>>) target(%dma_start3A_773 : memref<128x64xf32, #tpu.memory_space<vmem>>) offsets(%dma_start3A_776 : memref<128xi32, #tpu.memory_space<vmem>>) semaphore(%arg8 : memref<!tpu.dma_semaphore, #tpu.memory_space<semaphore_mem>>)
    %dma_start3A_780 = arith.constant 36 : i32
    %dma_start3A_781 = arith.constant 1 : i32
    %dma_start3A_782 = arith.constant 128 : i32
    %dma_start3A_783 = arith.constant 0 : i32
    %dma_start3A_784 = tpu.memref_slice %arg6[%dma_start3A_781, %dma_start3A_782, %dma_start3A_783] : memref<2x896x64xf32, #tpu.memory_space<vmem>> -> memref<1x128x64xf32, #tpu.memory_space<vmem>>
    %dma_start3A_785 = tpu.memref_squeeze %dma_start3A_784 : memref<1x128x64xf32, #tpu.memory_space<vmem>> -> memref<128x64xf32, #tpu.memory_space<vmem>>
    %dma_start3A_786 = arith.constant 0 : i32
    %dma_start3A_787 = tpu.memref_slice %arg5[%dma_start3A_780, %dma_start3A_786] : memref<51x128xi32, #tpu.memory_space<vmem>> -> memref<1x128xi32, #tpu.memory_space<vmem>>
    %dma_start3A_788 = tpu.memref_squeeze %dma_start3A_787 : memref<1x128xi32, #tpu.memory_space<vmem>> -> memref<128xi32, #tpu.memory_space<vmem>>
    %dma_start3A_789 = arith.constant 0 : i32
    %dma_start3A_790 = arith.constant 0 : i32
    %dma_start3A_791 = tpu.memref_slice %arg2[%dma_start3A_789, %dma_start3A_790] : memref<1000003x64xf32, #tpu.memory_space<hbm>> -> memref<1000003x64xf32, #tpu.memory_space<hbm>>
    tpu.enqueue_indirect_dma source(%dma_start3A_791 : memref<1000003x64xf32, #tpu.memory_space<hbm>>) target(%dma_start3A_785 : memref<128x64xf32, #tpu.memory_space<vmem>>) offsets(%dma_start3A_788 : memref<128xi32, #tpu.memory_space<vmem>>) semaphore(%arg8 : memref<!tpu.dma_semaphore, #tpu.memory_space<semaphore_mem>>)
    %dma_start3A_792 = arith.constant 37 : i32
    %dma_start3A_793 = arith.constant 1 : i32
    %dma_start3A_794 = arith.constant 256 : i32
    %dma_start3A_795 = arith.constant 0 : i32
    %dma_start3A_796 = tpu.memref_slice %arg6[%dma_start3A_793, %dma_start3A_794, %dma_start3A_795] : memref<2x896x64xf32, #tpu.memory_space<vmem>> -> memref<1x128x64xf32, #tpu.memory_space<vmem>>
    %dma_start3A_797 = tpu.memref_squeeze %dma_start3A_796 : memref<1x128x64xf32, #tpu.memory_space<vmem>> -> memref<128x64xf32, #tpu.memory_space<vmem>>
    %dma_start3A_798 = arith.constant 0 : i32
    %dma_start3A_799 = tpu.memref_slice %arg5[%dma_start3A_792, %dma_start3A_798] : memref<51x128xi32, #tpu.memory_space<vmem>> -> memref<1x128xi32, #tpu.memory_space<vmem>>
    %dma_start3A_800 = tpu.memref_squeeze %dma_start3A_799 : memref<1x128xi32, #tpu.memory_space<vmem>> -> memref<128xi32, #tpu.memory_space<vmem>>
    %dma_start3A_801 = arith.constant 0 : i32
    %dma_start3A_802 = arith.constant 0 : i32
    %dma_start3A_803 = tpu.memref_slice %arg2[%dma_start3A_801, %dma_start3A_802] : memref<1000003x64xf32, #tpu.memory_space<hbm>> -> memref<1000003x64xf32, #tpu.memory_space<hbm>>
    tpu.enqueue_indirect_dma source(%dma_start3A_803 : memref<1000003x64xf32, #tpu.memory_space<hbm>>) target(%dma_start3A_797 : memref<128x64xf32, #tpu.memory_space<vmem>>) offsets(%dma_start3A_800 : memref<128xi32, #tpu.memory_space<vmem>>) semaphore(%arg8 : memref<!tpu.dma_semaphore, #tpu.memory_space<semaphore_mem>>)
    %dma_start3A_804 = arith.constant 38 : i32
    %dma_start3A_805 = arith.constant 1 : i32
    %dma_start3A_806 = arith.constant 384 : i32
    %dma_start3A_807 = arith.constant 0 : i32
    %dma_start3A_808 = tpu.memref_slice %arg6[%dma_start3A_805, %dma_start3A_806, %dma_start3A_807] : memref<2x896x64xf32, #tpu.memory_space<vmem>> -> memref<1x128x64xf32, #tpu.memory_space<vmem>>
    %dma_start3A_809 = tpu.memref_squeeze %dma_start3A_808 : memref<1x128x64xf32, #tpu.memory_space<vmem>> -> memref<128x64xf32, #tpu.memory_space<vmem>>
    %dma_start3A_810 = arith.constant 0 : i32
    %dma_start3A_811 = tpu.memref_slice %arg5[%dma_start3A_804, %dma_start3A_810] : memref<51x128xi32, #tpu.memory_space<vmem>> -> memref<1x128xi32, #tpu.memory_space<vmem>>
    %dma_start3A_812 = tpu.memref_squeeze %dma_start3A_811 : memref<1x128xi32, #tpu.memory_space<vmem>> -> memref<128xi32, #tpu.memory_space<vmem>>
    %dma_start3A_813 = arith.constant 0 : i32
    %dma_start3A_814 = arith.constant 0 : i32
    %dma_start3A_815 = tpu.memref_slice %arg2[%dma_start3A_813, %dma_start3A_814] : memref<1000003x64xf32, #tpu.memory_space<hbm>> -> memref<1000003x64xf32, #tpu.memory_space<hbm>>
    tpu.enqueue_indirect_dma source(%dma_start3A_815 : memref<1000003x64xf32, #tpu.memory_space<hbm>>) target(%dma_start3A_809 : memref<128x64xf32, #tpu.memory_space<vmem>>) offsets(%dma_start3A_812 : memref<128xi32, #tpu.memory_space<vmem>>) semaphore(%arg8 : memref<!tpu.dma_semaphore, #tpu.memory_space<semaphore_mem>>)
    %dma_start3A_816 = arith.constant 39 : i32
    %dma_start3A_817 = arith.constant 1 : i32
    %dma_start3A_818 = arith.constant 512 : i32
    %dma_start3A_819 = arith.constant 0 : i32
    %dma_start3A_820 = tpu.memref_slice %arg6[%dma_start3A_817, %dma_start3A_818, %dma_start3A_819] : memref<2x896x64xf32, #tpu.memory_space<vmem>> -> memref<1x128x64xf32, #tpu.memory_space<vmem>>
    %dma_start3A_821 = tpu.memref_squeeze %dma_start3A_820 : memref<1x128x64xf32, #tpu.memory_space<vmem>> -> memref<128x64xf32, #tpu.memory_space<vmem>>
    %dma_start3A_822 = arith.constant 0 : i32
    %dma_start3A_823 = tpu.memref_slice %arg5[%dma_start3A_816, %dma_start3A_822] : memref<51x128xi32, #tpu.memory_space<vmem>> -> memref<1x128xi32, #tpu.memory_space<vmem>>
    %dma_start3A_824 = tpu.memref_squeeze %dma_start3A_823 : memref<1x128xi32, #tpu.memory_space<vmem>> -> memref<128xi32, #tpu.memory_space<vmem>>
    %dma_start3A_825 = arith.constant 0 : i32
    %dma_start3A_826 = arith.constant 0 : i32
    %dma_start3A_827 = tpu.memref_slice %arg2[%dma_start3A_825, %dma_start3A_826] : memref<1000003x64xf32, #tpu.memory_space<hbm>> -> memref<1000003x64xf32, #tpu.memory_space<hbm>>
    tpu.enqueue_indirect_dma source(%dma_start3A_827 : memref<1000003x64xf32, #tpu.memory_space<hbm>>) target(%dma_start3A_821 : memref<128x64xf32, #tpu.memory_space<vmem>>) offsets(%dma_start3A_824 : memref<128xi32, #tpu.memory_space<vmem>>) semaphore(%arg8 : memref<!tpu.dma_semaphore, #tpu.memory_space<semaphore_mem>>)
    %dma_start3A_828 = arith.constant 40 : i32
    %dma_start3A_829 = arith.constant 1 : i32
    %dma_start3A_830 = arith.constant 640 : i32
    %dma_start3A_831 = arith.constant 0 : i32
    %dma_start3A_832 = tpu.memref_slice %arg6[%dma_start3A_829, %dma_start3A_830, %dma_start3A_831] : memref<2x896x64xf32, #tpu.memory_space<vmem>> -> memref<1x128x64xf32, #tpu.memory_space<vmem>>
    %dma_start3A_833 = tpu.memref_squeeze %dma_start3A_832 : memref<1x128x64xf32, #tpu.memory_space<vmem>> -> memref<128x64xf32, #tpu.memory_space<vmem>>
    %dma_start3A_834 = arith.constant 0 : i32
    %dma_start3A_835 = tpu.memref_slice %arg5[%dma_start3A_828, %dma_start3A_834] : memref<51x128xi32, #tpu.memory_space<vmem>> -> memref<1x128xi32, #tpu.memory_space<vmem>>
    %dma_start3A_836 = tpu.memref_squeeze %dma_start3A_835 : memref<1x128xi32, #tpu.memory_space<vmem>> -> memref<128xi32, #tpu.memory_space<vmem>>
    %dma_start3A_837 = arith.constant 0 : i32
    %dma_start3A_838 = arith.constant 0 : i32
    %dma_start3A_839 = tpu.memref_slice %arg2[%dma_start3A_837, %dma_start3A_838] : memref<1000003x64xf32, #tpu.memory_space<hbm>> -> memref<1000003x64xf32, #tpu.memory_space<hbm>>
    tpu.enqueue_indirect_dma source(%dma_start3A_839 : memref<1000003x64xf32, #tpu.memory_space<hbm>>) target(%dma_start3A_833 : memref<128x64xf32, #tpu.memory_space<vmem>>) offsets(%dma_start3A_836 : memref<128xi32, #tpu.memory_space<vmem>>) semaphore(%arg8 : memref<!tpu.dma_semaphore, #tpu.memory_space<semaphore_mem>>)
    %dma_start3A_840 = arith.constant 41 : i32
    %dma_start3A_841 = arith.constant 1 : i32
    %dma_start3A_842 = arith.constant 768 : i32
    %dma_start3A_843 = arith.constant 0 : i32
    %dma_start3A_844 = tpu.memref_slice %arg6[%dma_start3A_841, %dma_start3A_842, %dma_start3A_843] : memref<2x896x64xf32, #tpu.memory_space<vmem>> -> memref<1x128x64xf32, #tpu.memory_space<vmem>>
    %dma_start3A_845 = tpu.memref_squeeze %dma_start3A_844 : memref<1x128x64xf32, #tpu.memory_space<vmem>> -> memref<128x64xf32, #tpu.memory_space<vmem>>
    %dma_start3A_846 = arith.constant 0 : i32
    %dma_start3A_847 = tpu.memref_slice %arg5[%dma_start3A_840, %dma_start3A_846] : memref<51x128xi32, #tpu.memory_space<vmem>> -> memref<1x128xi32, #tpu.memory_space<vmem>>
    %dma_start3A_848 = tpu.memref_squeeze %dma_start3A_847 : memref<1x128xi32, #tpu.memory_space<vmem>> -> memref<128xi32, #tpu.memory_space<vmem>>
    %dma_start3A_849 = arith.constant 0 : i32
    %dma_start3A_850 = arith.constant 0 : i32
    %dma_start3A_851 = tpu.memref_slice %arg2[%dma_start3A_849, %dma_start3A_850] : memref<1000003x64xf32, #tpu.memory_space<hbm>> -> memref<1000003x64xf32, #tpu.memory_space<hbm>>
    tpu.enqueue_indirect_dma source(%dma_start3A_851 : memref<1000003x64xf32, #tpu.memory_space<hbm>>) target(%dma_start3A_845 : memref<128x64xf32, #tpu.memory_space<vmem>>) offsets(%dma_start3A_848 : memref<128xi32, #tpu.memory_space<vmem>>) semaphore(%arg8 : memref<!tpu.dma_semaphore, #tpu.memory_space<semaphore_mem>>)
    %dma_wait3A_852 = arith.constant 28 : i32
    %dma_wait3A_853 = arith.constant 0 : i32
    %dma_wait3A_854 = arith.constant 0 : i32
    %dma_wait3A_855 = arith.constant 0 : i32
    %dma_wait3A_856 = tpu.memref_slice %arg6[%dma_wait3A_853, %dma_wait3A_854, %dma_wait3A_855] : memref<2x896x64xf32, #tpu.memory_space<vmem>> -> memref<1x128x64xf32, #tpu.memory_space<vmem>>
    %dma_wait3A_857 = tpu.memref_squeeze %dma_wait3A_856 : memref<1x128x64xf32, #tpu.memory_space<vmem>> -> memref<128x64xf32, #tpu.memory_space<vmem>>
    %dma_wait3A_858 = arith.constant 0 : i32
    %dma_wait3A_859 = tpu.memref_slice %arg5[%dma_wait3A_852, %dma_wait3A_858] : memref<51x128xi32, #tpu.memory_space<vmem>> -> memref<1x128xi32, #tpu.memory_space<vmem>>
    %dma_wait3A_860 = tpu.memref_squeeze %dma_wait3A_859 : memref<1x128xi32, #tpu.memory_space<vmem>> -> memref<128xi32, #tpu.memory_space<vmem>>
    %dma_wait3A_861 = arith.constant 0 : i32
    %dma_wait3A_862 = arith.constant 0 : i32
    %dma_wait3A_863 = tpu.memref_slice %arg2[%dma_wait3A_861, %dma_wait3A_862] : memref<1000003x64xf32, #tpu.memory_space<hbm>> -> memref<1000003x64xf32, #tpu.memory_space<hbm>>
    tpu.wait_indirect_dma semaphore(%arg7 : memref<!tpu.dma_semaphore, #tpu.memory_space<semaphore_mem>>) src(%dma_wait3A_863 : memref<1000003x64xf32, #tpu.memory_space<hbm>>) dst(%dma_wait3A_857 : memref<128x64xf32, #tpu.memory_space<vmem>>)
    %dma_wait3A_864 = arith.constant 29 : i32
    %dma_wait3A_865 = arith.constant 0 : i32
    %dma_wait3A_866 = arith.constant 128 : i32
    %dma_wait3A_867 = arith.constant 0 : i32
    %dma_wait3A_868 = tpu.memref_slice %arg6[%dma_wait3A_865, %dma_wait3A_866, %dma_wait3A_867] : memref<2x896x64xf32, #tpu.memory_space<vmem>> -> memref<1x128x64xf32, #tpu.memory_space<vmem>>
    %dma_wait3A_869 = tpu.memref_squeeze %dma_wait3A_868 : memref<1x128x64xf32, #tpu.memory_space<vmem>> -> memref<128x64xf32, #tpu.memory_space<vmem>>
    %dma_wait3A_870 = arith.constant 0 : i32
    %dma_wait3A_871 = tpu.memref_slice %arg5[%dma_wait3A_864, %dma_wait3A_870] : memref<51x128xi32, #tpu.memory_space<vmem>> -> memref<1x128xi32, #tpu.memory_space<vmem>>
    %dma_wait3A_872 = tpu.memref_squeeze %dma_wait3A_871 : memref<1x128xi32, #tpu.memory_space<vmem>> -> memref<128xi32, #tpu.memory_space<vmem>>
    %dma_wait3A_873 = arith.constant 0 : i32
    %dma_wait3A_874 = arith.constant 0 : i32
    %dma_wait3A_875 = tpu.memref_slice %arg2[%dma_wait3A_873, %dma_wait3A_874] : memref<1000003x64xf32, #tpu.memory_space<hbm>> -> memref<1000003x64xf32, #tpu.memory_space<hbm>>
    tpu.wait_indirect_dma semaphore(%arg7 : memref<!tpu.dma_semaphore, #tpu.memory_space<semaphore_mem>>) src(%dma_wait3A_875 : memref<1000003x64xf32, #tpu.memory_space<hbm>>) dst(%dma_wait3A_869 : memref<128x64xf32, #tpu.memory_space<vmem>>)
    %dma_wait3A_876 = arith.constant 30 : i32
    %dma_wait3A_877 = arith.constant 0 : i32
    %dma_wait3A_878 = arith.constant 256 : i32
    %dma_wait3A_879 = arith.constant 0 : i32
    %dma_wait3A_880 = tpu.memref_slice %arg6[%dma_wait3A_877, %dma_wait3A_878, %dma_wait3A_879] : memref<2x896x64xf32, #tpu.memory_space<vmem>> -> memref<1x128x64xf32, #tpu.memory_space<vmem>>
    %dma_wait3A_881 = tpu.memref_squeeze %dma_wait3A_880 : memref<1x128x64xf32, #tpu.memory_space<vmem>> -> memref<128x64xf32, #tpu.memory_space<vmem>>
    %dma_wait3A_882 = arith.constant 0 : i32
    %dma_wait3A_883 = tpu.memref_slice %arg5[%dma_wait3A_876, %dma_wait3A_882] : memref<51x128xi32, #tpu.memory_space<vmem>> -> memref<1x128xi32, #tpu.memory_space<vmem>>
    %dma_wait3A_884 = tpu.memref_squeeze %dma_wait3A_883 : memref<1x128xi32, #tpu.memory_space<vmem>> -> memref<128xi32, #tpu.memory_space<vmem>>
    %dma_wait3A_885 = arith.constant 0 : i32
    %dma_wait3A_886 = arith.constant 0 : i32
    %dma_wait3A_887 = tpu.memref_slice %arg2[%dma_wait3A_885, %dma_wait3A_886] : memref<1000003x64xf32, #tpu.memory_space<hbm>> -> memref<1000003x64xf32, #tpu.memory_space<hbm>>
    tpu.wait_indirect_dma semaphore(%arg7 : memref<!tpu.dma_semaphore, #tpu.memory_space<semaphore_mem>>) src(%dma_wait3A_887 : memref<1000003x64xf32, #tpu.memory_space<hbm>>) dst(%dma_wait3A_881 : memref<128x64xf32, #tpu.memory_space<vmem>>)
    %dma_wait3A_888 = arith.constant 31 : i32
    %dma_wait3A_889 = arith.constant 0 : i32
    %dma_wait3A_890 = arith.constant 384 : i32
    %dma_wait3A_891 = arith.constant 0 : i32
    %dma_wait3A_892 = tpu.memref_slice %arg6[%dma_wait3A_889, %dma_wait3A_890, %dma_wait3A_891] : memref<2x896x64xf32, #tpu.memory_space<vmem>> -> memref<1x128x64xf32, #tpu.memory_space<vmem>>
    %dma_wait3A_893 = tpu.memref_squeeze %dma_wait3A_892 : memref<1x128x64xf32, #tpu.memory_space<vmem>> -> memref<128x64xf32, #tpu.memory_space<vmem>>
    %dma_wait3A_894 = arith.constant 0 : i32
    %dma_wait3A_895 = tpu.memref_slice %arg5[%dma_wait3A_888, %dma_wait3A_894] : memref<51x128xi32, #tpu.memory_space<vmem>> -> memref<1x128xi32, #tpu.memory_space<vmem>>
    %dma_wait3A_896 = tpu.memref_squeeze %dma_wait3A_895 : memref<1x128xi32, #tpu.memory_space<vmem>> -> memref<128xi32, #tpu.memory_space<vmem>>
    %dma_wait3A_897 = arith.constant 0 : i32
    %dma_wait3A_898 = arith.constant 0 : i32
    %dma_wait3A_899 = tpu.memref_slice %arg2[%dma_wait3A_897, %dma_wait3A_898] : memref<1000003x64xf32, #tpu.memory_space<hbm>> -> memref<1000003x64xf32, #tpu.memory_space<hbm>>
    tpu.wait_indirect_dma semaphore(%arg7 : memref<!tpu.dma_semaphore, #tpu.memory_space<semaphore_mem>>) src(%dma_wait3A_899 : memref<1000003x64xf32, #tpu.memory_space<hbm>>) dst(%dma_wait3A_893 : memref<128x64xf32, #tpu.memory_space<vmem>>)
    %dma_wait3A_900 = arith.constant 32 : i32
    %dma_wait3A_901 = arith.constant 0 : i32
    %dma_wait3A_902 = arith.constant 512 : i32
    %dma_wait3A_903 = arith.constant 0 : i32
    %dma_wait3A_904 = tpu.memref_slice %arg6[%dma_wait3A_901, %dma_wait3A_902, %dma_wait3A_903] : memref<2x896x64xf32, #tpu.memory_space<vmem>> -> memref<1x128x64xf32, #tpu.memory_space<vmem>>
    %dma_wait3A_905 = tpu.memref_squeeze %dma_wait3A_904 : memref<1x128x64xf32, #tpu.memory_space<vmem>> -> memref<128x64xf32, #tpu.memory_space<vmem>>
    %dma_wait3A_906 = arith.constant 0 : i32
    %dma_wait3A_907 = tpu.memref_slice %arg5[%dma_wait3A_900, %dma_wait3A_906] : memref<51x128xi32, #tpu.memory_space<vmem>> -> memref<1x128xi32, #tpu.memory_space<vmem>>
    %dma_wait3A_908 = tpu.memref_squeeze %dma_wait3A_907 : memref<1x128xi32, #tpu.memory_space<vmem>> -> memref<128xi32, #tpu.memory_space<vmem>>
    %dma_wait3A_909 = arith.constant 0 : i32
    %dma_wait3A_910 = arith.constant 0 : i32
    %dma_wait3A_911 = tpu.memref_slice %arg2[%dma_wait3A_909, %dma_wait3A_910] : memref<1000003x64xf32, #tpu.memory_space<hbm>> -> memref<1000003x64xf32, #tpu.memory_space<hbm>>
    tpu.wait_indirect_dma semaphore(%arg7 : memref<!tpu.dma_semaphore, #tpu.memory_space<semaphore_mem>>) src(%dma_wait3A_911 : memref<1000003x64xf32, #tpu.memory_space<hbm>>) dst(%dma_wait3A_905 : memref<128x64xf32, #tpu.memory_space<vmem>>)
    %dma_wait3A_912 = arith.constant 33 : i32
    %dma_wait3A_913 = arith.constant 0 : i32
    %dma_wait3A_914 = arith.constant 640 : i32
    %dma_wait3A_915 = arith.constant 0 : i32
    %dma_wait3A_916 = tpu.memref_slice %arg6[%dma_wait3A_913, %dma_wait3A_914, %dma_wait3A_915] : memref<2x896x64xf32, #tpu.memory_space<vmem>> -> memref<1x128x64xf32, #tpu.memory_space<vmem>>
    %dma_wait3A_917 = tpu.memref_squeeze %dma_wait3A_916 : memref<1x128x64xf32, #tpu.memory_space<vmem>> -> memref<128x64xf32, #tpu.memory_space<vmem>>
    %dma_wait3A_918 = arith.constant 0 : i32
    %dma_wait3A_919 = tpu.memref_slice %arg5[%dma_wait3A_912, %dma_wait3A_918] : memref<51x128xi32, #tpu.memory_space<vmem>> -> memref<1x128xi32, #tpu.memory_space<vmem>>
    %dma_wait3A_920 = tpu.memref_squeeze %dma_wait3A_919 : memref<1x128xi32, #tpu.memory_space<vmem>> -> memref<128xi32, #tpu.memory_space<vmem>>
    %dma_wait3A_921 = arith.constant 0 : i32
    %dma_wait3A_922 = arith.constant 0 : i32
    %dma_wait3A_923 = tpu.memref_slice %arg2[%dma_wait3A_921, %dma_wait3A_922] : memref<1000003x64xf32, #tpu.memory_space<hbm>> -> memref<1000003x64xf32, #tpu.memory_space<hbm>>
    tpu.wait_indirect_dma semaphore(%arg7 : memref<!tpu.dma_semaphore, #tpu.memory_space<semaphore_mem>>) src(%dma_wait3A_923 : memref<1000003x64xf32, #tpu.memory_space<hbm>>) dst(%dma_wait3A_917 : memref<128x64xf32, #tpu.memory_space<vmem>>)
    %dma_wait3A_924 = arith.constant 34 : i32
    %dma_wait3A_925 = arith.constant 0 : i32
    %dma_wait3A_926 = arith.constant 768 : i32
    %dma_wait3A_927 = arith.constant 0 : i32
    %dma_wait3A_928 = tpu.memref_slice %arg6[%dma_wait3A_925, %dma_wait3A_926, %dma_wait3A_927] : memref<2x896x64xf32, #tpu.memory_space<vmem>> -> memref<1x128x64xf32, #tpu.memory_space<vmem>>
    %dma_wait3A_929 = tpu.memref_squeeze %dma_wait3A_928 : memref<1x128x64xf32, #tpu.memory_space<vmem>> -> memref<128x64xf32, #tpu.memory_space<vmem>>
    %dma_wait3A_930 = arith.constant 0 : i32
    %dma_wait3A_931 = tpu.memref_slice %arg5[%dma_wait3A_924, %dma_wait3A_930] : memref<51x128xi32, #tpu.memory_space<vmem>> -> memref<1x128xi32, #tpu.memory_space<vmem>>
    %dma_wait3A_932 = tpu.memref_squeeze %dma_wait3A_931 : memref<1x128xi32, #tpu.memory_space<vmem>> -> memref<128xi32, #tpu.memory_space<vmem>>
    %dma_wait3A_933 = arith.constant 0 : i32
    %dma_wait3A_934 = arith.constant 0 : i32
    %dma_wait3A_935 = tpu.memref_slice %arg2[%dma_wait3A_933, %dma_wait3A_934] : memref<1000003x64xf32, #tpu.memory_space<hbm>> -> memref<1000003x64xf32, #tpu.memory_space<hbm>>
    tpu.wait_indirect_dma semaphore(%arg7 : memref<!tpu.dma_semaphore, #tpu.memory_space<semaphore_mem>>) src(%dma_wait3A_935 : memref<1000003x64xf32, #tpu.memory_space<hbm>>) dst(%dma_wait3A_929 : memref<128x64xf32, #tpu.memory_space<vmem>>)
    %add3A_936 = arith.constant 3584 : i32
    %add3A_937 = arith.addi %mul3A_2, %add3A_936 : i32
    %run_scoped3A_938 = arith.constant 0 : i32
    "tpu.region"() ({
      %run_scoped3A_1248 = tpu.sem_alloc : memref<!tpu.dma_semaphore, #tpu.memory_space<semaphore_mem>>
      %dma_start3A_1249 = arith.constant 0 : i32
      %dma_start3A_1250 = arith.constant 0 : i32
      %dma_start3A_1251 = tpu.memref_slice %arg6[%run_scoped3A_938, %dma_start3A_1249, %dma_start3A_1250] : memref<2x896x64xf32, #tpu.memory_space<vmem>> -> memref<1x896x64xf32, #tpu.memory_space<vmem>>
      %dma_start3A_1252 = tpu.memref_squeeze %dma_start3A_1251 : memref<1x896x64xf32, #tpu.memory_space<vmem>> -> memref<896x64xf32, #tpu.memory_space<vmem>>
      %dma_start3A_1253 = arith.constant 0 : i32
      %dma_start3A_1254 = tpu.memref_slice %arg4[%add3A_937, %dma_start3A_1253] : memref<206848x64xf32, #tpu.memory_space<hbm>> -> memref<896x64xf32, #tpu.memory_space<hbm>>
      %dma_start3A_1255 = arith.constant 0 : i32
      %dma_start3A_1256 = tpu.memref_slice %arg4[%add3A_937, %dma_start3A_1255] : memref<206848x64xf32, #tpu.memory_space<hbm>> -> memref<896x64xf32, #tpu.memory_space<hbm>>
      %dma_start3A_1257 = arith.constant 0 : i32
      %dma_start3A_1258 = arith.constant 0 : i32
      %dma_start3A_1259 = tpu.memref_slice %arg6[%run_scoped3A_938, %dma_start3A_1257, %dma_start3A_1258] : memref<2x896x64xf32, #tpu.memory_space<vmem>> -> memref<1x896x64xf32, #tpu.memory_space<vmem>>
      %dma_start3A_1260 = tpu.memref_squeeze %dma_start3A_1259 : memref<1x896x64xf32, #tpu.memory_space<vmem>> -> memref<896x64xf32, #tpu.memory_space<vmem>>
      tpu.enqueue_dma source(%dma_start3A_1260 : memref<896x64xf32, #tpu.memory_space<vmem>>) target(%dma_start3A_1256 : memref<896x64xf32, #tpu.memory_space<hbm>>) target_semaphore(%run_scoped3A_1248 : memref<!tpu.dma_semaphore, #tpu.memory_space<semaphore_mem>>)
      %dma_wait3A_1261 = arith.constant 0 : i32
      %dma_wait3A_1262 = arith.constant 0 : i32
      %dma_wait3A_1263 = tpu.memref_slice %arg6[%run_scoped3A_938, %dma_wait3A_1261, %dma_wait3A_1262] : memref<2x896x64xf32, #tpu.memory_space<vmem>> -> memref<1x896x64xf32, #tpu.memory_space<vmem>>
      %dma_wait3A_1264 = tpu.memref_squeeze %dma_wait3A_1263 : memref<1x896x64xf32, #tpu.memory_space<vmem>> -> memref<896x64xf32, #tpu.memory_space<vmem>>
      %dma_wait3A_1265 = arith.constant 0 : i32
      %dma_wait3A_1266 = tpu.memref_slice %arg4[%add3A_937, %dma_wait3A_1265] : memref<206848x64xf32, #tpu.memory_space<hbm>> -> memref<896x64xf32, #tpu.memory_space<hbm>>
      %dma_wait3A_1267 = arith.constant 0 : i32
      %dma_wait3A_1268 = tpu.memref_slice %arg4[%add3A_937, %dma_wait3A_1267] : memref<206848x64xf32, #tpu.memory_space<hbm>> -> memref<896x64xf32, #tpu.memory_space<hbm>>
      %dma_wait3A_1269 = arith.constant 0 : i32
      %dma_wait3A_1270 = arith.constant 0 : i32
      %dma_wait3A_1271 = tpu.memref_slice %arg6[%run_scoped3A_938, %dma_wait3A_1269, %dma_wait3A_1270] : memref<2x896x64xf32, #tpu.memory_space<vmem>> -> memref<1x896x64xf32, #tpu.memory_space<vmem>>
      %dma_wait3A_1272 = tpu.memref_squeeze %dma_wait3A_1271 : memref<1x896x64xf32, #tpu.memory_space<vmem>> -> memref<896x64xf32, #tpu.memory_space<vmem>>
      tpu.wait_dma2 semaphore(%run_scoped3A_1248 : memref<!tpu.dma_semaphore, #tpu.memory_space<semaphore_mem>>) src(%dma_wait3A_1272 : memref<896x64xf32, #tpu.memory_space<vmem>>) dst(%dma_wait3A_1268 : memref<896x64xf32, #tpu.memory_space<hbm>>)
      tpu.yield
    }) : () -> ()
    %dma_start3A_939 = arith.constant 42 : i32
    %dma_start3A_940 = arith.constant 0 : i32
    %dma_start3A_941 = arith.constant 0 : i32
    %dma_start3A_942 = arith.constant 0 : i32
    %dma_start3A_943 = tpu.memref_slice %arg6[%dma_start3A_940, %dma_start3A_941, %dma_start3A_942] : memref<2x896x64xf32, #tpu.memory_space<vmem>> -> memref<1x128x64xf32, #tpu.memory_space<vmem>>
    %dma_start3A_944 = tpu.memref_squeeze %dma_start3A_943 : memref<1x128x64xf32, #tpu.memory_space<vmem>> -> memref<128x64xf32, #tpu.memory_space<vmem>>
    %dma_start3A_945 = arith.constant 0 : i32
    %dma_start3A_946 = tpu.memref_slice %arg5[%dma_start3A_939, %dma_start3A_945] : memref<51x128xi32, #tpu.memory_space<vmem>> -> memref<1x128xi32, #tpu.memory_space<vmem>>
    %dma_start3A_947 = tpu.memref_squeeze %dma_start3A_946 : memref<1x128xi32, #tpu.memory_space<vmem>> -> memref<128xi32, #tpu.memory_space<vmem>>
    %dma_start3A_948 = arith.constant 0 : i32
    %dma_start3A_949 = arith.constant 0 : i32
    %dma_start3A_950 = tpu.memref_slice %arg2[%dma_start3A_948, %dma_start3A_949] : memref<1000003x64xf32, #tpu.memory_space<hbm>> -> memref<1000003x64xf32, #tpu.memory_space<hbm>>
    tpu.enqueue_indirect_dma source(%dma_start3A_950 : memref<1000003x64xf32, #tpu.memory_space<hbm>>) target(%dma_start3A_944 : memref<128x64xf32, #tpu.memory_space<vmem>>) offsets(%dma_start3A_947 : memref<128xi32, #tpu.memory_space<vmem>>) semaphore(%arg7 : memref<!tpu.dma_semaphore, #tpu.memory_space<semaphore_mem>>)
    %dma_start3A_951 = arith.constant 43 : i32
    %dma_start3A_952 = arith.constant 0 : i32
    %dma_start3A_953 = arith.constant 128 : i32
    %dma_start3A_954 = arith.constant 0 : i32
    %dma_start3A_955 = tpu.memref_slice %arg6[%dma_start3A_952, %dma_start3A_953, %dma_start3A_954] : memref<2x896x64xf32, #tpu.memory_space<vmem>> -> memref<1x128x64xf32, #tpu.memory_space<vmem>>
    %dma_start3A_956 = tpu.memref_squeeze %dma_start3A_955 : memref<1x128x64xf32, #tpu.memory_space<vmem>> -> memref<128x64xf32, #tpu.memory_space<vmem>>
    %dma_start3A_957 = arith.constant 0 : i32
    %dma_start3A_958 = tpu.memref_slice %arg5[%dma_start3A_951, %dma_start3A_957] : memref<51x128xi32, #tpu.memory_space<vmem>> -> memref<1x128xi32, #tpu.memory_space<vmem>>
    %dma_start3A_959 = tpu.memref_squeeze %dma_start3A_958 : memref<1x128xi32, #tpu.memory_space<vmem>> -> memref<128xi32, #tpu.memory_space<vmem>>
    %dma_start3A_960 = arith.constant 0 : i32
    %dma_start3A_961 = arith.constant 0 : i32
    %dma_start3A_962 = tpu.memref_slice %arg2[%dma_start3A_960, %dma_start3A_961] : memref<1000003x64xf32, #tpu.memory_space<hbm>> -> memref<1000003x64xf32, #tpu.memory_space<hbm>>
    tpu.enqueue_indirect_dma source(%dma_start3A_962 : memref<1000003x64xf32, #tpu.memory_space<hbm>>) target(%dma_start3A_956 : memref<128x64xf32, #tpu.memory_space<vmem>>) offsets(%dma_start3A_959 : memref<128xi32, #tpu.memory_space<vmem>>) semaphore(%arg7 : memref<!tpu.dma_semaphore, #tpu.memory_space<semaphore_mem>>)
    %dma_start3A_963 = arith.constant 44 : i32
    %dma_start3A_964 = arith.constant 0 : i32
    %dma_start3A_965 = arith.constant 256 : i32
    %dma_start3A_966 = arith.constant 0 : i32
    %dma_start3A_967 = tpu.memref_slice %arg6[%dma_start3A_964, %dma_start3A_965, %dma_start3A_966] : memref<2x896x64xf32, #tpu.memory_space<vmem>> -> memref<1x128x64xf32, #tpu.memory_space<vmem>>
    %dma_start3A_968 = tpu.memref_squeeze %dma_start3A_967 : memref<1x128x64xf32, #tpu.memory_space<vmem>> -> memref<128x64xf32, #tpu.memory_space<vmem>>
    %dma_start3A_969 = arith.constant 0 : i32
    %dma_start3A_970 = tpu.memref_slice %arg5[%dma_start3A_963, %dma_start3A_969] : memref<51x128xi32, #tpu.memory_space<vmem>> -> memref<1x128xi32, #tpu.memory_space<vmem>>
    %dma_start3A_971 = tpu.memref_squeeze %dma_start3A_970 : memref<1x128xi32, #tpu.memory_space<vmem>> -> memref<128xi32, #tpu.memory_space<vmem>>
    %dma_start3A_972 = arith.constant 0 : i32
    %dma_start3A_973 = arith.constant 0 : i32
    %dma_start3A_974 = tpu.memref_slice %arg2[%dma_start3A_972, %dma_start3A_973] : memref<1000003x64xf32, #tpu.memory_space<hbm>> -> memref<1000003x64xf32, #tpu.memory_space<hbm>>
    tpu.enqueue_indirect_dma source(%dma_start3A_974 : memref<1000003x64xf32, #tpu.memory_space<hbm>>) target(%dma_start3A_968 : memref<128x64xf32, #tpu.memory_space<vmem>>) offsets(%dma_start3A_971 : memref<128xi32, #tpu.memory_space<vmem>>) semaphore(%arg7 : memref<!tpu.dma_semaphore, #tpu.memory_space<semaphore_mem>>)
    %dma_start3A_975 = arith.constant 45 : i32
    %dma_start3A_976 = arith.constant 0 : i32
    %dma_start3A_977 = arith.constant 384 : i32
    %dma_start3A_978 = arith.constant 0 : i32
    %dma_start3A_979 = tpu.memref_slice %arg6[%dma_start3A_976, %dma_start3A_977, %dma_start3A_978] : memref<2x896x64xf32, #tpu.memory_space<vmem>> -> memref<1x128x64xf32, #tpu.memory_space<vmem>>
    %dma_start3A_980 = tpu.memref_squeeze %dma_start3A_979 : memref<1x128x64xf32, #tpu.memory_space<vmem>> -> memref<128x64xf32, #tpu.memory_space<vmem>>
    %dma_start3A_981 = arith.constant 0 : i32
    %dma_start3A_982 = tpu.memref_slice %arg5[%dma_start3A_975, %dma_start3A_981] : memref<51x128xi32, #tpu.memory_space<vmem>> -> memref<1x128xi32, #tpu.memory_space<vmem>>
    %dma_start3A_983 = tpu.memref_squeeze %dma_start3A_982 : memref<1x128xi32, #tpu.memory_space<vmem>> -> memref<128xi32, #tpu.memory_space<vmem>>
    %dma_start3A_984 = arith.constant 0 : i32
    %dma_start3A_985 = arith.constant 0 : i32
    %dma_start3A_986 = tpu.memref_slice %arg2[%dma_start3A_984, %dma_start3A_985] : memref<1000003x64xf32, #tpu.memory_space<hbm>> -> memref<1000003x64xf32, #tpu.memory_space<hbm>>
    tpu.enqueue_indirect_dma source(%dma_start3A_986 : memref<1000003x64xf32, #tpu.memory_space<hbm>>) target(%dma_start3A_980 : memref<128x64xf32, #tpu.memory_space<vmem>>) offsets(%dma_start3A_983 : memref<128xi32, #tpu.memory_space<vmem>>) semaphore(%arg7 : memref<!tpu.dma_semaphore, #tpu.memory_space<semaphore_mem>>)
    %dma_start3A_987 = arith.constant 46 : i32
    %dma_start3A_988 = arith.constant 0 : i32
    %dma_start3A_989 = arith.constant 512 : i32
    %dma_start3A_990 = arith.constant 0 : i32
    %dma_start3A_991 = tpu.memref_slice %arg6[%dma_start3A_988, %dma_start3A_989, %dma_start3A_990] : memref<2x896x64xf32, #tpu.memory_space<vmem>> -> memref<1x128x64xf32, #tpu.memory_space<vmem>>
    %dma_start3A_992 = tpu.memref_squeeze %dma_start3A_991 : memref<1x128x64xf32, #tpu.memory_space<vmem>> -> memref<128x64xf32, #tpu.memory_space<vmem>>
    %dma_start3A_993 = arith.constant 0 : i32
    %dma_start3A_994 = tpu.memref_slice %arg5[%dma_start3A_987, %dma_start3A_993] : memref<51x128xi32, #tpu.memory_space<vmem>> -> memref<1x128xi32, #tpu.memory_space<vmem>>
    %dma_start3A_995 = tpu.memref_squeeze %dma_start3A_994 : memref<1x128xi32, #tpu.memory_space<vmem>> -> memref<128xi32, #tpu.memory_space<vmem>>
    %dma_start3A_996 = arith.constant 0 : i32
    %dma_start3A_997 = arith.constant 0 : i32
    %dma_start3A_998 = tpu.memref_slice %arg2[%dma_start3A_996, %dma_start3A_997] : memref<1000003x64xf32, #tpu.memory_space<hbm>> -> memref<1000003x64xf32, #tpu.memory_space<hbm>>
    tpu.enqueue_indirect_dma source(%dma_start3A_998 : memref<1000003x64xf32, #tpu.memory_space<hbm>>) target(%dma_start3A_992 : memref<128x64xf32, #tpu.memory_space<vmem>>) offsets(%dma_start3A_995 : memref<128xi32, #tpu.memory_space<vmem>>) semaphore(%arg7 : memref<!tpu.dma_semaphore, #tpu.memory_space<semaphore_mem>>)
    %dma_start3A_999 = arith.constant 47 : i32
    %dma_start3A_1000 = arith.constant 0 : i32
    %dma_start3A_1001 = arith.constant 640 : i32
    %dma_start3A_1002 = arith.constant 0 : i32
    %dma_start3A_1003 = tpu.memref_slice %arg6[%dma_start3A_1000, %dma_start3A_1001, %dma_start3A_1002] : memref<2x896x64xf32, #tpu.memory_space<vmem>> -> memref<1x128x64xf32, #tpu.memory_space<vmem>>
    %dma_start3A_1004 = tpu.memref_squeeze %dma_start3A_1003 : memref<1x128x64xf32, #tpu.memory_space<vmem>> -> memref<128x64xf32, #tpu.memory_space<vmem>>
    %dma_start3A_1005 = arith.constant 0 : i32
    %dma_start3A_1006 = tpu.memref_slice %arg5[%dma_start3A_999, %dma_start3A_1005] : memref<51x128xi32, #tpu.memory_space<vmem>> -> memref<1x128xi32, #tpu.memory_space<vmem>>
    %dma_start3A_1007 = tpu.memref_squeeze %dma_start3A_1006 : memref<1x128xi32, #tpu.memory_space<vmem>> -> memref<128xi32, #tpu.memory_space<vmem>>
    %dma_start3A_1008 = arith.constant 0 : i32
    %dma_start3A_1009 = arith.constant 0 : i32
    %dma_start3A_1010 = tpu.memref_slice %arg2[%dma_start3A_1008, %dma_start3A_1009] : memref<1000003x64xf32, #tpu.memory_space<hbm>> -> memref<1000003x64xf32, #tpu.memory_space<hbm>>
    tpu.enqueue_indirect_dma source(%dma_start3A_1010 : memref<1000003x64xf32, #tpu.memory_space<hbm>>) target(%dma_start3A_1004 : memref<128x64xf32, #tpu.memory_space<vmem>>) offsets(%dma_start3A_1007 : memref<128xi32, #tpu.memory_space<vmem>>) semaphore(%arg7 : memref<!tpu.dma_semaphore, #tpu.memory_space<semaphore_mem>>)
    %dma_start3A_1011 = arith.constant 48 : i32
    %dma_start3A_1012 = arith.constant 0 : i32
    %dma_start3A_1013 = arith.constant 768 : i32
    %dma_start3A_1014 = arith.constant 0 : i32
    %dma_start3A_1015 = tpu.memref_slice %arg6[%dma_start3A_1012, %dma_start3A_1013, %dma_start3A_1014] : memref<2x896x64xf32, #tpu.memory_space<vmem>> -> memref<1x128x64xf32, #tpu.memory_space<vmem>>
    %dma_start3A_1016 = tpu.memref_squeeze %dma_start3A_1015 : memref<1x128x64xf32, #tpu.memory_space<vmem>> -> memref<128x64xf32, #tpu.memory_space<vmem>>
    %dma_start3A_1017 = arith.constant 0 : i32
    %dma_start3A_1018 = tpu.memref_slice %arg5[%dma_start3A_1011, %dma_start3A_1017] : memref<51x128xi32, #tpu.memory_space<vmem>> -> memref<1x128xi32, #tpu.memory_space<vmem>>
    %dma_start3A_1019 = tpu.memref_squeeze %dma_start3A_1018 : memref<1x128xi32, #tpu.memory_space<vmem>> -> memref<128xi32, #tpu.memory_space<vmem>>
    %dma_start3A_1020 = arith.constant 0 : i32
    %dma_start3A_1021 = arith.constant 0 : i32
    %dma_start3A_1022 = tpu.memref_slice %arg2[%dma_start3A_1020, %dma_start3A_1021] : memref<1000003x64xf32, #tpu.memory_space<hbm>> -> memref<1000003x64xf32, #tpu.memory_space<hbm>>
    tpu.enqueue_indirect_dma source(%dma_start3A_1022 : memref<1000003x64xf32, #tpu.memory_space<hbm>>) target(%dma_start3A_1016 : memref<128x64xf32, #tpu.memory_space<vmem>>) offsets(%dma_start3A_1019 : memref<128xi32, #tpu.memory_space<vmem>>) semaphore(%arg7 : memref<!tpu.dma_semaphore, #tpu.memory_space<semaphore_mem>>)
    %dma_wait3A_1023 = arith.constant 35 : i32
    %dma_wait3A_1024 = arith.constant 1 : i32
    %dma_wait3A_1025 = arith.constant 0 : i32
    %dma_wait3A_1026 = arith.constant 0 : i32
    %dma_wait3A_1027 = tpu.memref_slice %arg6[%dma_wait3A_1024, %dma_wait3A_1025, %dma_wait3A_1026] : memref<2x896x64xf32, #tpu.memory_space<vmem>> -> memref<1x128x64xf32, #tpu.memory_space<vmem>>
    %dma_wait3A_1028 = tpu.memref_squeeze %dma_wait3A_1027 : memref<1x128x64xf32, #tpu.memory_space<vmem>> -> memref<128x64xf32, #tpu.memory_space<vmem>>
    %dma_wait3A_1029 = arith.constant 0 : i32
    %dma_wait3A_1030 = tpu.memref_slice %arg5[%dma_wait3A_1023, %dma_wait3A_1029] : memref<51x128xi32, #tpu.memory_space<vmem>> -> memref<1x128xi32, #tpu.memory_space<vmem>>
    %dma_wait3A_1031 = tpu.memref_squeeze %dma_wait3A_1030 : memref<1x128xi32, #tpu.memory_space<vmem>> -> memref<128xi32, #tpu.memory_space<vmem>>
    %dma_wait3A_1032 = arith.constant 0 : i32
    %dma_wait3A_1033 = arith.constant 0 : i32
    %dma_wait3A_1034 = tpu.memref_slice %arg2[%dma_wait3A_1032, %dma_wait3A_1033] : memref<1000003x64xf32, #tpu.memory_space<hbm>> -> memref<1000003x64xf32, #tpu.memory_space<hbm>>
    tpu.wait_indirect_dma semaphore(%arg8 : memref<!tpu.dma_semaphore, #tpu.memory_space<semaphore_mem>>) src(%dma_wait3A_1034 : memref<1000003x64xf32, #tpu.memory_space<hbm>>) dst(%dma_wait3A_1028 : memref<128x64xf32, #tpu.memory_space<vmem>>)
    %dma_wait3A_1035 = arith.constant 36 : i32
    %dma_wait3A_1036 = arith.constant 1 : i32
    %dma_wait3A_1037 = arith.constant 128 : i32
    %dma_wait3A_1038 = arith.constant 0 : i32
    %dma_wait3A_1039 = tpu.memref_slice %arg6[%dma_wait3A_1036, %dma_wait3A_1037, %dma_wait3A_1038] : memref<2x896x64xf32, #tpu.memory_space<vmem>> -> memref<1x128x64xf32, #tpu.memory_space<vmem>>
    %dma_wait3A_1040 = tpu.memref_squeeze %dma_wait3A_1039 : memref<1x128x64xf32, #tpu.memory_space<vmem>> -> memref<128x64xf32, #tpu.memory_space<vmem>>
    %dma_wait3A_1041 = arith.constant 0 : i32
    %dma_wait3A_1042 = tpu.memref_slice %arg5[%dma_wait3A_1035, %dma_wait3A_1041] : memref<51x128xi32, #tpu.memory_space<vmem>> -> memref<1x128xi32, #tpu.memory_space<vmem>>
    %dma_wait3A_1043 = tpu.memref_squeeze %dma_wait3A_1042 : memref<1x128xi32, #tpu.memory_space<vmem>> -> memref<128xi32, #tpu.memory_space<vmem>>
    %dma_wait3A_1044 = arith.constant 0 : i32
    %dma_wait3A_1045 = arith.constant 0 : i32
    %dma_wait3A_1046 = tpu.memref_slice %arg2[%dma_wait3A_1044, %dma_wait3A_1045] : memref<1000003x64xf32, #tpu.memory_space<hbm>> -> memref<1000003x64xf32, #tpu.memory_space<hbm>>
    tpu.wait_indirect_dma semaphore(%arg8 : memref<!tpu.dma_semaphore, #tpu.memory_space<semaphore_mem>>) src(%dma_wait3A_1046 : memref<1000003x64xf32, #tpu.memory_space<hbm>>) dst(%dma_wait3A_1040 : memref<128x64xf32, #tpu.memory_space<vmem>>)
    %dma_wait3A_1047 = arith.constant 37 : i32
    %dma_wait3A_1048 = arith.constant 1 : i32
    %dma_wait3A_1049 = arith.constant 256 : i32
    %dma_wait3A_1050 = arith.constant 0 : i32
    %dma_wait3A_1051 = tpu.memref_slice %arg6[%dma_wait3A_1048, %dma_wait3A_1049, %dma_wait3A_1050] : memref<2x896x64xf32, #tpu.memory_space<vmem>> -> memref<1x128x64xf32, #tpu.memory_space<vmem>>
    %dma_wait3A_1052 = tpu.memref_squeeze %dma_wait3A_1051 : memref<1x128x64xf32, #tpu.memory_space<vmem>> -> memref<128x64xf32, #tpu.memory_space<vmem>>
    %dma_wait3A_1053 = arith.constant 0 : i32
    %dma_wait3A_1054 = tpu.memref_slice %arg5[%dma_wait3A_1047, %dma_wait3A_1053] : memref<51x128xi32, #tpu.memory_space<vmem>> -> memref<1x128xi32, #tpu.memory_space<vmem>>
    %dma_wait3A_1055 = tpu.memref_squeeze %dma_wait3A_1054 : memref<1x128xi32, #tpu.memory_space<vmem>> -> memref<128xi32, #tpu.memory_space<vmem>>
    %dma_wait3A_1056 = arith.constant 0 : i32
    %dma_wait3A_1057 = arith.constant 0 : i32
    %dma_wait3A_1058 = tpu.memref_slice %arg2[%dma_wait3A_1056, %dma_wait3A_1057] : memref<1000003x64xf32, #tpu.memory_space<hbm>> -> memref<1000003x64xf32, #tpu.memory_space<hbm>>
    tpu.wait_indirect_dma semaphore(%arg8 : memref<!tpu.dma_semaphore, #tpu.memory_space<semaphore_mem>>) src(%dma_wait3A_1058 : memref<1000003x64xf32, #tpu.memory_space<hbm>>) dst(%dma_wait3A_1052 : memref<128x64xf32, #tpu.memory_space<vmem>>)
    %dma_wait3A_1059 = arith.constant 38 : i32
    %dma_wait3A_1060 = arith.constant 1 : i32
    %dma_wait3A_1061 = arith.constant 384 : i32
    %dma_wait3A_1062 = arith.constant 0 : i32
    %dma_wait3A_1063 = tpu.memref_slice %arg6[%dma_wait3A_1060, %dma_wait3A_1061, %dma_wait3A_1062] : memref<2x896x64xf32, #tpu.memory_space<vmem>> -> memref<1x128x64xf32, #tpu.memory_space<vmem>>
    %dma_wait3A_1064 = tpu.memref_squeeze %dma_wait3A_1063 : memref<1x128x64xf32, #tpu.memory_space<vmem>> -> memref<128x64xf32, #tpu.memory_space<vmem>>
    %dma_wait3A_1065 = arith.constant 0 : i32
    %dma_wait3A_1066 = tpu.memref_slice %arg5[%dma_wait3A_1059, %dma_wait3A_1065] : memref<51x128xi32, #tpu.memory_space<vmem>> -> memref<1x128xi32, #tpu.memory_space<vmem>>
    %dma_wait3A_1067 = tpu.memref_squeeze %dma_wait3A_1066 : memref<1x128xi32, #tpu.memory_space<vmem>> -> memref<128xi32, #tpu.memory_space<vmem>>
    %dma_wait3A_1068 = arith.constant 0 : i32
    %dma_wait3A_1069 = arith.constant 0 : i32
    %dma_wait3A_1070 = tpu.memref_slice %arg2[%dma_wait3A_1068, %dma_wait3A_1069] : memref<1000003x64xf32, #tpu.memory_space<hbm>> -> memref<1000003x64xf32, #tpu.memory_space<hbm>>
    tpu.wait_indirect_dma semaphore(%arg8 : memref<!tpu.dma_semaphore, #tpu.memory_space<semaphore_mem>>) src(%dma_wait3A_1070 : memref<1000003x64xf32, #tpu.memory_space<hbm>>) dst(%dma_wait3A_1064 : memref<128x64xf32, #tpu.memory_space<vmem>>)
    %dma_wait3A_1071 = arith.constant 39 : i32
    %dma_wait3A_1072 = arith.constant 1 : i32
    %dma_wait3A_1073 = arith.constant 512 : i32
    %dma_wait3A_1074 = arith.constant 0 : i32
    %dma_wait3A_1075 = tpu.memref_slice %arg6[%dma_wait3A_1072, %dma_wait3A_1073, %dma_wait3A_1074] : memref<2x896x64xf32, #tpu.memory_space<vmem>> -> memref<1x128x64xf32, #tpu.memory_space<vmem>>
    %dma_wait3A_1076 = tpu.memref_squeeze %dma_wait3A_1075 : memref<1x128x64xf32, #tpu.memory_space<vmem>> -> memref<128x64xf32, #tpu.memory_space<vmem>>
    %dma_wait3A_1077 = arith.constant 0 : i32
    %dma_wait3A_1078 = tpu.memref_slice %arg5[%dma_wait3A_1071, %dma_wait3A_1077] : memref<51x128xi32, #tpu.memory_space<vmem>> -> memref<1x128xi32, #tpu.memory_space<vmem>>
    %dma_wait3A_1079 = tpu.memref_squeeze %dma_wait3A_1078 : memref<1x128xi32, #tpu.memory_space<vmem>> -> memref<128xi32, #tpu.memory_space<vmem>>
    %dma_wait3A_1080 = arith.constant 0 : i32
    %dma_wait3A_1081 = arith.constant 0 : i32
    %dma_wait3A_1082 = tpu.memref_slice %arg2[%dma_wait3A_1080, %dma_wait3A_1081] : memref<1000003x64xf32, #tpu.memory_space<hbm>> -> memref<1000003x64xf32, #tpu.memory_space<hbm>>
    tpu.wait_indirect_dma semaphore(%arg8 : memref<!tpu.dma_semaphore, #tpu.memory_space<semaphore_mem>>) src(%dma_wait3A_1082 : memref<1000003x64xf32, #tpu.memory_space<hbm>>) dst(%dma_wait3A_1076 : memref<128x64xf32, #tpu.memory_space<vmem>>)
    %dma_wait3A_1083 = arith.constant 40 : i32
    %dma_wait3A_1084 = arith.constant 1 : i32
    %dma_wait3A_1085 = arith.constant 640 : i32
    %dma_wait3A_1086 = arith.constant 0 : i32
    %dma_wait3A_1087 = tpu.memref_slice %arg6[%dma_wait3A_1084, %dma_wait3A_1085, %dma_wait3A_1086] : memref<2x896x64xf32, #tpu.memory_space<vmem>> -> memref<1x128x64xf32, #tpu.memory_space<vmem>>
    %dma_wait3A_1088 = tpu.memref_squeeze %dma_wait3A_1087 : memref<1x128x64xf32, #tpu.memory_space<vmem>> -> memref<128x64xf32, #tpu.memory_space<vmem>>
    %dma_wait3A_1089 = arith.constant 0 : i32
    %dma_wait3A_1090 = tpu.memref_slice %arg5[%dma_wait3A_1083, %dma_wait3A_1089] : memref<51x128xi32, #tpu.memory_space<vmem>> -> memref<1x128xi32, #tpu.memory_space<vmem>>
    %dma_wait3A_1091 = tpu.memref_squeeze %dma_wait3A_1090 : memref<1x128xi32, #tpu.memory_space<vmem>> -> memref<128xi32, #tpu.memory_space<vmem>>
    %dma_wait3A_1092 = arith.constant 0 : i32
    %dma_wait3A_1093 = arith.constant 0 : i32
    %dma_wait3A_1094 = tpu.memref_slice %arg2[%dma_wait3A_1092, %dma_wait3A_1093] : memref<1000003x64xf32, #tpu.memory_space<hbm>> -> memref<1000003x64xf32, #tpu.memory_space<hbm>>
    tpu.wait_indirect_dma semaphore(%arg8 : memref<!tpu.dma_semaphore, #tpu.memory_space<semaphore_mem>>) src(%dma_wait3A_1094 : memref<1000003x64xf32, #tpu.memory_space<hbm>>) dst(%dma_wait3A_1088 : memref<128x64xf32, #tpu.memory_space<vmem>>)
    %dma_wait3A_1095 = arith.constant 41 : i32
    %dma_wait3A_1096 = arith.constant 1 : i32
    %dma_wait3A_1097 = arith.constant 768 : i32
    %dma_wait3A_1098 = arith.constant 0 : i32
    %dma_wait3A_1099 = tpu.memref_slice %arg6[%dma_wait3A_1096, %dma_wait3A_1097, %dma_wait3A_1098] : memref<2x896x64xf32, #tpu.memory_space<vmem>> -> memref<1x128x64xf32, #tpu.memory_space<vmem>>
    %dma_wait3A_1100 = tpu.memref_squeeze %dma_wait3A_1099 : memref<1x128x64xf32, #tpu.memory_space<vmem>> -> memref<128x64xf32, #tpu.memory_space<vmem>>
    %dma_wait3A_1101 = arith.constant 0 : i32
    %dma_wait3A_1102 = tpu.memref_slice %arg5[%dma_wait3A_1095, %dma_wait3A_1101] : memref<51x128xi32, #tpu.memory_space<vmem>> -> memref<1x128xi32, #tpu.memory_space<vmem>>
    %dma_wait3A_1103 = tpu.memref_squeeze %dma_wait3A_1102 : memref<1x128xi32, #tpu.memory_space<vmem>> -> memref<128xi32, #tpu.memory_space<vmem>>
    %dma_wait3A_1104 = arith.constant 0 : i32
    %dma_wait3A_1105 = arith.constant 0 : i32
    %dma_wait3A_1106 = tpu.memref_slice %arg2[%dma_wait3A_1104, %dma_wait3A_1105] : memref<1000003x64xf32, #tpu.memory_space<hbm>> -> memref<1000003x64xf32, #tpu.memory_space<hbm>>
    tpu.wait_indirect_dma semaphore(%arg8 : memref<!tpu.dma_semaphore, #tpu.memory_space<semaphore_mem>>) src(%dma_wait3A_1106 : memref<1000003x64xf32, #tpu.memory_space<hbm>>) dst(%dma_wait3A_1100 : memref<128x64xf32, #tpu.memory_space<vmem>>)
    %add3A_1107 = arith.constant 4480 : i32
    %add3A_1108 = arith.addi %mul3A_2, %add3A_1107 : i32
    %run_scoped3A_1109 = arith.constant 1 : i32
    "tpu.region"() ({
      %run_scoped3A_1248 = tpu.sem_alloc : memref<!tpu.dma_semaphore, #tpu.memory_space<semaphore_mem>>
      %dma_start3A_1249 = arith.constant 0 : i32
      %dma_start3A_1250 = arith.constant 0 : i32
      %dma_start3A_1251 = tpu.memref_slice %arg6[%run_scoped3A_1109, %dma_start3A_1249, %dma_start3A_1250] : memref<2x896x64xf32, #tpu.memory_space<vmem>> -> memref<1x896x64xf32, #tpu.memory_space<vmem>>
      %dma_start3A_1252 = tpu.memref_squeeze %dma_start3A_1251 : memref<1x896x64xf32, #tpu.memory_space<vmem>> -> memref<896x64xf32, #tpu.memory_space<vmem>>
      %dma_start3A_1253 = arith.constant 0 : i32
      %dma_start3A_1254 = tpu.memref_slice %arg4[%add3A_1108, %dma_start3A_1253] : memref<206848x64xf32, #tpu.memory_space<hbm>> -> memref<896x64xf32, #tpu.memory_space<hbm>>
      %dma_start3A_1255 = arith.constant 0 : i32
      %dma_start3A_1256 = tpu.memref_slice %arg4[%add3A_1108, %dma_start3A_1255] : memref<206848x64xf32, #tpu.memory_space<hbm>> -> memref<896x64xf32, #tpu.memory_space<hbm>>
      %dma_start3A_1257 = arith.constant 0 : i32
      %dma_start3A_1258 = arith.constant 0 : i32
      %dma_start3A_1259 = tpu.memref_slice %arg6[%run_scoped3A_1109, %dma_start3A_1257, %dma_start3A_1258] : memref<2x896x64xf32, #tpu.memory_space<vmem>> -> memref<1x896x64xf32, #tpu.memory_space<vmem>>
      %dma_start3A_1260 = tpu.memref_squeeze %dma_start3A_1259 : memref<1x896x64xf32, #tpu.memory_space<vmem>> -> memref<896x64xf32, #tpu.memory_space<vmem>>
      tpu.enqueue_dma source(%dma_start3A_1260 : memref<896x64xf32, #tpu.memory_space<vmem>>) target(%dma_start3A_1256 : memref<896x64xf32, #tpu.memory_space<hbm>>) target_semaphore(%run_scoped3A_1248 : memref<!tpu.dma_semaphore, #tpu.memory_space<semaphore_mem>>)
      %dma_wait3A_1261 = arith.constant 0 : i32
      %dma_wait3A_1262 = arith.constant 0 : i32
      %dma_wait3A_1263 = tpu.memref_slice %arg6[%run_scoped3A_1109, %dma_wait3A_1261, %dma_wait3A_1262] : memref<2x896x64xf32, #tpu.memory_space<vmem>> -> memref<1x896x64xf32, #tpu.memory_space<vmem>>
      %dma_wait3A_1264 = tpu.memref_squeeze %dma_wait3A_1263 : memref<1x896x64xf32, #tpu.memory_space<vmem>> -> memref<896x64xf32, #tpu.memory_space<vmem>>
      %dma_wait3A_1265 = arith.constant 0 : i32
      %dma_wait3A_1266 = tpu.memref_slice %arg4[%add3A_1108, %dma_wait3A_1265] : memref<206848x64xf32, #tpu.memory_space<hbm>> -> memref<896x64xf32, #tpu.memory_space<hbm>>
      %dma_wait3A_1267 = arith.constant 0 : i32
      %dma_wait3A_1268 = tpu.memref_slice %arg4[%add3A_1108, %dma_wait3A_1267] : memref<206848x64xf32, #tpu.memory_space<hbm>> -> memref<896x64xf32, #tpu.memory_space<hbm>>
      %dma_wait3A_1269 = arith.constant 0 : i32
      %dma_wait3A_1270 = arith.constant 0 : i32
      %dma_wait3A_1271 = tpu.memref_slice %arg6[%run_scoped3A_1109, %dma_wait3A_1269, %dma_wait3A_1270] : memref<2x896x64xf32, #tpu.memory_space<vmem>> -> memref<1x896x64xf32, #tpu.memory_space<vmem>>
      %dma_wait3A_1272 = tpu.memref_squeeze %dma_wait3A_1271 : memref<1x896x64xf32, #tpu.memory_space<vmem>> -> memref<896x64xf32, #tpu.memory_space<vmem>>
      tpu.wait_dma2 semaphore(%run_scoped3A_1248 : memref<!tpu.dma_semaphore, #tpu.memory_space<semaphore_mem>>) src(%dma_wait3A_1272 : memref<896x64xf32, #tpu.memory_space<vmem>>) dst(%dma_wait3A_1268 : memref<896x64xf32, #tpu.memory_space<hbm>>)
      tpu.yield
    }) : () -> ()
    %dma_start3A_1110 = arith.constant 49 : i32
    %dma_start3A_1111 = arith.constant 1 : i32
    %dma_start3A_1112 = arith.constant 0 : i32
    %dma_start3A_1113 = arith.constant 0 : i32
    %dma_start3A_1114 = tpu.memref_slice %arg6[%dma_start3A_1111, %dma_start3A_1112, %dma_start3A_1113] : memref<2x896x64xf32, #tpu.memory_space<vmem>> -> memref<1x128x64xf32, #tpu.memory_space<vmem>>
    %dma_start3A_1115 = tpu.memref_squeeze %dma_start3A_1114 : memref<1x128x64xf32, #tpu.memory_space<vmem>> -> memref<128x64xf32, #tpu.memory_space<vmem>>
    %dma_start3A_1116 = arith.constant 0 : i32
    %dma_start3A_1117 = tpu.memref_slice %arg5[%dma_start3A_1110, %dma_start3A_1116] : memref<51x128xi32, #tpu.memory_space<vmem>> -> memref<1x128xi32, #tpu.memory_space<vmem>>
    %dma_start3A_1118 = tpu.memref_squeeze %dma_start3A_1117 : memref<1x128xi32, #tpu.memory_space<vmem>> -> memref<128xi32, #tpu.memory_space<vmem>>
    %dma_start3A_1119 = arith.constant 0 : i32
    %dma_start3A_1120 = arith.constant 0 : i32
    %dma_start3A_1121 = tpu.memref_slice %arg2[%dma_start3A_1119, %dma_start3A_1120] : memref<1000003x64xf32, #tpu.memory_space<hbm>> -> memref<1000003x64xf32, #tpu.memory_space<hbm>>
    tpu.enqueue_indirect_dma source(%dma_start3A_1121 : memref<1000003x64xf32, #tpu.memory_space<hbm>>) target(%dma_start3A_1115 : memref<128x64xf32, #tpu.memory_space<vmem>>) offsets(%dma_start3A_1118 : memref<128xi32, #tpu.memory_space<vmem>>) semaphore(%arg8 : memref<!tpu.dma_semaphore, #tpu.memory_space<semaphore_mem>>)
    %dma_start3A_1122 = arith.constant 50 : i32
    %dma_start3A_1123 = arith.constant 1 : i32
    %dma_start3A_1124 = arith.constant 128 : i32
    %dma_start3A_1125 = arith.constant 0 : i32
    %dma_start3A_1126 = tpu.memref_slice %arg6[%dma_start3A_1123, %dma_start3A_1124, %dma_start3A_1125] : memref<2x896x64xf32, #tpu.memory_space<vmem>> -> memref<1x128x64xf32, #tpu.memory_space<vmem>>
    %dma_start3A_1127 = tpu.memref_squeeze %dma_start3A_1126 : memref<1x128x64xf32, #tpu.memory_space<vmem>> -> memref<128x64xf32, #tpu.memory_space<vmem>>
    %dma_start3A_1128 = arith.constant 0 : i32
    %dma_start3A_1129 = tpu.memref_slice %arg5[%dma_start3A_1122, %dma_start3A_1128] : memref<51x128xi32, #tpu.memory_space<vmem>> -> memref<1x128xi32, #tpu.memory_space<vmem>>
    %dma_start3A_1130 = tpu.memref_squeeze %dma_start3A_1129 : memref<1x128xi32, #tpu.memory_space<vmem>> -> memref<128xi32, #tpu.memory_space<vmem>>
    %dma_start3A_1131 = arith.constant 0 : i32
    %dma_start3A_1132 = arith.constant 0 : i32
    %dma_start3A_1133 = tpu.memref_slice %arg2[%dma_start3A_1131, %dma_start3A_1132] : memref<1000003x64xf32, #tpu.memory_space<hbm>> -> memref<1000003x64xf32, #tpu.memory_space<hbm>>
    tpu.enqueue_indirect_dma source(%dma_start3A_1133 : memref<1000003x64xf32, #tpu.memory_space<hbm>>) target(%dma_start3A_1127 : memref<128x64xf32, #tpu.memory_space<vmem>>) offsets(%dma_start3A_1130 : memref<128xi32, #tpu.memory_space<vmem>>) semaphore(%arg8 : memref<!tpu.dma_semaphore, #tpu.memory_space<semaphore_mem>>)
    %dma_wait3A_1134 = arith.constant 42 : i32
    %dma_wait3A_1135 = arith.constant 0 : i32
    %dma_wait3A_1136 = arith.constant 0 : i32
    %dma_wait3A_1137 = arith.constant 0 : i32
    %dma_wait3A_1138 = tpu.memref_slice %arg6[%dma_wait3A_1135, %dma_wait3A_1136, %dma_wait3A_1137] : memref<2x896x64xf32, #tpu.memory_space<vmem>> -> memref<1x128x64xf32, #tpu.memory_space<vmem>>
    %dma_wait3A_1139 = tpu.memref_squeeze %dma_wait3A_1138 : memref<1x128x64xf32, #tpu.memory_space<vmem>> -> memref<128x64xf32, #tpu.memory_space<vmem>>
    %dma_wait3A_1140 = arith.constant 0 : i32
    %dma_wait3A_1141 = tpu.memref_slice %arg5[%dma_wait3A_1134, %dma_wait3A_1140] : memref<51x128xi32, #tpu.memory_space<vmem>> -> memref<1x128xi32, #tpu.memory_space<vmem>>
    %dma_wait3A_1142 = tpu.memref_squeeze %dma_wait3A_1141 : memref<1x128xi32, #tpu.memory_space<vmem>> -> memref<128xi32, #tpu.memory_space<vmem>>
    %dma_wait3A_1143 = arith.constant 0 : i32
    %dma_wait3A_1144 = arith.constant 0 : i32
    %dma_wait3A_1145 = tpu.memref_slice %arg2[%dma_wait3A_1143, %dma_wait3A_1144] : memref<1000003x64xf32, #tpu.memory_space<hbm>> -> memref<1000003x64xf32, #tpu.memory_space<hbm>>
    tpu.wait_indirect_dma semaphore(%arg7 : memref<!tpu.dma_semaphore, #tpu.memory_space<semaphore_mem>>) src(%dma_wait3A_1145 : memref<1000003x64xf32, #tpu.memory_space<hbm>>) dst(%dma_wait3A_1139 : memref<128x64xf32, #tpu.memory_space<vmem>>)
    %dma_wait3A_1146 = arith.constant 43 : i32
    %dma_wait3A_1147 = arith.constant 0 : i32
    %dma_wait3A_1148 = arith.constant 128 : i32
    %dma_wait3A_1149 = arith.constant 0 : i32
    %dma_wait3A_1150 = tpu.memref_slice %arg6[%dma_wait3A_1147, %dma_wait3A_1148, %dma_wait3A_1149] : memref<2x896x64xf32, #tpu.memory_space<vmem>> -> memref<1x128x64xf32, #tpu.memory_space<vmem>>
    %dma_wait3A_1151 = tpu.memref_squeeze %dma_wait3A_1150 : memref<1x128x64xf32, #tpu.memory_space<vmem>> -> memref<128x64xf32, #tpu.memory_space<vmem>>
    %dma_wait3A_1152 = arith.constant 0 : i32
    %dma_wait3A_1153 = tpu.memref_slice %arg5[%dma_wait3A_1146, %dma_wait3A_1152] : memref<51x128xi32, #tpu.memory_space<vmem>> -> memref<1x128xi32, #tpu.memory_space<vmem>>
    %dma_wait3A_1154 = tpu.memref_squeeze %dma_wait3A_1153 : memref<1x128xi32, #tpu.memory_space<vmem>> -> memref<128xi32, #tpu.memory_space<vmem>>
    %dma_wait3A_1155 = arith.constant 0 : i32
    %dma_wait3A_1156 = arith.constant 0 : i32
    %dma_wait3A_1157 = tpu.memref_slice %arg2[%dma_wait3A_1155, %dma_wait3A_1156] : memref<1000003x64xf32, #tpu.memory_space<hbm>> -> memref<1000003x64xf32, #tpu.memory_space<hbm>>
    tpu.wait_indirect_dma semaphore(%arg7 : memref<!tpu.dma_semaphore, #tpu.memory_space<semaphore_mem>>) src(%dma_wait3A_1157 : memref<1000003x64xf32, #tpu.memory_space<hbm>>) dst(%dma_wait3A_1151 : memref<128x64xf32, #tpu.memory_space<vmem>>)
    %dma_wait3A_1158 = arith.constant 44 : i32
    %dma_wait3A_1159 = arith.constant 0 : i32
    %dma_wait3A_1160 = arith.constant 256 : i32
    %dma_wait3A_1161 = arith.constant 0 : i32
    %dma_wait3A_1162 = tpu.memref_slice %arg6[%dma_wait3A_1159, %dma_wait3A_1160, %dma_wait3A_1161] : memref<2x896x64xf32, #tpu.memory_space<vmem>> -> memref<1x128x64xf32, #tpu.memory_space<vmem>>
    %dma_wait3A_1163 = tpu.memref_squeeze %dma_wait3A_1162 : memref<1x128x64xf32, #tpu.memory_space<vmem>> -> memref<128x64xf32, #tpu.memory_space<vmem>>
    %dma_wait3A_1164 = arith.constant 0 : i32
    %dma_wait3A_1165 = tpu.memref_slice %arg5[%dma_wait3A_1158, %dma_wait3A_1164] : memref<51x128xi32, #tpu.memory_space<vmem>> -> memref<1x128xi32, #tpu.memory_space<vmem>>
    %dma_wait3A_1166 = tpu.memref_squeeze %dma_wait3A_1165 : memref<1x128xi32, #tpu.memory_space<vmem>> -> memref<128xi32, #tpu.memory_space<vmem>>
    %dma_wait3A_1167 = arith.constant 0 : i32
    %dma_wait3A_1168 = arith.constant 0 : i32
    %dma_wait3A_1169 = tpu.memref_slice %arg2[%dma_wait3A_1167, %dma_wait3A_1168] : memref<1000003x64xf32, #tpu.memory_space<hbm>> -> memref<1000003x64xf32, #tpu.memory_space<hbm>>
    tpu.wait_indirect_dma semaphore(%arg7 : memref<!tpu.dma_semaphore, #tpu.memory_space<semaphore_mem>>) src(%dma_wait3A_1169 : memref<1000003x64xf32, #tpu.memory_space<hbm>>) dst(%dma_wait3A_1163 : memref<128x64xf32, #tpu.memory_space<vmem>>)
    %dma_wait3A_1170 = arith.constant 45 : i32
    %dma_wait3A_1171 = arith.constant 0 : i32
    %dma_wait3A_1172 = arith.constant 384 : i32
    %dma_wait3A_1173 = arith.constant 0 : i32
    %dma_wait3A_1174 = tpu.memref_slice %arg6[%dma_wait3A_1171, %dma_wait3A_1172, %dma_wait3A_1173] : memref<2x896x64xf32, #tpu.memory_space<vmem>> -> memref<1x128x64xf32, #tpu.memory_space<vmem>>
    %dma_wait3A_1175 = tpu.memref_squeeze %dma_wait3A_1174 : memref<1x128x64xf32, #tpu.memory_space<vmem>> -> memref<128x64xf32, #tpu.memory_space<vmem>>
    %dma_wait3A_1176 = arith.constant 0 : i32
    %dma_wait3A_1177 = tpu.memref_slice %arg5[%dma_wait3A_1170, %dma_wait3A_1176] : memref<51x128xi32, #tpu.memory_space<vmem>> -> memref<1x128xi32, #tpu.memory_space<vmem>>
    %dma_wait3A_1178 = tpu.memref_squeeze %dma_wait3A_1177 : memref<1x128xi32, #tpu.memory_space<vmem>> -> memref<128xi32, #tpu.memory_space<vmem>>
    %dma_wait3A_1179 = arith.constant 0 : i32
    %dma_wait3A_1180 = arith.constant 0 : i32
    %dma_wait3A_1181 = tpu.memref_slice %arg2[%dma_wait3A_1179, %dma_wait3A_1180] : memref<1000003x64xf32, #tpu.memory_space<hbm>> -> memref<1000003x64xf32, #tpu.memory_space<hbm>>
    tpu.wait_indirect_dma semaphore(%arg7 : memref<!tpu.dma_semaphore, #tpu.memory_space<semaphore_mem>>) src(%dma_wait3A_1181 : memref<1000003x64xf32, #tpu.memory_space<hbm>>) dst(%dma_wait3A_1175 : memref<128x64xf32, #tpu.memory_space<vmem>>)
    %dma_wait3A_1182 = arith.constant 46 : i32
    %dma_wait3A_1183 = arith.constant 0 : i32
    %dma_wait3A_1184 = arith.constant 512 : i32
    %dma_wait3A_1185 = arith.constant 0 : i32
    %dma_wait3A_1186 = tpu.memref_slice %arg6[%dma_wait3A_1183, %dma_wait3A_1184, %dma_wait3A_1185] : memref<2x896x64xf32, #tpu.memory_space<vmem>> -> memref<1x128x64xf32, #tpu.memory_space<vmem>>
    %dma_wait3A_1187 = tpu.memref_squeeze %dma_wait3A_1186 : memref<1x128x64xf32, #tpu.memory_space<vmem>> -> memref<128x64xf32, #tpu.memory_space<vmem>>
    %dma_wait3A_1188 = arith.constant 0 : i32
    %dma_wait3A_1189 = tpu.memref_slice %arg5[%dma_wait3A_1182, %dma_wait3A_1188] : memref<51x128xi32, #tpu.memory_space<vmem>> -> memref<1x128xi32, #tpu.memory_space<vmem>>
    %dma_wait3A_1190 = tpu.memref_squeeze %dma_wait3A_1189 : memref<1x128xi32, #tpu.memory_space<vmem>> -> memref<128xi32, #tpu.memory_space<vmem>>
    %dma_wait3A_1191 = arith.constant 0 : i32
    %dma_wait3A_1192 = arith.constant 0 : i32
    %dma_wait3A_1193 = tpu.memref_slice %arg2[%dma_wait3A_1191, %dma_wait3A_1192] : memref<1000003x64xf32, #tpu.memory_space<hbm>> -> memref<1000003x64xf32, #tpu.memory_space<hbm>>
    tpu.wait_indirect_dma semaphore(%arg7 : memref<!tpu.dma_semaphore, #tpu.memory_space<semaphore_mem>>) src(%dma_wait3A_1193 : memref<1000003x64xf32, #tpu.memory_space<hbm>>) dst(%dma_wait3A_1187 : memref<128x64xf32, #tpu.memory_space<vmem>>)
    %dma_wait3A_1194 = arith.constant 47 : i32
    %dma_wait3A_1195 = arith.constant 0 : i32
    %dma_wait3A_1196 = arith.constant 640 : i32
    %dma_wait3A_1197 = arith.constant 0 : i32
    %dma_wait3A_1198 = tpu.memref_slice %arg6[%dma_wait3A_1195, %dma_wait3A_1196, %dma_wait3A_1197] : memref<2x896x64xf32, #tpu.memory_space<vmem>> -> memref<1x128x64xf32, #tpu.memory_space<vmem>>
    %dma_wait3A_1199 = tpu.memref_squeeze %dma_wait3A_1198 : memref<1x128x64xf32, #tpu.memory_space<vmem>> -> memref<128x64xf32, #tpu.memory_space<vmem>>
    %dma_wait3A_1200 = arith.constant 0 : i32
    %dma_wait3A_1201 = tpu.memref_slice %arg5[%dma_wait3A_1194, %dma_wait3A_1200] : memref<51x128xi32, #tpu.memory_space<vmem>> -> memref<1x128xi32, #tpu.memory_space<vmem>>
    %dma_wait3A_1202 = tpu.memref_squeeze %dma_wait3A_1201 : memref<1x128xi32, #tpu.memory_space<vmem>> -> memref<128xi32, #tpu.memory_space<vmem>>
    %dma_wait3A_1203 = arith.constant 0 : i32
    %dma_wait3A_1204 = arith.constant 0 : i32
    %dma_wait3A_1205 = tpu.memref_slice %arg2[%dma_wait3A_1203, %dma_wait3A_1204] : memref<1000003x64xf32, #tpu.memory_space<hbm>> -> memref<1000003x64xf32, #tpu.memory_space<hbm>>
    tpu.wait_indirect_dma semaphore(%arg7 : memref<!tpu.dma_semaphore, #tpu.memory_space<semaphore_mem>>) src(%dma_wait3A_1205 : memref<1000003x64xf32, #tpu.memory_space<hbm>>) dst(%dma_wait3A_1199 : memref<128x64xf32, #tpu.memory_space<vmem>>)
    %dma_wait3A_1206 = arith.constant 48 : i32
    %dma_wait3A_1207 = arith.constant 0 : i32
    %dma_wait3A_1208 = arith.constant 768 : i32
    %dma_wait3A_1209 = arith.constant 0 : i32
    %dma_wait3A_1210 = tpu.memref_slice %arg6[%dma_wait3A_1207, %dma_wait3A_1208, %dma_wait3A_1209] : memref<2x896x64xf32, #tpu.memory_space<vmem>> -> memref<1x128x64xf32, #tpu.memory_space<vmem>>
    %dma_wait3A_1211 = tpu.memref_squeeze %dma_wait3A_1210 : memref<1x128x64xf32, #tpu.memory_space<vmem>> -> memref<128x64xf32, #tpu.memory_space<vmem>>
    %dma_wait3A_1212 = arith.constant 0 : i32
    %dma_wait3A_1213 = tpu.memref_slice %arg5[%dma_wait3A_1206, %dma_wait3A_1212] : memref<51x128xi32, #tpu.memory_space<vmem>> -> memref<1x128xi32, #tpu.memory_space<vmem>>
    %dma_wait3A_1214 = tpu.memref_squeeze %dma_wait3A_1213 : memref<1x128xi32, #tpu.memory_space<vmem>> -> memref<128xi32, #tpu.memory_space<vmem>>
    %dma_wait3A_1215 = arith.constant 0 : i32
    %dma_wait3A_1216 = arith.constant 0 : i32
    %dma_wait3A_1217 = tpu.memref_slice %arg2[%dma_wait3A_1215, %dma_wait3A_1216] : memref<1000003x64xf32, #tpu.memory_space<hbm>> -> memref<1000003x64xf32, #tpu.memory_space<hbm>>
    tpu.wait_indirect_dma semaphore(%arg7 : memref<!tpu.dma_semaphore, #tpu.memory_space<semaphore_mem>>) src(%dma_wait3A_1217 : memref<1000003x64xf32, #tpu.memory_space<hbm>>) dst(%dma_wait3A_1211 : memref<128x64xf32, #tpu.memory_space<vmem>>)
    %add3A_1218 = arith.constant 5376 : i32
    %add3A_1219 = arith.addi %mul3A_2, %add3A_1218 : i32
    %run_scoped3A_1220 = arith.constant 0 : i32
    "tpu.region"() ({
      %run_scoped3A_1248 = tpu.sem_alloc : memref<!tpu.dma_semaphore, #tpu.memory_space<semaphore_mem>>
      %dma_start3A_1249 = arith.constant 0 : i32
      %dma_start3A_1250 = arith.constant 0 : i32
      %dma_start3A_1251 = tpu.memref_slice %arg6[%run_scoped3A_1220, %dma_start3A_1249, %dma_start3A_1250] : memref<2x896x64xf32, #tpu.memory_space<vmem>> -> memref<1x896x64xf32, #tpu.memory_space<vmem>>
      %dma_start3A_1252 = tpu.memref_squeeze %dma_start3A_1251 : memref<1x896x64xf32, #tpu.memory_space<vmem>> -> memref<896x64xf32, #tpu.memory_space<vmem>>
      %dma_start3A_1253 = arith.constant 0 : i32
      %dma_start3A_1254 = tpu.memref_slice %arg4[%add3A_1219, %dma_start3A_1253] : memref<206848x64xf32, #tpu.memory_space<hbm>> -> memref<896x64xf32, #tpu.memory_space<hbm>>
      %dma_start3A_1255 = arith.constant 0 : i32
      %dma_start3A_1256 = tpu.memref_slice %arg4[%add3A_1219, %dma_start3A_1255] : memref<206848x64xf32, #tpu.memory_space<hbm>> -> memref<896x64xf32, #tpu.memory_space<hbm>>
      %dma_start3A_1257 = arith.constant 0 : i32
      %dma_start3A_1258 = arith.constant 0 : i32
      %dma_start3A_1259 = tpu.memref_slice %arg6[%run_scoped3A_1220, %dma_start3A_1257, %dma_start3A_1258] : memref<2x896x64xf32, #tpu.memory_space<vmem>> -> memref<1x896x64xf32, #tpu.memory_space<vmem>>
      %dma_start3A_1260 = tpu.memref_squeeze %dma_start3A_1259 : memref<1x896x64xf32, #tpu.memory_space<vmem>> -> memref<896x64xf32, #tpu.memory_space<vmem>>
      tpu.enqueue_dma source(%dma_start3A_1260 : memref<896x64xf32, #tpu.memory_space<vmem>>) target(%dma_start3A_1256 : memref<896x64xf32, #tpu.memory_space<hbm>>) target_semaphore(%run_scoped3A_1248 : memref<!tpu.dma_semaphore, #tpu.memory_space<semaphore_mem>>)
      %dma_wait3A_1261 = arith.constant 0 : i32
      %dma_wait3A_1262 = arith.constant 0 : i32
      %dma_wait3A_1263 = tpu.memref_slice %arg6[%run_scoped3A_1220, %dma_wait3A_1261, %dma_wait3A_1262] : memref<2x896x64xf32, #tpu.memory_space<vmem>> -> memref<1x896x64xf32, #tpu.memory_space<vmem>>
      %dma_wait3A_1264 = tpu.memref_squeeze %dma_wait3A_1263 : memref<1x896x64xf32, #tpu.memory_space<vmem>> -> memref<896x64xf32, #tpu.memory_space<vmem>>
      %dma_wait3A_1265 = arith.constant 0 : i32
      %dma_wait3A_1266 = tpu.memref_slice %arg4[%add3A_1219, %dma_wait3A_1265] : memref<206848x64xf32, #tpu.memory_space<hbm>> -> memref<896x64xf32, #tpu.memory_space<hbm>>
      %dma_wait3A_1267 = arith.constant 0 : i32
      %dma_wait3A_1268 = tpu.memref_slice %arg4[%add3A_1219, %dma_wait3A_1267] : memref<206848x64xf32, #tpu.memory_space<hbm>> -> memref<896x64xf32, #tpu.memory_space<hbm>>
      %dma_wait3A_1269 = arith.constant 0 : i32
      %dma_wait3A_1270 = arith.constant 0 : i32
      %dma_wait3A_1271 = tpu.memref_slice %arg6[%run_scoped3A_1220, %dma_wait3A_1269, %dma_wait3A_1270] : memref<2x896x64xf32, #tpu.memory_space<vmem>> -> memref<1x896x64xf32, #tpu.memory_space<vmem>>
      %dma_wait3A_1272 = tpu.memref_squeeze %dma_wait3A_1271 : memref<1x896x64xf32, #tpu.memory_space<vmem>> -> memref<896x64xf32, #tpu.memory_space<vmem>>
      tpu.wait_dma2 semaphore(%run_scoped3A_1248 : memref<!tpu.dma_semaphore, #tpu.memory_space<semaphore_mem>>) src(%dma_wait3A_1272 : memref<896x64xf32, #tpu.memory_space<vmem>>) dst(%dma_wait3A_1268 : memref<896x64xf32, #tpu.memory_space<hbm>>)
      tpu.yield
    }) : () -> ()
    %dma_wait3A_1221 = arith.constant 49 : i32
    %dma_wait3A_1222 = arith.constant 1 : i32
    %dma_wait3A_1223 = arith.constant 0 : i32
    %dma_wait3A_1224 = arith.constant 0 : i32
    %dma_wait3A_1225 = tpu.memref_slice %arg6[%dma_wait3A_1222, %dma_wait3A_1223, %dma_wait3A_1224] : memref<2x896x64xf32, #tpu.memory_space<vmem>> -> memref<1x128x64xf32, #tpu.memory_space<vmem>>
    %dma_wait3A_1226 = tpu.memref_squeeze %dma_wait3A_1225 : memref<1x128x64xf32, #tpu.memory_space<vmem>> -> memref<128x64xf32, #tpu.memory_space<vmem>>
    %dma_wait3A_1227 = arith.constant 0 : i32
    %dma_wait3A_1228 = tpu.memref_slice %arg5[%dma_wait3A_1221, %dma_wait3A_1227] : memref<51x128xi32, #tpu.memory_space<vmem>> -> memref<1x128xi32, #tpu.memory_space<vmem>>
    %dma_wait3A_1229 = tpu.memref_squeeze %dma_wait3A_1228 : memref<1x128xi32, #tpu.memory_space<vmem>> -> memref<128xi32, #tpu.memory_space<vmem>>
    %dma_wait3A_1230 = arith.constant 0 : i32
    %dma_wait3A_1231 = arith.constant 0 : i32
    %dma_wait3A_1232 = tpu.memref_slice %arg2[%dma_wait3A_1230, %dma_wait3A_1231] : memref<1000003x64xf32, #tpu.memory_space<hbm>> -> memref<1000003x64xf32, #tpu.memory_space<hbm>>
    tpu.wait_indirect_dma semaphore(%arg8 : memref<!tpu.dma_semaphore, #tpu.memory_space<semaphore_mem>>) src(%dma_wait3A_1232 : memref<1000003x64xf32, #tpu.memory_space<hbm>>) dst(%dma_wait3A_1226 : memref<128x64xf32, #tpu.memory_space<vmem>>)
    %dma_wait3A_1233 = arith.constant 50 : i32
    %dma_wait3A_1234 = arith.constant 1 : i32
    %dma_wait3A_1235 = arith.constant 128 : i32
    %dma_wait3A_1236 = arith.constant 0 : i32
    %dma_wait3A_1237 = tpu.memref_slice %arg6[%dma_wait3A_1234, %dma_wait3A_1235, %dma_wait3A_1236] : memref<2x896x64xf32, #tpu.memory_space<vmem>> -> memref<1x128x64xf32, #tpu.memory_space<vmem>>
    %dma_wait3A_1238 = tpu.memref_squeeze %dma_wait3A_1237 : memref<1x128x64xf32, #tpu.memory_space<vmem>> -> memref<128x64xf32, #tpu.memory_space<vmem>>
    %dma_wait3A_1239 = arith.constant 0 : i32
    %dma_wait3A_1240 = tpu.memref_slice %arg5[%dma_wait3A_1233, %dma_wait3A_1239] : memref<51x128xi32, #tpu.memory_space<vmem>> -> memref<1x128xi32, #tpu.memory_space<vmem>>
    %dma_wait3A_1241 = tpu.memref_squeeze %dma_wait3A_1240 : memref<1x128xi32, #tpu.memory_space<vmem>> -> memref<128xi32, #tpu.memory_space<vmem>>
    %dma_wait3A_1242 = arith.constant 0 : i32
    %dma_wait3A_1243 = arith.constant 0 : i32
    %dma_wait3A_1244 = tpu.memref_slice %arg2[%dma_wait3A_1242, %dma_wait3A_1243] : memref<1000003x64xf32, #tpu.memory_space<hbm>> -> memref<1000003x64xf32, #tpu.memory_space<hbm>>
    tpu.wait_indirect_dma semaphore(%arg8 : memref<!tpu.dma_semaphore, #tpu.memory_space<semaphore_mem>>) src(%dma_wait3A_1244 : memref<1000003x64xf32, #tpu.memory_space<hbm>>) dst(%dma_wait3A_1238 : memref<128x64xf32, #tpu.memory_space<vmem>>)
    %add3A_1245 = arith.constant 6272 : i32
    %add3A_1246 = arith.addi %mul3A_2, %add3A_1245 : i32
    %run_scoped3A_1247 = arith.constant 1 : i32
    "tpu.region"() ({
      %run_scoped3A_1248 = tpu.sem_alloc : memref<!tpu.dma_semaphore, #tpu.memory_space<semaphore_mem>>
      %dma_start3A_1249 = arith.constant 0 : i32
      %dma_start3A_1250 = arith.constant 0 : i32
      %dma_start3A_1251 = tpu.memref_slice %arg6[%run_scoped3A_1247, %dma_start3A_1249, %dma_start3A_1250] : memref<2x896x64xf32, #tpu.memory_space<vmem>> -> memref<1x192x64xf32, #tpu.memory_space<vmem>>
      %dma_start3A_1252 = tpu.memref_squeeze %dma_start3A_1251 : memref<1x192x64xf32, #tpu.memory_space<vmem>> -> memref<192x64xf32, #tpu.memory_space<vmem>>
      %dma_start3A_1253 = arith.constant 0 : i32
      %dma_start3A_1254 = tpu.memref_slice %arg4[%add3A_1246, %dma_start3A_1253] : memref<206848x64xf32, #tpu.memory_space<hbm>> -> memref<192x64xf32, #tpu.memory_space<hbm>>
      %dma_start3A_1255 = arith.constant 0 : i32
      %dma_start3A_1256 = tpu.memref_slice %arg4[%add3A_1246, %dma_start3A_1255] : memref<206848x64xf32, #tpu.memory_space<hbm>> -> memref<192x64xf32, #tpu.memory_space<hbm>>
      %dma_start3A_1257 = arith.constant 0 : i32
      %dma_start3A_1258 = arith.constant 0 : i32
      %dma_start3A_1259 = tpu.memref_slice %arg6[%run_scoped3A_1247, %dma_start3A_1257, %dma_start3A_1258] : memref<2x896x64xf32, #tpu.memory_space<vmem>> -> memref<1x192x64xf32, #tpu.memory_space<vmem>>
      %dma_start3A_1260 = tpu.memref_squeeze %dma_start3A_1259 : memref<1x192x64xf32, #tpu.memory_space<vmem>> -> memref<192x64xf32, #tpu.memory_space<vmem>>
      tpu.enqueue_dma source(%dma_start3A_1260 : memref<192x64xf32, #tpu.memory_space<vmem>>) target(%dma_start3A_1256 : memref<192x64xf32, #tpu.memory_space<hbm>>) target_semaphore(%run_scoped3A_1248 : memref<!tpu.dma_semaphore, #tpu.memory_space<semaphore_mem>>)
      %dma_wait3A_1261 = arith.constant 0 : i32
      %dma_wait3A_1262 = arith.constant 0 : i32
      %dma_wait3A_1263 = tpu.memref_slice %arg6[%run_scoped3A_1247, %dma_wait3A_1261, %dma_wait3A_1262] : memref<2x896x64xf32, #tpu.memory_space<vmem>> -> memref<1x192x64xf32, #tpu.memory_space<vmem>>
      %dma_wait3A_1264 = tpu.memref_squeeze %dma_wait3A_1263 : memref<1x192x64xf32, #tpu.memory_space<vmem>> -> memref<192x64xf32, #tpu.memory_space<vmem>>
      %dma_wait3A_1265 = arith.constant 0 : i32
      %dma_wait3A_1266 = tpu.memref_slice %arg4[%add3A_1246, %dma_wait3A_1265] : memref<206848x64xf32, #tpu.memory_space<hbm>> -> memref<192x64xf32, #tpu.memory_space<hbm>>
      %dma_wait3A_1267 = arith.constant 0 : i32
      %dma_wait3A_1268 = tpu.memref_slice %arg4[%add3A_1246, %dma_wait3A_1267] : memref<206848x64xf32, #tpu.memory_space<hbm>> -> memref<192x64xf32, #tpu.memory_space<hbm>>
      %dma_wait3A_1269 = arith.constant 0 : i32
      %dma_wait3A_1270 = arith.constant 0 : i32
      %dma_wait3A_1271 = tpu.memref_slice %arg6[%run_scoped3A_1247, %dma_wait3A_1269, %dma_wait3A_1270] : memref<2x896x64xf32, #tpu.memory_space<vmem>> -> memref<1x192x64xf32, #tpu.memory_space<vmem>>
      %dma_wait3A_1272 = tpu.memref_squeeze %dma_wait3A_1271 : memref<1x192x64xf32, #tpu.memory_space<vmem>> -> memref<192x64xf32, #tpu.memory_space<vmem>>
      tpu.wait_dma2 semaphore(%run_scoped3A_1248 : memref<!tpu.dma_semaphore, #tpu.memory_space<semaphore_mem>>) src(%dma_wait3A_1272 : memref<192x64xf32, #tpu.memory_space<vmem>>) dst(%dma_wait3A_1268 : memref<192x64xf32, #tpu.memory_space<hbm>>)
      tpu.yield
    }) : () -> ()
    return
  }
}

</mosaic_0001>

<sc_bundles>
// kernel: _sc_gather.3.cloned.1.call-start
scs
__scs_entry_jumppad:
0x0: {  	(pc) =	sbr.rel $0x88, $3  }
0x1: {  	(tag) =	ssettag $0x0;
	lr =	simm.s32 $0x1  }
0x2: {  	[smem:$0x3F9F] =	sst lr;
	_ =	strace $0xD0000000  }
0x3: {  	_ = 	snop  }
0x4: {  	_ = 	snop  }
0x5: {  	_ = 	snop  }
0x6: {  	_ = 	snop  }
0x7: {  	_ = 	snop  }
__scs_overlays_trampoline_lowered:
0x8: {  	[smem:$0x3FAE] =	sst s0  }
0x9: {  	[smem:$0x3FAF] =	sst s1  }
0xa: {  	[smem:$0x3FB0] =	sst s2  }
0xb: {  	[smem:$0x3FB1] =	sst s3  }
0xc: {  	[smem:$0x3FB2] =	sst s4  }
0xd: {  	[smem:$0x3FB3] =	sst s5  }
0xe: {  	[smem:$0x3FB4] =	sst s6  }
0xf: {  	[smem:$0x3FB5] =	sst s7  }
0x10: {  	[smem:$0x3FB6] =	sst s8  }
0x11: {  	[smem:$0x3FB7] =	sst s9;
	s0 =	simm.s32 @!p0 $0x0  }
0x12: {  	s1 =	sld [smem:$0x3F9D];
	s0 =	simm.s32 @p0 $0x1  }
0x13: {  	[smem:$0x3FB8] =	sst s0;
	s0 =	simm.s32 @!p1 $0x0  }
0x14: {  	s2 =	sld [smem:$0x3F9C];
	s0 =	simm.s32 @p1 $0x1  }
0x15: {  	[smem:$0x3FB9] =	sst s0;
	s0 =	simm.s32 @!p2 $0x0  }
0x16: {  	s3 =	sld [smem:$0x3FDB];
	s0 =	simm.s32 @p2 $0x1  }
0x17: {  	s4 =	simm.s32 $0x1BF5;
	[smem:$0x3FBB] =	sst s0  }
0x18: {  	s0 =	sld [smem:$0x3F9E];
	_ =	swait.ge [sflag:s4], $0x0  }
0x19: {  	s7 =	sld [smem:$0x3F9F]  }
0x1a: {  	s8 =	sadd.s32 $0xFFFFE003, lr  }
0x1b: {  	s9 =	sadd.s32 $0xFFFFFEF7, lr;
	s5 =	simm.s32 $0xFFFFFFFF;
	p2 =	slt.u32 s8, $0xFFFFF086  }
0x1c: {  	p1 =	slt.u32 s9, $0xF7A;
	s5 =	simm.s32 @!p2 $0x0  }
0x1d: {  	s5 =	simm.s32 @p1 $0x1;
	p0 =	seq.s32 s7, s2  }
0x1e: {  	s7 =	smul.u32 @!p0 $0xF7A, s2;
	p2 =	seq.s32 @!p0 s5, $0x0  }
0x1f: {  	s9 =	smul.u32 $0xF7A, s1;
	s8 =	simm.s32 @!p0 $0x1BF5;
	p2 =	por !p2, p0  }
0x20: {  	[sflag:s8] =	ssyncset.s32 @!p0 $0xFFFFF086;
	s6 =	sadd.s32 @!p0 s3, s7;
	s7 =	simm.s32 @!p0 $0x108  }
0x21: {  	s3 =	sadd.s32 s3, s9;
	s6 =	sadd.s32 @!p0 $0x88, s6;
	s7 =	simm.s32 @p2 $0x1082  }
0x22: {  	[simem:s7], [sflag:s8] =	dma.local @!p0 [hbm:s6], $0xF7A  }
0x23: {  	s9 =	sor.u32 $0xD0000000, s2;
	s6 =	simm.s32 $0x108;
	_ =	swait.ge @!p0 [sflag:s8], $0x0  }
0x24: {  	s3 =	sadd.s32 $0x88, s3;
	s6 =	simm.s32 @!p1 $0x1082;
	[sflag:s4] =	ssyncset.s32 $0xFFFFF086  }
0x25: {  	[simem:s6], [sflag:s4] =	dma.local [hbm:s3], $0xF7A  }
0x26: {  	[smem:$0x3F9F] =	sst s1;
	(tag) =	ssettag s2;
	_ =	strace s9  }
0x27: {  	s1 =	sld [smem:$0x3FAF]  }
0x28: {  	s2 =	sld [smem:$0x3FB0]  }
0x29: {  	s4 =	sld [smem:$0x3FB2]  }
0x2a: {  	p0 =	seq.s32 s5, $0x0;
	s5 =	sld [smem:$0x3FB3]  }
0x2b: {  	s6 =	sld [smem:$0x3FB4]  }
0x2c: {  	s7 =	sld [smem:$0x3FB5]  }
0x2d: {  	s3 =	simm.s32 $0x108;
	s8 =	sld [smem:$0x3FB6]  }
0x2e: {  	s3 =	simm.s32 @!p0 $0x1082;
	s9 =	sld [smem:$0x3FB7]  }
0x2f: {  	lr =	sadd.s32 s0, s3;
	s0 =	sld [smem:$0x3FAE]  }
0x30: {  	s3 =	sld [smem:$0x3FB1]  }
0x31: {  	[smem:$0x3FBA] =	sst s10  }
0x32: {  	s10 =	sld [smem:$0x3FB8];
	_ =	sdelay $0x3  }
0x33: {  	p0 =	seq.s32 s10, $0x1;
	s10 =	sld [smem:$0x3FBA];
	_ =	sdelay $0x3  }
0x34: {  	[smem:$0x3FBA] =	sst s10  }
0x35: {  	s10 =	sld [smem:$0x3FB9];
	_ =	sdelay $0x3  }
0x36: {  	p1 =	seq.s32 s10, $0x1;
	s10 =	sld [smem:$0x3FBA];
	_ =	sdelay $0x3  }
0x37: {  	[smem:$0x3FBA] =	sst s10  }
0x38: {  	s10 =	sld [smem:$0x3FBB]  }
0x39: {  	_ = 	snop;
	(pc) =	sbr.ind lr, $3  }
0x3a: {  	_ = 	snop  }
0x3b: {  	_ = 	snop  }
0x3c: {  	p2 =	seq.s32 s10, $0x1;
	s10 =	sld [smem:$0x3FBA]  }
0x3d: {  	_ =	shalt  }
0x3e: {  	_ =	shalt  }
0x3f: {  	_ =	shalt  }
0x40: {  	_ =	shalt  }
0x41: {  	_ =	shalt  }
0x42: {  	_ =	shalt  }
0x43: {  	_ =	shalt  }
0x44: {  	_ =	shalt  }
0x45: {  	_ =	shalt  }
0x46: {  	_ =	shalt  }
0x47: {  	_ =	shalt  }
0x48: {  	_ =	shalt  }
0x49: {  	_ =	shalt  }
0x4a: {  	_ =	shalt  }
0x4b: {  	_ =	shalt  }
0x4c: {  	_ =	shalt  }
0x4d: {  	_ =	shalt  }
0x4e: {  	_ =	shalt  }
0x4f: {  	_ =	shalt  }
0x50: {  	_ =	shalt  }
0x51: {  	_ =	shalt  }
0x52: {  	_ =	shalt  }
0x53: {  	_ =	shalt  }
0x54: {  	_ =	shalt  }
0x55: {  	_ =	shalt  }
0x56: {  	_ =	shalt  }
0x57: {  	_ =	shalt  }
0x58: {  	_ =	shalt  }
0x59: {  	_ =	shalt  }
0x5a: {  	_ =	shalt  }
0x5b: {  	_ =	shalt  }
0x5c: {  	_ =	shalt  }
0x5d: {  	_ =	shalt  }
0x5e: {  	_ =	shalt  }
0x5f: {  	_ =	shalt  }
0x60: {  	_ =	shalt  }
0x61: {  	_ =	shalt  }
0x62: {  	_ =	shalt  }
0x63: {  	_ =	shalt  }
0x64: {  	_ =	shalt  }
0x65: {  	_ =	shalt  }
0x66: {  	_ =	shalt  }
0x67: {  	_ =	shalt  }
0x68: {  	_ =	shalt  }
0x69: {  	_ =	shalt  }
0x6a: {  	_ =	shalt  }
0x6b: {  	_ =	shalt  }
0x6c: {  	_ =	shalt  }
0x6d: {  	_ =	shalt  }
0x6e: {  	_ =	shalt  }
0x6f: {  	_ =	shalt  }
0x70: {  	_ =	shalt  }
0x71: {  	_ =	shalt  }
0x72: {  	_ =	shalt  }
0x73: {  	_ =	shalt  }
0x74: {  	_ =	shalt  }
0x75: {  	_ =	shalt  }
0x76: {  	_ =	shalt  }
0x77: {  	_ =	shalt  }
0x78: {  	_ =	shalt  }
0x79: {  	_ =	shalt  }
0x7a: {  	_ =	shalt  }
0x7b: {  	_ =	shalt  }
0x7c: {  	_ =	shalt  }
0x7d: {  	_ =	shalt  }
0x7e: {  	_ =	shalt  }
0x7f: {  	_ =	shalt  }
0x80: {  	_ =	shalt  }
0x81: {  	_ =	shalt  }
0x82: {  	_ =	shalt  }
0x83: {  	_ =	shalt  }
0x84: {  	_ =	shalt  }
0x85: {  	_ =	shalt  }
0x86: {  	_ =	shalt  }
0x87: {  	_ =	shalt  }
.Lfunc_end0:
.L_simem_size_0:
called_computation.1_lowered:
.L_overlay_start_0:
0x88: {  	s2 =	sld [smem:$0x3FD9]  }
0x89: {  	s3 =	sld [smem:$0x3FFE];
	_ =	sdelay $0x1  }
0x8a: {  	s1 =	srdreg.scid  }
0x8b: {  	s0 =	sand.u32 $0x1, s1  }
0x8c: {  	s17 =	sshll.u32 s0, $0xA;
	s2 =	sadd.s32 s3, s2  }
0x8d: {  	s2 =	sadd.s32 s2, s17  }
0x8e: {  	[smem:$0x3FC6] =	sst s2  }
0x8f: {  	_ = 	snop  }
0x90: {  	s2 =	sld [smem:$0x3FD0];
	(tm) =	ssettm $0x1  }
0x91: {  	s18 =	sld [smem:$0x3FFB];
	_ =	sdelay $0x3  }
0x92: {  	_ =	strace s18  }
0x93: {  	s3 =	sld [smem:$0x3FFC];
	_ =	sdelay $0x3  }
0x94: {  	_ =	strace s3  }
0x95: {  	s3 =	sld [smem:$0x3FFD];
	_ =	sdelay $0x3  }
0x96: {  	_ =	strace s3  }
0x97: {  	_ =	strace $0x8FFFFFFF  }
0x98: {  	s19 =	sld [smem:$0x3FDB];
	_ =	sdelay $0x1  }
0x99: {  	s4 =	simm.s32 $_scs_section_size  }
0x9a: {  	s5 =	simm.s32 $_size__tile_overlayer_lowered;
	s6 =	simm.s32 $_tile_overlayer_lowered  }
0x9b: {  	s22 =	simm.s32 $0x1BFF;
	s21 =	sshll.u32 s6, $0x1;
	s3 =	sadd.s32 s4, s19  }
0x9c: {  	s7 =	simm.s32 $0x0;
	s20 =	sshll.u32 s5, $0x1;
	s5 =	sadd.s32 s21, s3  }
0x9d: {  	[timem:s7], [sflag:s22] =	dma.local [hbm:s5], s20  }
0x9e: {  	_ =	swait.ge [sflag:s22], s20  }
0x9f: {  	s4 =	ssub.s32 $0x0, s20;
	[sflag:s22] =	ssyncset.done $0x0  }
0xa0: {  	[sflag:s22] =	ssyncadd.s32 s4;
	_ =	sdelay $0x1  }
0xa1: {  	s23 =	simm.s32 $0x1B8B  }
0xa2: {  	_ =	swait.ge [sflag:s23], $0x1  }
0xa3: {  	[sflag:s23] =	ssyncset.done $0x0  }
0xa4: {  	s25 =	simm.s32 $0x1B8E;
	s24 =	sld [smem:$0x3FFE];
	[sflag:s23] =	ssyncadd.s32 $0xFFFFFFFF  }
0xa5: {  	s26 =	simm.s32 $execute0_lowered;
	[smem:$0x3FD2] =	sst s25  }
0xa6: {  	s5 =	sshll.u32 s26, $0x1;
	_ =	strace $0x80000046;
	[dreg:$0x1] =	wrdreg $0xFFFFFFFF  }
0xa7: {  	s28 =	simm.s32 $_size_execute0_lowered;
	s3 =	sadd.s32 s3, s5;
	[dreg:$0x0] =	wrdreg $0x0  }
0xa8: {  	s5 =	sshll.u32 s28, $0x1;
	[dreg:$0x2] =	wrdreg s3  }
0xa9: {  	[dreg:$0x3] =	wrdreg s5  }
0xaa: {  	[dreg:$0x4] =	wrdreg $0xC0  }
0xab: {  	_ =	task [dreg:s7], $0x5FFFF  }
0xac: {  	[dreg:$0x1] =	wrdreg $0xFFFFFFFF  }
0xad: {  	[dreg:$0x0] =	wrdreg $0x60  }
0xae: {  	[dreg:$0x2] =	wrdreg s24  }
0xaf: {  	[dreg:$0x3] =	wrdreg s2  }
0xb0: {  	[dreg:$0x4] =	wrdreg $0x9  }
0xb1: {  	_ =	task.clear_ibuf [dreg:s7], $0x5FFFF;
	_ =	strace $0x90000046  }
0xb2: {  	s29 =	simm.s32 $0x9;
	_ =	strace $0x80000048  }
0xb3: {  	_ =	swait.ge [sflag:s29], $0x1  }
0xb4: {  	[sflag:s29] =	ssyncadd.s32 $0xFFFFFFFF  }
0xb5: {  	_ =	strace $0x90000048  }
0xb6: {  	_ =	sfence  }
0xb7: {  	s30 =	sld [smem:$0x0];
	_ =	sdelay $0x2  }
0xb8: {  	s31 =	sshll.u32 s1, $0xD;
	s1 =	sshrl.u32 s1, $0x2  }
0xb9: {  	s3 =	sand.u32 $0x4000, s31;
	s1 =	sadd.s32 s1, s30  }
0xba: {  	s0 =	sor.u32 s3, s0;
	s1 =	sshll.u32 s1, $0x11  }
0xbb: {  	s0 =	sor.u32 s1, s0  }
0xbc: {  	s0 =	sadd.s32 $0x8F2B, s0  }
0xbd: {  	[sflag:s0] =	ssyncadd.remote.s32 $0x1  }
0xbe: {  	_ =	sfence.sel $0xFFFF  }
0xbf: {  	[dreg:$0x0] =	wrdreg $0xFFFFFFFF;
	(pc) =	sbr.abs _section_cstart, $3  }
0xc0: {  	[dreg:$0x1] =	wrdreg $0xFFFFFFFF  }
0xc1: {  	_ =	task.clear_ibuf [dreg:s7], $0x2FFFF;
	_ =	strace $0x9FFFFFFF  }
0xc2: {  	(tm) =	ssettm $0x7FFFFFFF  }
0xc3: {  	_ =	shalt  }
tec
execute0_lowered:
.L_overlay_start_1:
0x0: {  	(tag) =	ssettag $0x1  }
0x1: {  	s3 =	rddreg [dreg:$0x0]  }
0x2: {  	s4 =	rddreg [dreg:$0x1];
	s2 =	simm.s32 $0x0  }
0x3: {  	s20 =	simm.s32 $0x100;
	[smem:$0x7FF] =	sst s2  }
0x4: {  	s21 =	simm.s32 $0x180;
	_ =	strace $0x80000047;
	[dreg:$0xc] =	wrdreg s20  }
0x5: {  	s22 =	simm.s32 $0x200;
	[dreg:$0xd] =	wrdreg s21  }
0x6: {  	s23 =	simm.s32 $0x280;
	[dreg:$0xe] =	wrdreg s22  }
0x7: {  	s24 =	simm.s32 $0x300;
	[dreg:$0xf] =	wrdreg s23  }
0x8: {  	s25 =	simm.s32 $0x380;
	[dreg:$0x10] =	wrdreg s24  }
0x9: {  	s26 =	simm.s32 $0x400;
	[dreg:$0x11] =	wrdreg s25  }
0xa: {  	s0 =	srdreg.scid;
	s7 =	simm.s32 $0x600;
	[dreg:$0x12] =	wrdreg s26  }
0xb: {  	s17 =	stileid.u32;
	s8 =	simm.s32 $0x680;
	[dreg:$0x16] =	wrdreg s7  }
0xc: {  	s9 =	simm.s32 $0x700;
	s10 =	simm.s32 $0x780;
	[dreg:$0x17] =	wrdreg s8  }
0xd: {  	s1 =	sand.u32 $0x1, s0;
	s11 =	sshll.u32 s17, $0x1;
	[dreg:$0x18] =	wrdreg s9  }
0xe: {  	s0 =	sor.u32 s1, s11;
	[dreg:$0x19] =	wrdreg s10;
	s11 =	simm.s32 $0x800  }
0xf: {  	s20 =	simm.s32 $0xB80;
	[dreg:$0x1a] =	wrdreg s11  }
0x10: {  	s21 =	simm.s32 $0xC00;
	[smem:$0x7EB] =	sst s20  }
0x11: {  	s22 =	simm.s32 $0xC80;
	[smem:$0x7EC] =	sst s21  }
0x12: {  	s23 =	simm.s32 $0xD00;
	[smem:$0x7ED] =	sst s22  }
0x13: {  	s24 =	simm.s32 $0xD80;
	[smem:$0x7EE] =	sst s23  }
0x14: {  	s25 =	simm.s32 $0xE00;
	[smem:$0x7EF] =	sst s24  }
0x15: {  	s28 =	simm.s32 $0x15980;
	s26 =	simm.s32 $0xE80;
	[smem:$0x7F0] =	sst s25  }
0x16: {  	s29 =	simm.s32 $0x17980;
	s8 =	simm.s32 $0xF80;
	[smem:$0x7F1] =	sst s26  }
0x17: {  	s30 =	simm.s32 $0x19980;
	s9 =	simm.s32 $0x1000;
	[smem:$0x7F3] =	sst s8  }
0x18: {  	s31 =	simm.s32 $0x1B980;
	s10 =	simm.s32 $0x1080;
	[smem:$0x7F4] =	sst s9  }
0x19: {  	p0 =	por $0x0, $0x0;
	[smem:$0x7F5] =	sst s10;
	s20 =	simm.s32 $0x1200  }
0x1a: {  	s1 =	ssub.s32 $0x2, s1;
	s21 =	simm.s32 $0x1280;
	[smem:$0x7F8] =	sst s20  }
0x1b: {  	s5 =	smul.u32 $0x330, s0;
	s22 =	simm.s32 $0x1300;
	[smem:$0x7F9] =	sst s21  }
0x1c: {  	s6 =	smul.u32 $0x65000, s0;
	s23 =	simm.s32 $0x1380;
	[smem:$0x7FA] =	sst s22  }
0x1d: {  	s0 =	smul.u32 $0xCA00, s0;
	s24 =	simm.s32 $0x1400;
	[smem:$0x7FB] =	sst s23  }
0x1e: {  	s7 =	simm.s32 $0x80;
	s25 =	simm.s32 $0x1480;
	[smem:$0x7FC] =	sst s24  }
0x1f: {  	[smem:$0x7FD] =	sst s25;
	s5 =	sadd.s32 s5, s3;
	s0 =	sadd.s32 s4, s0  }
0x20: {  	s6 =	sshrl.u32 s6, $0x3;
	s5 =	sadd.s32 $0xA00, s5;
	[dreg:$0x4] =	wrdreg s0  }
0x21: {  	s4 =	sadd.s32 s4, s6;
	s6 =	simm.s32 $0x580;
	[dreg:$0x3] =	wrdreg s5  }
0x22: {  	s11 =	simm.s32 $0x3980;
	s12 =	sadd.s32 $0x1C00, s4;
	[dreg:$0x15] =	wrdreg s6  }
0x23: {  	s10 =	simm.s32 $0x11980;
	s13 =	sadd.s32 $0x3800, s4;
	[dreg:$0x5] =	wrdreg s12  }
0x24: {  	s26 =	simm.s32 $0x13980;
	s14 =	sadd.s32 $0x5400, s4;
	[dreg:$0x6] =	wrdreg s13  }
0x25: {  	s9 =	simm.s32 $0x1;
	s15 =	sadd.s32 $0x7000, s4;
	[dreg:$0x7] =	wrdreg s14  }
0x26: {  	s8 =	simm.s32 $0x2;
	s16 =	sadd.s32 $0x8C00, s4;
	[dreg:$0x8] =	wrdreg s15  }
0x27: {  	s21 =	simm.s32 $0x1580;
	s18 =	sadd.s32 $0xA800, s4;
	[dreg:$0x9] =	wrdreg s16  }
0x28: {  	s22 =	simm.s32 $0x1600;
	s19 =	sadd.s32 $0xC400, s4;
	[dreg:$0xa] =	wrdreg s18  }
0x29: {  	s23 =	simm.s32 $0x1680;
	s4 =	simm.s32 $0x480;
	[dreg:$0xb] =	wrdreg s19  }
0x2a: {  	s24 =	simm.s32 $0x1700;
	s5 =	simm.s32 $0x500;
	[dreg:$0x13] =	wrdreg s4  }
0x2b: {  	s25 =	simm.s32 $0x1780;
	s6 =	simm.s32 $0xF00;
	[dreg:$0x14] =	wrdreg s5  }
0x2c: {  	s20 =	simm.s32 $0x1800;
	s12 =	simm.s32 $0x880;
	[smem:$0x7F2] =	sst s6  }
0x2d: {  	s13 =	simm.s32 $0x900;
	s14 =	simm.s32 $0x980;
	s0 =	rddreg [dreg:$0x3]  }
0x2e: {  	s5 =	sadd.s32 $0xF43000, s3;
	s15 =	simm.s32 $0xA00;
	[dreg:$0x1b] =	wrdreg s12  }
0x2f: {  	s16 =	simm.s32 $0xA80;
	s18 =	sshrl.u32 s1, $0x1;
	[dreg:$0x1c] =	wrdreg s13  }
0x30: {  	s19 =	simm.s32 $0xB00;
	[dreg:$0x1d] =	wrdreg s14;
	s1 =	ssub.s32 s1, s18  }
0x31: {  	s3 =	simm.s32 $0x3;
	[dreg:$0x1e] =	wrdreg s15;
	s1 =	smax.u32 s1, $0x1  }
0x32: {  	s4 =	simm.s32 $0x1980;
	[dreg:$0x1f] =	wrdreg s16;
	p1 =	sne.s32 s1, $0x1  }
.Ltmp0:
0x33: {  	s6 =	simm.s32 $0xF980;
	[smem:$0x7EA] =	sst s19;
	(pc) =	sbr.rel @!p1 .LBB2_1-.Ltmp0, $4  }
0x34: {  	s12 =	simm.s32 $0x5980;
	s13 =	simm.s32 $0x7980;
	s18 =	simm.s32 $0x1100  }
0x35: {  	s14 =	simm.s32 $0x9980;
	s19 =	simm.s32 $0x1180;
	[smem:$0x7F6] =	sst s18  }
0x36: {  	s15 =	simm.s32 $0xB980;
	s16 =	simm.s32 $0xD980;
	[smem:$0x7F7] =	sst s19  }
0x37: {  	s18 =	simm.s32 $0x1880;
	s19 =	simm.s32 $0x1900;
	s1 =	sadd.s32 $0xFFFFFFFF, s1  }
0x38: {  	[tilespmem:s2], [sflag:$0x3] =	stream.linear.gather [hbm4b:s0+s2], $0x1980, $0x38;
	[tilespmem:$0x1D980] =	vst v63  }
0x39: {  	_ =	swait.ge [sflag:s3], $0x1980  }
0x3a: {  	[sflag:s3] =	ssyncset.done $0x0  }
0x3b: {  	[sflag:s3] =	ssyncadd.s32 $0xFFFFE680  }
0x3c: {  	[tilespmem:s4], [sflag:$0x1] =	stream.indirect.gather [hbm4b:s5+s7], $0x40, s2, s7, $0xb8;
	[tilespmem:$0x1D980] =	vst v63  }
0x3d: {  	_ = 	snop  }
0x3e: {  	[tilespmem:s11], [sflag:$0x1] =	stream.indirect.gather [hbm4b:s5+s7], $0x40, s7, s7, $0xb8;
	[tilespmem:$0x1D980] =	vst v63  }
0x3f: {  	s0 =	rddreg [dreg:$0xc]  }
0x40: {  	[tilespmem:s12], [sflag:$0x1] =	stream.indirect.gather [hbm4b:s5+s7], $0x40, s0, s7, $0xb8;
	[tilespmem:$0x1D980] =	vst v63  }
0x41: {  	s17 =	smov.u32 s1;
	s1 =	rddreg [dreg:$0xd]  }
0x42: {  	[tilespmem:s13], [sflag:$0x1] =	stream.indirect.gather [hbm4b:s5+s7], $0x40, s1, s7, $0xb8;
	[tilespmem:$0x1D980] =	vst v63  }
0x43: {  	s0 =	rddreg [dreg:$0xe]  }
0x44: {  	[tilespmem:s14], [sflag:$0x1] =	stream.indirect.gather [hbm4b:s5+s7], $0x40, s0, s7, $0xb8;
	[tilespmem:$0x1D980] =	vst v63  }
0x45: {  	s1 =	rddreg [dreg:$0xf]  }
0x46: {  	[tilespmem:s15], [sflag:$0x1] =	stream.indirect.gather [hbm4b:s5+s7], $0x40, s1, s7, $0xb8;
	[tilespmem:$0x1D980] =	vst v63  }
0x47: {  	s0 =	rddreg [dreg:$0x10]  }
0x48: {  	[tilespmem:s16], [sflag:$0x1] =	stream.indirect.gather [hbm4b:s5+s7], $0x40, s0, s7, $0xb8;
	[tilespmem:$0x1D980] =	vst v63  }
0x49: {  	s1 =	rddreg [dreg:$0x11]  }
0x4a: {  	[tilespmem:s6], [sflag:$0x2] =	stream.indirect.gather [hbm4b:s5+s7], $0x40, s1, s7, $0xb8;
	[tilespmem:$0x1D980] =	vst v63  }
0x4b: {  	s0 =	rddreg [dreg:$0x12]  }
0x4c: {  	[tilespmem:s10], [sflag:$0x2] =	stream.indirect.gather [hbm4b:s5+s7], $0x40, s0, s7, $0xb8;
	[tilespmem:$0x1D980] =	vst v63  }
0x4d: {  	s1 =	rddreg [dreg:$0x13]  }
0x4e: {  	[tilespmem:s26], [sflag:$0x2] =	stream.indirect.gather [hbm4b:s5+s7], $0x40, s1, s7, $0xb8;
	[tilespmem:$0x1D980] =	vst v63  }
0x4f: {  	s0 =	rddreg [dreg:$0x14]  }
0x50: {  	[tilespmem:s28], [sflag:$0x2] =	stream.indirect.gather [hbm4b:s5+s7], $0x40, s0, s7, $0xb8;
	[tilespmem:$0x1D980] =	vst v63  }
0x51: {  	s1 =	rddreg [dreg:$0x15]  }
0x52: {  	[tilespmem:s29], [sflag:$0x2] =	stream.indirect.gather [hbm4b:s5+s7], $0x40, s1, s7, $0xb8;
	[tilespmem:$0x1D980] =	vst v63  }
0x53: {  	s0 =	rddreg [dreg:$0x16]  }
0x54: {  	[tilespmem:s30], [sflag:$0x2] =	stream.indirect.gather [hbm4b:s5+s7], $0x40, s0, s7, $0xb8;
	[tilespmem:$0x1D980] =	vst v63  }
0x55: {  	s1 =	rddreg [dreg:$0x17]  }
0x56: {  	[tilespmem:s31], [sflag:$0x2] =	stream.indirect.gather [hbm4b:s5+s7], $0x40, s1, s7, $0xb8;
	[tilespmem:$0x1D980] =	vst v63  }
0x57: {  	_ =	swait.ge [sflag:s9], $0x2000  }
0x58: {  	[sflag:s9] =	ssyncset.done $0x0  }
0x59: {  	[sflag:s9] =	ssyncadd.s32 $0xFFFFE000  }
0x5a: {  	_ =	swait.ge [sflag:s9], $0x2000  }
0x5b: {  	[sflag:s9] =	ssyncset.done $0x0  }
0x5c: {  	[sflag:s9] =	ssyncadd.s32 $0xFFFFE000  }
0x5d: {  	_ =	swait.ge [sflag:s9], $0x2000  }
0x5e: {  	[sflag:s9] =	ssyncset.done $0x0  }
0x5f: {  	[sflag:s9] =	ssyncadd.s32 $0xFFFFE000  }
0x60: {  	_ =	swait.ge [sflag:s9], $0x2000  }
0x61: {  	[sflag:s9] =	ssyncset.done $0x0  }
0x62: {  	[sflag:s9] =	ssyncadd.s32 $0xFFFFE000  }
0x63: {  	_ =	swait.ge [sflag:s9], $0x2000  }
0x64: {  	[sflag:s9] =	ssyncset.done $0x0  }
0x65: {  	[sflag:s9] =	ssyncadd.s32 $0xFFFFE000  }
0x66: {  	_ =	swait.ge [sflag:s9], $0x2000  }
0x67: {  	[sflag:s9] =	ssyncset.done $0x0  }
0x68: {  	[sflag:s9] =	ssyncadd.s32 $0xFFFFE000  }
0x69: {  	_ =	swait.ge [sflag:s9], $0x2000  }
0x6a: {  	[sflag:s9] =	ssyncset.done $0x0  }
0x6b: {  	s1 =	rddreg [dreg:$0x4];
	[sflag:s9] =	ssyncadd.s32 $0xFFFFE000  }
0x6c: {  	[hbm4b:s1+s2] =	stream.linear.scatter [tilespmem:s4], [sflag:$0x3], $0xE000, $0x38;
	[tilespmem:$0x1D980] =	vst v63  }
0x6d: {  	_ =	swait.ge [sflag:s3], $0xE000  }
0x6e: {  	[sflag:s3] =	ssyncset.done $0x0  }
0x6f: {  	s0 =	rddreg [dreg:$0x18];
	[sflag:s3] =	ssyncadd.s32 $0xFFFF2000  }
0x70: {  	[tilespmem:s4], [sflag:$0x1] =	stream.indirect.gather [hbm4b:s5+s7], $0x40, s0, s7, $0xb8;
	[tilespmem:$0x1D980] =	vst v63  }
0x71: {  	s1 =	rddreg [dreg:$0x19]  }
0x72: {  	[tilespmem:s11], [sflag:$0x1] =	stream.indirect.gather [hbm4b:s5+s7], $0x40, s1, s7, $0xb8;
	[tilespmem:$0x1D980] =	vst v63  }
0x73: {  	s0 =	rddreg [dreg:$0x1a]  }
0x74: {  	[tilespmem:s12], [sflag:$0x1] =	stream.indirect.gather [hbm4b:s5+s7], $0x40, s0, s7, $0xb8;
	[tilespmem:$0x1D980] =	vst v63  }
0x75: {  	s1 =	rddreg [dreg:$0x1b]  }
0x76: {  	[tilespmem:s13], [sflag:$0x1] =	stream.indirect.gather [hbm4b:s5+s7], $0x40, s1, s7, $0xb8;
	[tilespmem:$0x1D980] =	vst v63  }
0x77: {  	s0 =	rddreg [dreg:$0x1c]  }
0x78: {  	[tilespmem:s14], [sflag:$0x1] =	stream.indirect.gather [hbm4b:s5+s7], $0x40, s0, s7, $0xb8;
	[tilespmem:$0x1D980] =	vst v63  }
0x79: {  	s1 =	rddreg [dreg:$0x1d]  }
0x7a: {  	[tilespmem:s15], [sflag:$0x1] =	stream.indirect.gather [hbm4b:s5+s7], $0x40, s1, s7, $0xb8;
	[tilespmem:$0x1D980] =	vst v63  }
0x7b: {  	s0 =	rddreg [dreg:$0x1e]  }
0x7c: {  	[tilespmem:s16], [sflag:$0x1] =	stream.indirect.gather [hbm4b:s5+s7], $0x40, s0, s7, $0xb8;
	[tilespmem:$0x1D980] =	vst v63  }
0x7d: {  	_ =	swait.ge [sflag:s8], $0x2000  }
0x7e: {  	[sflag:s8] =	ssyncset.done $0x0  }
0x7f: {  	[sflag:s8] =	ssyncadd.s32 $0xFFFFE000  }
0x80: {  	_ =	swait.ge [sflag:s8], $0x2000  }
0x81: {  	[sflag:s8] =	ssyncset.done $0x0  }
0x82: {  	[sflag:s8] =	ssyncadd.s32 $0xFFFFE000  }
0x83: {  	_ =	swait.ge [sflag:s8], $0x2000  }
0x84: {  	[sflag:s8] =	ssyncset.done $0x0  }
0x85: {  	[sflag:s8] =	ssyncadd.s32 $0xFFFFE000  }
0x86: {  	_ =	swait.ge [sflag:s8], $0x2000  }
0x87: {  	[sflag:s8] =	ssyncset.done $0x0  }
0x88: {  	[sflag:s8] =	ssyncadd.s32 $0xFFFFE000  }
0x89: {  	_ =	swait.ge [sflag:s8], $0x2000  }
0x8a: {  	[sflag:s8] =	ssyncset.done $0x0  }
0x8b: {  	[sflag:s8] =	ssyncadd.s32 $0xFFFFE000  }
0x8c: {  	_ =	swait.ge [sflag:s8], $0x2000  }
0x8d: {  	[sflag:s8] =	ssyncset.done $0x0  }
0x8e: {  	[sflag:s8] =	ssyncadd.s32 $0xFFFFE000  }
0x8f: {  	_ =	swait.ge [sflag:s8], $0x2000  }
0x90: {  	[sflag:s8] =	ssyncset.done $0x0  }
0x91: {  	s1 =	rddreg [dreg:$0x5];
	[sflag:s8] =	ssyncadd.s32 $0xFFFFE000  }
0x92: {  	[hbm4b:s1+s2] =	stream.linear.scatter [tilespmem:s6], [sflag:$0x3], $0xE000, $0x38;
	[tilespmem:$0x1D980] =	vst v63  }
0x93: {  	_ =	swait.ge [sflag:s3], $0xE000  }
0x94: {  	s0 =	rddreg [dreg:$0x1f];
	[sflag:s3] =	ssyncset.done $0x0  }
0x95: {  	s1 =	sld [smem:$0x7EA];
	[sflag:s3] =	ssyncadd.s32 $0xFFFF2000  }
0x96: {  	[tilespmem:s6], [sflag:$0x2] =	stream.indirect.gather [hbm4b:s5+s7], $0x40, s0, s7, $0xb8;
	[tilespmem:$0x1D980] =	vst v63  }
0x97: {  	s0 =	sld [smem:$0x7EB]  }
0x98: {  	[tilespmem:s10], [sflag:$0x2] =	stream.indirect.gather [hbm4b:s5+s7], $0x40, s1, s7, $0xb8;
	[tilespmem:$0x1D980] =	vst v63  }
0x99: {  	s1 =	sld [smem:$0x7EC]  }
0x9a: {  	[tilespmem:s26], [sflag:$0x2] =	stream.indirect.gather [hbm4b:s5+s7], $0x40, s0, s7, $0xb8;
	[tilespmem:$0x1D980] =	vst v63  }
0x9b: {  	s0 =	sld [smem:$0x7ED]  }
0x9c: {  	[tilespmem:s28], [sflag:$0x2] =	stream.indirect.gather [hbm4b:s5+s7], $0x40, s1, s7, $0xb8;
	[tilespmem:$0x1D980] =	vst v63  }
0x9d: {  	s1 =	sld [smem:$0x7EE]  }
0x9e: {  	[tilespmem:s29], [sflag:$0x2] =	stream.indirect.gather [hbm4b:s5+s7], $0x40, s0, s7, $0xb8;
	[tilespmem:$0x1D980] =	vst v63  }
0x9f: {  	s0 =	sld [smem:$0x7EF]  }
0xa0: {  	[tilespmem:s30], [sflag:$0x2] =	stream.indirect.gather [hbm4b:s5+s7], $0x40, s1, s7, $0xb8;
	[tilespmem:$0x1D980] =	vst v63  }
0xa1: {  	_ = 	snop  }
0xa2: {  	[tilespmem:s31], [sflag:$0x2] =	stream.indirect.gather [hbm4b:s5+s7], $0x40, s0, s7, $0xb8;
	[tilespmem:$0x1D980] =	vst v63  }
0xa3: {  	_ =	swait.ge [sflag:s9], $0x2000  }
0xa4: {  	[sflag:s9] =	ssyncset.done $0x0  }
0xa5: {  	[sflag:s9] =	ssyncadd.s32 $0xFFFFE000  }
0xa6: {  	_ =	swait.ge [sflag:s9], $0x2000  }
0xa7: {  	[sflag:s9] =	ssyncset.done $0x0  }
0xa8: {  	[sflag:s9] =	ssyncadd.s32 $0xFFFFE000  }
0xa9: {  	_ =	swait.ge [sflag:s9], $0x2000  }
0xaa: {  	[sflag:s9] =	ssyncset.done $0x0  }
0xab: {  	[sflag:s9] =	ssyncadd.s32 $0xFFFFE000  }
0xac: {  	_ =	swait.ge [sflag:s9], $0x2000  }
0xad: {  	[sflag:s9] =	ssyncset.done $0x0  }
0xae: {  	[sflag:s9] =	ssyncadd.s32 $0xFFFFE000  }
0xaf: {  	_ =	swait.ge [sflag:s9], $0x2000  }
0xb0: {  	[sflag:s9] =	ssyncset.done $0x0  }
0xb1: {  	[sflag:s9] =	ssyncadd.s32 $0xFFFFE000  }
0xb2: {  	_ =	swait.ge [sflag:s9], $0x2000  }
0xb3: {  	[sflag:s9] =	ssyncset.done $0x0  }
0xb4: {  	[sflag:s9] =	ssyncadd.s32 $0xFFFFE000  }
0xb5: {  	_ =	swait.ge [sflag:s9], $0x2000  }
0xb6: {  	[sflag:s9] =	ssyncset.done $0x0  }
0xb7: {  	s1 =	rddreg [dreg:$0x6];
	[sflag:s9] =	ssyncadd.s32 $0xFFFFE000  }
0xb8: {  	[hbm4b:s1+s2] =	stream.linear.scatter [tilespmem:s4], [sflag:$0x3], $0xE000, $0x38;
	[tilespmem:$0x1D980] =	vst v63  }
0xb9: {  	_ =	swait.ge [sflag:s3], $0xE000  }
0xba: {  	s0 =	sld [smem:$0x7F0]  }
0xbb: {  	[sflag:s3] =	ssyncset.done $0x0  }
0xbc: {  	s1 =	sld [smem:$0x7F1];
	[sflag:s3] =	ssyncadd.s32 $0xFFFF2000  }
0xbd: {  	[tilespmem:s4], [sflag:$0x1] =	stream.indirect.gather [hbm4b:s5+s7], $0x40, s0, s7, $0xb8;
	[tilespmem:$0x1D980] =	vst v63  }
0xbe: {  	s0 =	sld [smem:$0x7F2]  }
0xbf: {  	[tilespmem:s11], [sflag:$0x1] =	stream.indirect.gather [hbm4b:s5+s7], $0x40, s1, s7, $0xb8;
	[tilespmem:$0x1D980] =	vst v63  }
0xc0: {  	s1 =	sld [smem:$0x7F3]  }
0xc1: {  	[tilespmem:s12], [sflag:$0x1] =	stream.indirect.gather [hbm4b:s5+s7], $0x40, s0, s7, $0xb8;
	[tilespmem:$0x1D980] =	vst v63  }
0xc2: {  	s0 =	sld [smem:$0x7F4]  }
0xc3: {  	[tilespmem:s13], [sflag:$0x1] =	stream.indirect.gather [hbm4b:s5+s7], $0x40, s1, s7, $0xb8;
	[tilespmem:$0x1D980] =	vst v63  }
0xc4: {  	s1 =	sld [smem:$0x7F5]  }
0xc5: {  	[tilespmem:s14], [sflag:$0x1] =	stream.indirect.gather [hbm4b:s5+s7], $0x40, s0, s7, $0xb8;
	[tilespmem:$0x1D980] =	vst v63  }
0xc6: {  	s0 =	sld [smem:$0x7F6]  }
0xc7: {  	[tilespmem:s15], [sflag:$0x1] =	stream.indirect.gather [hbm4b:s5+s7], $0x40, s1, s7, $0xb8;
	[tilespmem:$0x1D980] =	vst v63  }
0xc8: {  	_ = 	snop  }
0xc9: {  	[tilespmem:s16], [sflag:$0x1] =	stream.indirect.gather [hbm4b:s5+s7], $0x40, s0, s7, $0xb8;
	[tilespmem:$0x1D980] =	vst v63  }
0xca: {  	_ =	swait.ge [sflag:s8], $0x2000  }
0xcb: {  	[sflag:s8] =	ssyncset.done $0x0  }
0xcc: {  	[sflag:s8] =	ssyncadd.s32 $0xFFFFE000  }
0xcd: {  	_ =	swait.ge [sflag:s8], $0x2000  }
0xce: {  	[sflag:s8] =	ssyncset.done $0x0  }
0xcf: {  	[sflag:s8] =	ssyncadd.s32 $0xFFFFE000  }
0xd0: {  	_ =	swait.ge [sflag:s8], $0x2000  }
0xd1: {  	[sflag:s8] =	ssyncset.done $0x0  }
0xd2: {  	[sflag:s8] =	ssyncadd.s32 $0xFFFFE000  }
0xd3: {  	_ =	swait.ge [sflag:s8], $0x2000  }
0xd4: {  	[sflag:s8] =	ssyncset.done $0x0  }
0xd5: {  	[sflag:s8] =	ssyncadd.s32 $0xFFFFE000  }
0xd6: {  	_ =	swait.ge [sflag:s8], $0x2000  }
0xd7: {  	[sflag:s8] =	ssyncset.done $0x0  }
0xd8: {  	[sflag:s8] =	ssyncadd.s32 $0xFFFFE000  }
0xd9: {  	_ =	swait.ge [sflag:s8], $0x2000  }
0xda: {  	[sflag:s8] =	ssyncset.done $0x0  }
0xdb: {  	[sflag:s8] =	ssyncadd.s32 $0xFFFFE000  }
0xdc: {  	_ =	swait.ge [sflag:s8], $0x2000  }
0xdd: {  	[sflag:s8] =	ssyncset.done $0x0  }
0xde: {  	s1 =	rddreg [dreg:$0x7];
	[sflag:s8] =	ssyncadd.s32 $0xFFFFE000  }
0xdf: {  	[hbm4b:s1+s2] =	stream.linear.scatter [tilespmem:s6], [sflag:$0x3], $0xE000, $0x38;
	[tilespmem:$0x1D980] =	vst v63  }
0xe0: {  	_ =	swait.ge [sflag:s3], $0xE000  }
0xe1: {  	s0 =	sld [smem:$0x7F7]  }
0xe2: {  	[sflag:s3] =	ssyncset.done $0x0  }
0xe3: {  	s1 =	sld [smem:$0x7F8];
	[sflag:s3] =	ssyncadd.s32 $0xFFFF2000  }
0xe4: {  	[tilespmem:s6], [sflag:$0x2] =	stream.indirect.gather [hbm4b:s5+s7], $0x40, s0, s7, $0xb8;
	[tilespmem:$0x1D980] =	vst v63  }
0xe5: {  	s0 =	sld [smem:$0x7F9]  }
0xe6: {  	[tilespmem:s10], [sflag:$0x2] =	stream.indirect.gather [hbm4b:s5+s7], $0x40, s1, s7, $0xb8;
	[tilespmem:$0x1D980] =	vst v63  }
0xe7: {  	s1 =	sld [smem:$0x7FA]  }
0xe8: {  	[tilespmem:s26], [sflag:$0x2] =	stream.indirect.gather [hbm4b:s5+s7], $0x40, s0, s7, $0xb8;
	[tilespmem:$0x1D980] =	vst v63  }
0xe9: {  	s0 =	sld [smem:$0x7FB]  }
0xea: {  	[tilespmem:s28], [sflag:$0x2] =	stream.indirect.gather [hbm4b:s5+s7], $0x40, s1, s7, $0xb8;
	[tilespmem:$0x1D980] =	vst v63  }
0xeb: {  	s1 =	sld [smem:$0x7FC]  }
0xec: {  	[tilespmem:s29], [sflag:$0x2] =	stream.indirect.gather [hbm4b:s5+s7], $0x40, s0, s7, $0xb8;
	[tilespmem:$0x1D980] =	vst v63  }
0xed: {  	s0 =	sld [smem:$0x7FD]  }
0xee: {  	[tilespmem:s30], [sflag:$0x2] =	stream.indirect.gather [hbm4b:s5+s7], $0x40, s1, s7, $0xb8;
	[tilespmem:$0x1D980] =	vst v63  }
0xef: {  	_ = 	snop  }
0xf0: {  	[tilespmem:s31], [sflag:$0x2] =	stream.indirect.gather [hbm4b:s5+s7], $0x40, s0, s7, $0xb8;
	[tilespmem:$0x1D980] =	vst v63  }
0xf1: {  	_ =	swait.ge [sflag:s9], $0x2000  }
0xf2: {  	[sflag:s9] =	ssyncset.done $0x0  }
0xf3: {  	[sflag:s9] =	ssyncadd.s32 $0xFFFFE000  }
0xf4: {  	_ =	swait.ge [sflag:s9], $0x2000  }
0xf5: {  	[sflag:s9] =	ssyncset.done $0x0  }
0xf6: {  	[sflag:s9] =	ssyncadd.s32 $0xFFFFE000  }
0xf7: {  	_ =	swait.ge [sflag:s9], $0x2000  }
0xf8: {  	[sflag:s9] =	ssyncset.done $0x0  }
0xf9: {  	[sflag:s9] =	ssyncadd.s32 $0xFFFFE000  }
0xfa: {  	_ =	swait.ge [sflag:s9], $0x2000  }
0xfb: {  	[sflag:s9] =	ssyncset.done $0x0  }
0xfc: {  	[sflag:s9] =	ssyncadd.s32 $0xFFFFE000  }
0xfd: {  	_ =	swait.ge [sflag:s9], $0x2000  }
0xfe: {  	[sflag:s9] =	ssyncset.done $0x0  }
0xff: {  	[sflag:s9] =	ssyncadd.s32 $0xFFFFE000  }
0x100: {  	_ =	swait.ge [sflag:s9], $0x2000  }
0x101: {  	[sflag:s9] =	ssyncset.done $0x0  }
0x102: {  	[sflag:s9] =	ssyncadd.s32 $0xFFFFE000  }
0x103: {  	_ =	swait.ge [sflag:s9], $0x2000  }
0x104: {  	[sflag:s9] =	ssyncset.done $0x0  }
0x105: {  	s1 =	rddreg [dreg:$0x8];
	[sflag:s9] =	ssyncadd.s32 $0xFFFFE000  }
0x106: {  	[hbm4b:s1+s2] =	stream.linear.scatter [tilespmem:s4], [sflag:$0x3], $0xE000, $0x38;
	[tilespmem:$0x1D980] =	vst v63  }
0x107: {  	_ =	swait.ge [sflag:s3], $0xE000  }
0x108: {  	[sflag:s3] =	ssyncset.done $0x0  }
0x109: {  	s1 =	simm.s32 $0x1500;
	[sflag:s3] =	ssyncadd.s32 $0xFFFF2000  }
0x10a: {  	[tilespmem:s4], [sflag:$0x1] =	stream.indirect.gather [hbm4b:s5+s7], $0x40, s1, s7, $0xb8;
	[tilespmem:$0x1D980] =	vst v63  }
0x10b: {  	_ = 	snop  }
0x10c: {  	[tilespmem:s11], [sflag:$0x1] =	stream.indirect.gather [hbm4b:s5+s7], $0x40, s21, s7, $0xb8;
	[tilespmem:$0x1D980] =	vst v63  }
0x10d: {  	_ = 	snop  }
0x10e: {  	[tilespmem:s12], [sflag:$0x1] =	stream.indirect.gather [hbm4b:s5+s7], $0x40, s22, s7, $0xb8;
	[tilespmem:$0x1D980] =	vst v63  }
0x10f: {  	_ = 	snop  }
0x110: {  	[tilespmem:s13], [sflag:$0x1] =	stream.indirect.gather [hbm4b:s5+s7], $0x40, s23, s7, $0xb8;
	[tilespmem:$0x1D980] =	vst v63  }
0x111: {  	_ = 	snop  }
0x112: {  	[tilespmem:s14], [sflag:$0x1] =	stream.indirect.gather [hbm4b:s5+s7], $0x40, s24, s7, $0xb8;
	[tilespmem:$0x1D980] =	vst v63  }
0x113: {  	_ = 	snop  }
0x114: {  	[tilespmem:s15], [sflag:$0x1] =	stream.indirect.gather [hbm4b:s5+s7], $0x40, s25, s7, $0xb8;
	[tilespmem:$0x1D980] =	vst v63  }
0x115: {  	_ = 	snop  }
0x116: {  	[tilespmem:s16], [sflag:$0x1] =	stream.indirect.gather [hbm4b:s5+s7], $0x40, s20, s7, $0xb8;
	[tilespmem:$0x1D980] =	vst v63  }
0x117: {  	_ =	swait.ge [sflag:s8], $0x2000  }
0x118: {  	[sflag:s8] =	ssyncset.done $0x0  }
0x119: {  	[sflag:s8] =	ssyncadd.s32 $0xFFFFE000  }
0x11a: {  	_ =	swait.ge [sflag:s8], $0x2000  }
0x11b: {  	[sflag:s8] =	ssyncset.done $0x0  }
0x11c: {  	[sflag:s8] =	ssyncadd.s32 $0xFFFFE000  }
0x11d: {  	_ =	swait.ge [sflag:s8], $0x2000  }
0x11e: {  	[sflag:s8] =	ssyncset.done $0x0  }
0x11f: {  	[sflag:s8] =	ssyncadd.s32 $0xFFFFE000  }
0x120: {  	_ =	swait.ge [sflag:s8], $0x2000  }
0x121: {  	[sflag:s8] =	ssyncset.done $0x0  }
0x122: {  	[sflag:s8] =	ssyncadd.s32 $0xFFFFE000  }
0x123: {  	_ =	swait.ge [sflag:s8], $0x2000  }
0x124: {  	[sflag:s8] =	ssyncset.done $0x0  }
0x125: {  	[sflag:s8] =	ssyncadd.s32 $0xFFFFE000  }
0x126: {  	_ =	swait.ge [sflag:s8], $0x2000  }
0x127: {  	[sflag:s8] =	ssyncset.done $0x0  }
0x128: {  	[sflag:s8] =	ssyncadd.s32 $0xFFFFE000  }
0x129: {  	_ =	swait.ge [sflag:s8], $0x2000  }
0x12a: {  	[sflag:s8] =	ssyncset.done $0x0  }
0x12b: {  	s1 =	rddreg [dreg:$0x9];
	[sflag:s8] =	ssyncadd.s32 $0xFFFFE000  }
0x12c: {  	[hbm4b:s1+s2] =	stream.linear.scatter [tilespmem:s6], [sflag:$0x3], $0xE000, $0x38;
	[tilespmem:$0x1D980] =	vst v63  }
0x12d: {  	_ =	swait.ge [sflag:s3], $0xE000  }
0x12e: {  	[sflag:s3] =	ssyncset.done $0x0  }
0x12f: {  	[sflag:s3] =	ssyncadd.s32 $0xFFFF2000  }
0x130: {  	[tilespmem:s6], [sflag:$0x2] =	stream.indirect.gather [hbm4b:s5+s7], $0x40, s18, s7, $0xb8;
	[tilespmem:$0x1D980] =	vst v63  }
0x131: {  	_ = 	snop  }
0x132: {  	[tilespmem:s10], [sflag:$0x2] =	stream.indirect.gather [hbm4b:s5+s7], $0x40, s19, s7, $0xb8;
	[tilespmem:$0x1D980] =	vst v63  }
0x133: {  	_ =	swait.ge [sflag:s9], $0x2000  }
0x134: {  	[sflag:s9] =	ssyncset.done $0x0  }
0x135: {  	[sflag:s9] =	ssyncadd.s32 $0xFFFFE000  }
0x136: {  	_ =	swait.ge [sflag:s9], $0x2000  }
0x137: {  	[sflag:s9] =	ssyncset.done $0x0  }
0x138: {  	[sflag:s9] =	ssyncadd.s32 $0xFFFFE000  }
0x139: {  	_ =	swait.ge [sflag:s9], $0x2000  }
0x13a: {  	[sflag:s9] =	ssyncset.done $0x0  }
0x13b: {  	[sflag:s9] =	ssyncadd.s32 $0xFFFFE000  }
0x13c: {  	_ =	swait.ge [sflag:s9], $0x2000  }
0x13d: {  	[sflag:s9] =	ssyncset.done $0x0  }
0x13e: {  	[sflag:s9] =	ssyncadd.s32 $0xFFFFE000  }
0x13f: {  	_ =	swait.ge [sflag:s9], $0x2000  }
0x140: {  	[sflag:s9] =	ssyncset.done $0x0  }
0x141: {  	[sflag:s9] =	ssyncadd.s32 $0xFFFFE000  }
0x142: {  	_ =	swait.ge [sflag:s9], $0x2000  }
0x143: {  	[sflag:s9] =	ssyncset.done $0x0  }
0x144: {  	[sflag:s9] =	ssyncadd.s32 $0xFFFFE000  }
0x145: {  	_ =	swait.ge [sflag:s9], $0x2000  }
0x146: {  	[sflag:s9] =	ssyncset.done $0x0  }
0x147: {  	s1 =	rddreg [dreg:$0xa];
	[sflag:s9] =	ssyncadd.s32 $0xFFFFE000  }
0x148: {  	[hbm4b:s1+s2] =	stream.linear.scatter [tilespmem:s4], [sflag:$0x3], $0xE000, $0x38;
	[tilespmem:$0x1D980] =	vst v63  }
0x149: {  	_ =	swait.ge [sflag:s3], $0xE000  }
0x14a: {  	[sflag:s3] =	ssyncset.done $0x0  }
0x14b: {  	[sflag:s3] =	ssyncadd.s32 $0xFFFF2000  }
0x14c: {  	_ =	swait.ge [sflag:s8], $0x2000  }
0x14d: {  	[sflag:s8] =	ssyncset.done $0x0  }
0x14e: {  	[sflag:s8] =	ssyncadd.s32 $0xFFFFE000  }
0x14f: {  	p1 =	sne.s32 s17, $0x1;
	_ =	swait.ge [sflag:s8], $0x2000  }
.Ltmp1:
0x150: {  	[sflag:s8] =	ssyncset.done $0x0;
	(pc) =	sbr.rel @!p1 .LBB2_3-.Ltmp1, $4  }
0x151: {  	s1 =	rddreg [dreg:$0xb];
	[sflag:s8] =	ssyncadd.s32 $0xFFFFE000  }
0x152: {  	[hbm4b:s1+s2] =	stream.linear.scatter [tilespmem:s6], [sflag:$0x3], $0x3000, $0x38;
	[tilespmem:$0x1D980] =	vst v63  }
0x153: {  	p0 =	por $0x1, $0x1;
	_ =	swait.ge [sflag:s3], $0x3000  }
0x154: {  	s1 =	sadd.s32 $0xFFFFFFFF, s17;
	s0 =	rddreg [dreg:$0x3];
	[sflag:s3] =	ssyncset.done $0x0  }
.LBB2_4:
0x155: {  	[sflag:s3] =	ssyncadd.s32 $0xFFFFD000  }
0x156: {  	[tilespmem:s2], [sflag:$0x3] =	stream.linear.gather [hbm4b:s0+s2], $0x1980, $0x38;
	[tilespmem:$0x1D980] =	vst v63  }
0x157: {  	_ =	swait.ge [sflag:s3], $0x1980  }
0x158: {  	[sflag:s3] =	ssyncset.done $0x0  }
0x159: {  	[sflag:s3] =	ssyncadd.s32 $0xFFFFE680  }
0x15a: {  	[tilespmem:s4], [sflag:$0x1] =	stream.indirect.gather [hbm4b:s5+s7], $0x40, s2, s7, $0xb8;
	[tilespmem:$0x1D980] =	vst v63  }
0x15b: {  	_ = 	snop  }
0x15c: {  	[tilespmem:s11], [sflag:$0x1] =	stream.indirect.gather [hbm4b:s5+s7], $0x40, s7, s7, $0xb8;
	[tilespmem:$0x1D980] =	vst v63  }
0x15d: {  	s0 =	rddreg [dreg:$0xc]  }
0x15e: {  	[tilespmem:s12], [sflag:$0x1] =	stream.indirect.gather [hbm4b:s5+s7], $0x40, s0, s7, $0xb8;
	[tilespmem:$0x1D980] =	vst v63  }
0x15f: {  	s17 =	rddreg [dreg:$0xd]  }
0x160: {  	[tilespmem:s13], [sflag:$0x1] =	stream.indirect.gather [hbm4b:s5+s7], $0x40, s17, s7, $0xb8;
	[tilespmem:$0x1D980] =	vst v63  }
0x161: {  	s0 =	rddreg [dreg:$0xe]  }
0x162: {  	[tilespmem:s14], [sflag:$0x1] =	stream.indirect.gather [hbm4b:s5+s7], $0x40, s0, s7, $0xb8;
	[tilespmem:$0x1D980] =	vst v63  }
0x163: {  	s17 =	rddreg [dreg:$0xf]  }
0x164: {  	[tilespmem:s15], [sflag:$0x1] =	stream.indirect.gather [hbm4b:s5+s7], $0x40, s17, s7, $0xb8;
	[tilespmem:$0x1D980] =	vst v63  }
0x165: {  	s0 =	rddreg [dreg:$0x10]  }
0x166: {  	[tilespmem:s16], [sflag:$0x1] =	stream.indirect.gather [hbm4b:s5+s7], $0x40, s0, s7, $0xb8;
	[tilespmem:$0x1D980] =	vst v63  }
0x167: {  	s17 =	rddreg [dreg:$0x11]  }
0x168: {  	[tilespmem:s6], [sflag:$0x2] =	stream.indirect.gather [hbm4b:s5+s7], $0x40, s17, s7, $0xb8;
	[tilespmem:$0x1D980] =	vst v63  }
0x169: {  	s0 =	rddreg [dreg:$0x12]  }
0x16a: {  	[tilespmem:s10], [sflag:$0x2] =	stream.indirect.gather [hbm4b:s5+s7], $0x40, s0, s7, $0xb8;
	[tilespmem:$0x1D980] =	vst v63  }
0x16b: {  	s17 =	rddreg [dreg:$0x13]  }
0x16c: {  	[tilespmem:s26], [sflag:$0x2] =	stream.indirect.gather [hbm4b:s5+s7], $0x40, s17, s7, $0xb8;
	[tilespmem:$0x1D980] =	vst v63  }
0x16d: {  	s0 =	rddreg [dreg:$0x14]  }
0x16e: {  	[tilespmem:s28], [sflag:$0x2] =	stream.indirect.gather [hbm4b:s5+s7], $0x40, s0, s7, $0xb8;
	[tilespmem:$0x1D980] =	vst v63  }
0x16f: {  	s17 =	rddreg [dreg:$0x15]  }
0x170: {  	[tilespmem:s29], [sflag:$0x2] =	stream.indirect.gather [hbm4b:s5+s7], $0x40, s17, s7, $0xb8;
	[tilespmem:$0x1D980] =	vst v63  }
0x171: {  	s0 =	rddreg [dreg:$0x16]  }
0x172: {  	[tilespmem:s30], [sflag:$0x2] =	stream.indirect.gather [hbm4b:s5+s7], $0x40, s0, s7, $0xb8;
	[tilespmem:$0x1D980] =	vst v63  }
0x173: {  	s17 =	rddreg [dreg:$0x17]  }
0x174: {  	[tilespmem:s31], [sflag:$0x2] =	stream.indirect.gather [hbm4b:s5+s7], $0x40, s17, s7, $0xb8;
	[tilespmem:$0x1D980] =	vst v63  }
0x175: {  	_ =	swait.ge [sflag:s9], $0x2000  }
0x176: {  	[sflag:s9] =	ssyncset.done $0x0  }
0x177: {  	[sflag:s9] =	ssyncadd.s32 $0xFFFFE000  }
0x178: {  	_ =	swait.ge [sflag:s9], $0x2000  }
0x179: {  	[sflag:s9] =	ssyncset.done $0x0  }
0x17a: {  	[sflag:s9] =	ssyncadd.s32 $0xFFFFE000  }
0x17b: {  	_ =	swait.ge [sflag:s9], $0x2000  }
0x17c: {  	[sflag:s9] =	ssyncset.done $0x0  }
0x17d: {  	[sflag:s9] =	ssyncadd.s32 $0xFFFFE000  }
0x17e: {  	_ =	swait.ge [sflag:s9], $0x2000  }
0x17f: {  	[sflag:s9] =	ssyncset.done $0x0  }
0x180: {  	[sflag:s9] =	ssyncadd.s32 $0xFFFFE000  }
0x181: {  	_ =	swait.ge [sflag:s9], $0x2000  }
0x182: {  	[sflag:s9] =	ssyncset.done $0x0  }
0x183: {  	[sflag:s9] =	ssyncadd.s32 $0xFFFFE000  }
0x184: {  	_ =	swait.ge [sflag:s9], $0x2000  }
0x185: {  	[sflag:s9] =	ssyncset.done $0x0  }
0x186: {  	[sflag:s9] =	ssyncadd.s32 $0xFFFFE000  }
0x187: {  	_ =	swait.ge [sflag:s9], $0x2000  }
0x188: {  	[sflag:s9] =	ssyncset.done $0x0  }
0x189: {  	s17 =	rddreg [dreg:$0x4];
	[sflag:s9] =	ssyncadd.s32 $0xFFFFE000  }
0x18a: {  	[hbm4b:s17+s2] =	stream.linear.scatter [tilespmem:s4], [sflag:$0x3], $0xE000, $0x38;
	[tilespmem:$0x1D980] =	vst v63  }
0x18b: {  	_ =	swait.ge [sflag:s3], $0xE000  }
0x18c: {  	[sflag:s3] =	ssyncset.done $0x0  }
0x18d: {  	s0 =	rddreg [dreg:$0x18];
	[sflag:s3] =	ssyncadd.s32 $0xFFFF2000  }
0x18e: {  	[tilespmem:s4], [sflag:$0x1] =	stream.indirect.gather [hbm4b:s5+s7], $0x40, s0, s7, $0xb8;
	[tilespmem:$0x1D980] =	vst v63  }
0x18f: {  	s17 =	rddreg [dreg:$0x19]  }
0x190: {  	[tilespmem:s11], [sflag:$0x1] =	stream.indirect.gather [hbm4b:s5+s7], $0x40, s17, s7, $0xb8;
	[tilespmem:$0x1D980] =	vst v63  }
0x191: {  	s0 =	rddreg [dreg:$0x1a]  }
0x192: {  	[tilespmem:s12], [sflag:$0x1] =	stream.indirect.gather [hbm4b:s5+s7], $0x40, s0, s7, $0xb8;
	[tilespmem:$0x1D980] =	vst v63  }
0x193: {  	s17 =	rddreg [dreg:$0x1b]  }
0x194: {  	[tilespmem:s13], [sflag:$0x1] =	stream.indirect.gather [hbm4b:s5+s7], $0x40, s17, s7, $0xb8;
	[tilespmem:$0x1D980] =	vst v63  }
0x195: {  	s0 =	rddreg [dreg:$0x1c]  }
0x196: {  	[tilespmem:s14], [sflag:$0x1] =	stream.indirect.gather [hbm4b:s5+s7], $0x40, s0, s7, $0xb8;
	[tilespmem:$0x1D980] =	vst v63  }
0x197: {  	s17 =	rddreg [dreg:$0x1d]  }
0x198: {  	[tilespmem:s15], [sflag:$0x1] =	stream.indirect.gather [hbm4b:s5+s7], $0x40, s17, s7, $0xb8;
	[tilespmem:$0x1D980] =	vst v63  }
0x199: {  	s0 =	rddreg [dreg:$0x1e]  }
0x19a: {  	[tilespmem:s16], [sflag:$0x1] =	stream.indirect.gather [hbm4b:s5+s7], $0x40, s0, s7, $0xb8;
	[tilespmem:$0x1D980] =	vst v63  }
0x19b: {  	_ =	swait.ge [sflag:s8], $0x2000  }
0x19c: {  	[sflag:s8] =	ssyncset.done $0x0  }
0x19d: {  	[sflag:s8] =	ssyncadd.s32 $0xFFFFE000  }
0x19e: {  	_ =	swait.ge [sflag:s8], $0x2000  }
0x19f: {  	[sflag:s8] =	ssyncset.done $0x0  }
0x1a0: {  	[sflag:s8] =	ssyncadd.s32 $0xFFFFE000  }
0x1a1: {  	_ =	swait.ge [sflag:s8], $0x2000  }
0x1a2: {  	[sflag:s8] =	ssyncset.done $0x0  }
0x1a3: {  	[sflag:s8] =	ssyncadd.s32 $0xFFFFE000  }
0x1a4: {  	_ =	swait.ge [sflag:s8], $0x2000  }
0x1a5: {  	[sflag:s8] =	ssyncset.done $0x0  }
0x1a6: {  	[sflag:s8] =	ssyncadd.s32 $0xFFFFE000  }
0x1a7: {  	_ =	swait.ge [sflag:s8], $0x2000  }
0x1a8: {  	[sflag:s8] =	ssyncset.done $0x0  }
0x1a9: {  	[sflag:s8] =	ssyncadd.s32 $0xFFFFE000  }
0x1aa: {  	_ =	swait.ge [sflag:s8], $0x2000  }
0x1ab: {  	[sflag:s8] =	ssyncset.done $0x0  }
0x1ac: {  	[sflag:s8] =	ssyncadd.s32 $0xFFFFE000  }
0x1ad: {  	_ =	swait.ge [sflag:s8], $0x2000  }
0x1ae: {  	[sflag:s8] =	ssyncset.done $0x0  }
0x1af: {  	s17 =	rddreg [dreg:$0x5];
	[sflag:s8] =	ssyncadd.s32 $0xFFFFE000  }
0x1b0: {  	[hbm4b:s17+s2] =	stream.linear.scatter [tilespmem:s6], [sflag:$0x3], $0xE000, $0x38;
	[tilespmem:$0x1D980] =	vst v63  }
0x1b1: {  	_ =	swait.ge [sflag:s3], $0xE000  }
0x1b2: {  	s0 =	rddreg [dreg:$0x1f];
	[sflag:s3] =	ssyncset.done $0x0  }
0x1b3: {  	s17 =	sld [smem:$0x7EA];
	[sflag:s3] =	ssyncadd.s32 $0xFFFF2000  }
0x1b4: {  	[tilespmem:s6], [sflag:$0x2] =	stream.indirect.gather [hbm4b:s5+s7], $0x40, s0, s7, $0xb8;
	[tilespmem:$0x1D980] =	vst v63  }
0x1b5: {  	s0 =	sld [smem:$0x7EB]  }
0x1b6: {  	[tilespmem:s10], [sflag:$0x2] =	stream.indirect.gather [hbm4b:s5+s7], $0x40, s17, s7, $0xb8;
	[tilespmem:$0x1D980] =	vst v63  }
0x1b7: {  	s17 =	sld [smem:$0x7EC]  }
0x1b8: {  	[tilespmem:s26], [sflag:$0x2] =	stream.indirect.gather [hbm4b:s5+s7], $0x40, s0, s7, $0xb8;
	[tilespmem:$0x1D980] =	vst v63  }
0x1b9: {  	s0 =	sld [smem:$0x7ED]  }
0x1ba: {  	[tilespmem:s28], [sflag:$0x2] =	stream.indirect.gather [hbm4b:s5+s7], $0x40, s17, s7, $0xb8;
	[tilespmem:$0x1D980] =	vst v63  }
0x1bb: {  	s17 =	sld [smem:$0x7EE]  }
0x1bc: {  	[tilespmem:s29], [sflag:$0x2] =	stream.indirect.gather [hbm4b:s5+s7], $0x40, s0, s7, $0xb8;
	[tilespmem:$0x1D980] =	vst v63  }
0x1bd: {  	s0 =	sld [smem:$0x7EF]  }
0x1be: {  	[tilespmem:s30], [sflag:$0x2] =	stream.indirect.gather [hbm4b:s5+s7], $0x40, s17, s7, $0xb8;
	[tilespmem:$0x1D980] =	vst v63  }
0x1bf: {  	_ = 	snop  }
0x1c0: {  	[tilespmem:s31], [sflag:$0x2] =	stream.indirect.gather [hbm4b:s5+s7], $0x40, s0, s7, $0xb8;
	[tilespmem:$0x1D980] =	vst v63  }
0x1c1: {  	_ =	swait.ge [sflag:s9], $0x2000  }
0x1c2: {  	[sflag:s9] =	ssyncset.done $0x0  }
0x1c3: {  	[sflag:s9] =	ssyncadd.s32 $0xFFFFE000  }
0x1c4: {  	_ =	swait.ge [sflag:s9], $0x2000  }
0x1c5: {  	[sflag:s9] =	ssyncset.done $0x0  }
0x1c6: {  	[sflag:s9] =	ssyncadd.s32 $0xFFFFE000  }
0x1c7: {  	_ =	swait.ge [sflag:s9], $0x2000  }
0x1c8: {  	[sflag:s9] =	ssyncset.done $0x0  }
0x1c9: {  	[sflag:s9] =	ssyncadd.s32 $0xFFFFE000  }
0x1ca: {  	_ =	swait.ge [sflag:s9], $0x2000  }
0x1cb: {  	[sflag:s9] =	ssyncset.done $0x0  }
0x1cc: {  	[sflag:s9] =	ssyncadd.s32 $0xFFFFE000  }
0x1cd: {  	_ =	swait.ge [sflag:s9], $0x2000  }
0x1ce: {  	[sflag:s9] =	ssyncset.done $0x0  }
0x1cf: {  	[sflag:s9] =	ssyncadd.s32 $0xFFFFE000  }
0x1d0: {  	_ =	swait.ge [sflag:s9], $0x2000  }
0x1d1: {  	[sflag:s9] =	ssyncset.done $0x0  }
0x1d2: {  	[sflag:s9] =	ssyncadd.s32 $0xFFFFE000  }
0x1d3: {  	_ =	swait.ge [sflag:s9], $0x2000  }
0x1d4: {  	[sflag:s9] =	ssyncset.done $0x0  }
0x1d5: {  	s17 =	rddreg [dreg:$0x6];
	[sflag:s9] =	ssyncadd.s32 $0xFFFFE000  }
0x1d6: {  	[hbm4b:s17+s2] =	stream.linear.scatter [tilespmem:s4], [sflag:$0x3], $0xE000, $0x38;
	[tilespmem:$0x1D980] =	vst v63  }
0x1d7: {  	_ =	swait.ge [sflag:s3], $0xE000  }
0x1d8: {  	s0 =	sld [smem:$0x7F0]  }
0x1d9: {  	[sflag:s3] =	ssyncset.done $0x0  }
0x1da: {  	s17 =	sld [smem:$0x7F1];
	[sflag:s3] =	ssyncadd.s32 $0xFFFF2000  }
0x1db: {  	[tilespmem:s4], [sflag:$0x1] =	stream.indirect.gather [hbm4b:s5+s7], $0x40, s0, s7, $0xb8;
	[tilespmem:$0x1D980] =	vst v63  }
0x1dc: {  	s0 =	sld [smem:$0x7F2]  }
0x1dd: {  	[tilespmem:s11], [sflag:$0x1] =	stream.indirect.gather [hbm4b:s5+s7], $0x40, s17, s7, $0xb8;
	[tilespmem:$0x1D980] =	vst v63  }
0x1de: {  	s17 =	sld [smem:$0x7F3]  }
0x1df: {  	[tilespmem:s12], [sflag:$0x1] =	stream.indirect.gather [hbm4b:s5+s7], $0x40, s0, s7, $0xb8;
	[tilespmem:$0x1D980] =	vst v63  }
0x1e0: {  	s0 =	sld [smem:$0x7F4]  }
0x1e1: {  	[tilespmem:s13], [sflag:$0x1] =	stream.indirect.gather [hbm4b:s5+s7], $0x40, s17, s7, $0xb8;
	[tilespmem:$0x1D980] =	vst v63  }
0x1e2: {  	s17 =	sld [smem:$0x7F5]  }
0x1e3: {  	[tilespmem:s14], [sflag:$0x1] =	stream.indirect.gather [hbm4b:s5+s7], $0x40, s0, s7, $0xb8;
	[tilespmem:$0x1D980] =	vst v63  }
0x1e4: {  	s0 =	sld [smem:$0x7F6]  }
0x1e5: {  	[tilespmem:s15], [sflag:$0x1] =	stream.indirect.gather [hbm4b:s5+s7], $0x40, s17, s7, $0xb8;
	[tilespmem:$0x1D980] =	vst v63  }
0x1e6: {  	_ = 	snop  }
0x1e7: {  	[tilespmem:s16], [sflag:$0x1] =	stream.indirect.gather [hbm4b:s5+s7], $0x40, s0, s7, $0xb8;
	[tilespmem:$0x1D980] =	vst v63  }
0x1e8: {  	_ =	swait.ge [sflag:s8], $0x2000  }
0x1e9: {  	[sflag:s8] =	ssyncset.done $0x0  }
0x1ea: {  	[sflag:s8] =	ssyncadd.s32 $0xFFFFE000  }
0x1eb: {  	_ =	swait.ge [sflag:s8], $0x2000  }
0x1ec: {  	[sflag:s8] =	ssyncset.done $0x0  }
0x1ed: {  	[sflag:s8] =	ssyncadd.s32 $0xFFFFE000  }
0x1ee: {  	_ =	swait.ge [sflag:s8], $0x2000  }
0x1ef: {  	[sflag:s8] =	ssyncset.done $0x0  }
0x1f0: {  	[sflag:s8] =	ssyncadd.s32 $0xFFFFE000  }
0x1f1: {  	_ =	swait.ge [sflag:s8], $0x2000  }
0x1f2: {  	[sflag:s8] =	ssyncset.done $0x0  }
0x1f3: {  	[sflag:s8] =	ssyncadd.s32 $0xFFFFE000  }
0x1f4: {  	_ =	swait.ge [sflag:s8], $0x2000  }
0x1f5: {  	[sflag:s8] =	ssyncset.done $0x0  }
0x1f6: {  	[sflag:s8] =	ssyncadd.s32 $0xFFFFE000  }
0x1f7: {  	_ =	swait.ge [sflag:s8], $0x2000  }
0x1f8: {  	[sflag:s8] =	ssyncset.done $0x0  }
0x1f9: {  	[sflag:s8] =	ssyncadd.s32 $0xFFFFE000  }
0x1fa: {  	_ =	swait.ge [sflag:s8], $0x2000  }
0x1fb: {  	[sflag:s8] =	ssyncset.done $0x0  }
0x1fc: {  	s17 =	rddreg [dreg:$0x7];
	[sflag:s8] =	ssyncadd.s32 $0xFFFFE000  }
0x1fd: {  	[hbm4b:s17+s2] =	stream.linear.scatter [tilespmem:s6], [sflag:$0x3], $0xE000, $0x38;
	[tilespmem:$0x1D980] =	vst v63  }
0x1fe: {  	_ =	swait.ge [sflag:s3], $0xE000  }
0x1ff: {  	s0 =	sld [smem:$0x7F7]  }
0x200: {  	[sflag:s3] =	ssyncset.done $0x0  }
0x201: {  	s17 =	sld [smem:$0x7F8];
	[sflag:s3] =	ssyncadd.s32 $0xFFFF2000  }
0x202: {  	[tilespmem:s6], [sflag:$0x2] =	stream.indirect.gather [hbm4b:s5+s7], $0x40, s0, s7, $0xb8;
	[tilespmem:$0x1D980] =	vst v63  }
0x203: {  	s0 =	sld [smem:$0x7F9]  }
0x204: {  	[tilespmem:s10], [sflag:$0x2] =	stream.indirect.gather [hbm4b:s5+s7], $0x40, s17, s7, $0xb8;
	[tilespmem:$0x1D980] =	vst v63  }
0x205: {  	s17 =	sld [smem:$0x7FA]  }
0x206: {  	[tilespmem:s26], [sflag:$0x2] =	stream.indirect.gather [hbm4b:s5+s7], $0x40, s0, s7, $0xb8;
	[tilespmem:$0x1D980] =	vst v63  }
0x207: {  	s0 =	sld [smem:$0x7FB]  }
0x208: {  	[tilespmem:s28], [sflag:$0x2] =	stream.indirect.gather [hbm4b:s5+s7], $0x40, s17, s7, $0xb8;
	[tilespmem:$0x1D980] =	vst v63  }
0x209: {  	s17 =	sld [smem:$0x7FC]  }
0x20a: {  	[tilespmem:s29], [sflag:$0x2] =	stream.indirect.gather [hbm4b:s5+s7], $0x40, s0, s7, $0xb8;
	[tilespmem:$0x1D980] =	vst v63  }
0x20b: {  	s0 =	sld [smem:$0x7FD]  }
0x20c: {  	[tilespmem:s30], [sflag:$0x2] =	stream.indirect.gather [hbm4b:s5+s7], $0x40, s17, s7, $0xb8;
	[tilespmem:$0x1D980] =	vst v63  }
0x20d: {  	_ = 	snop  }
0x20e: {  	[tilespmem:s31], [sflag:$0x2] =	stream.indirect.gather [hbm4b:s5+s7], $0x40, s0, s7, $0xb8;
	[tilespmem:$0x1D980] =	vst v63  }
0x20f: {  	_ =	swait.ge [sflag:s9], $0x2000  }
0x210: {  	[sflag:s9] =	ssyncset.done $0x0  }
0x211: {  	[sflag:s9] =	ssyncadd.s32 $0xFFFFE000  }
0x212: {  	_ =	swait.ge [sflag:s9], $0x2000  }
0x213: {  	[sflag:s9] =	ssyncset.done $0x0  }
0x214: {  	[sflag:s9] =	ssyncadd.s32 $0xFFFFE000  }
0x215: {  	_ =	swait.ge [sflag:s9], $0x2000  }
0x216: {  	[sflag:s9] =	ssyncset.done $0x0  }
0x217: {  	[sflag:s9] =	ssyncadd.s32 $0xFFFFE000  }
0x218: {  	_ =	swait.ge [sflag:s9], $0x2000  }
0x219: {  	[sflag:s9] =	ssyncset.done $0x0  }
0x21a: {  	[sflag:s9] =	ssyncadd.s32 $0xFFFFE000  }
0x21b: {  	_ =	swait.ge [sflag:s9], $0x2000  }
0x21c: {  	[sflag:s9] =	ssyncset.done $0x0  }
0x21d: {  	[sflag:s9] =	ssyncadd.s32 $0xFFFFE000  }
0x21e: {  	_ =	swait.ge [sflag:s9], $0x2000  }
0x21f: {  	[sflag:s9] =	ssyncset.done $0x0  }
0x220: {  	[sflag:s9] =	ssyncadd.s32 $0xFFFFE000  }
0x221: {  	_ =	swait.ge [sflag:s9], $0x2000  }
0x222: {  	[sflag:s9] =	ssyncset.done $0x0  }
0x223: {  	s17 =	rddreg [dreg:$0x8];
	[sflag:s9] =	ssyncadd.s32 $0xFFFFE000  }
0x224: {  	[hbm4b:s17+s2] =	stream.linear.scatter [tilespmem:s4], [sflag:$0x3], $0xE000, $0x38;
	[tilespmem:$0x1D980] =	vst v63  }
0x225: {  	_ =	swait.ge [sflag:s3], $0xE000  }
0x226: {  	[sflag:s3] =	ssyncset.done $0x0  }
0x227: {  	s17 =	simm.s32 $0x1500;
	[sflag:s3] =	ssyncadd.s32 $0xFFFF2000  }
0x228: {  	[tilespmem:s4], [sflag:$0x1] =	stream.indirect.gather [hbm4b:s5+s7], $0x40, s17, s7, $0xb8;
	[tilespmem:$0x1D980] =	vst v63  }
0x229: {  	_ = 	snop  }
0x22a: {  	[tilespmem:s11], [sflag:$0x1] =	stream.indirect.gather [hbm4b:s5+s7], $0x40, s21, s7, $0xb8;
	[tilespmem:$0x1D980] =	vst v63  }
0x22b: {  	_ = 	snop  }
0x22c: {  	[tilespmem:s12], [sflag:$0x1] =	stream.indirect.gather [hbm4b:s5+s7], $0x40, s22, s7, $0xb8;
	[tilespmem:$0x1D980] =	vst v63  }
0x22d: {  	_ = 	snop  }
0x22e: {  	[tilespmem:s13], [sflag:$0x1] =	stream.indirect.gather [hbm4b:s5+s7], $0x40, s23, s7, $0xb8;
	[tilespmem:$0x1D980] =	vst v63  }
0x22f: {  	_ = 	snop  }
0x230: {  	[tilespmem:s14], [sflag:$0x1] =	stream.indirect.gather [hbm4b:s5+s7], $0x40, s24, s7, $0xb8;
	[tilespmem:$0x1D980] =	vst v63  }
0x231: {  	_ = 	snop  }
0x232: {  	[tilespmem:s15], [sflag:$0x1] =	stream.indirect.gather [hbm4b:s5+s7], $0x40, s25, s7, $0xb8;
	[tilespmem:$0x1D980] =	vst v63  }
0x233: {  	_ = 	snop  }
0x234: {  	[tilespmem:s16], [sflag:$0x1] =	stream.indirect.gather [hbm4b:s5+s7], $0x40, s20, s7, $0xb8;
	[tilespmem:$0x1D980] =	vst v63  }
0x235: {  	_ =	swait.ge [sflag:s8], $0x2000  }
0x236: {  	[sflag:s8] =	ssyncset.done $0x0  }
0x237: {  	[sflag:s8] =	ssyncadd.s32 $0xFFFFE000  }
0x238: {  	_ =	swait.ge [sflag:s8], $0x2000  }
0x239: {  	[sflag:s8] =	ssyncset.done $0x0  }
0x23a: {  	[sflag:s8] =	ssyncadd.s32 $0xFFFFE000  }
0x23b: {  	_ =	swait.ge [sflag:s8], $0x2000  }
0x23c: {  	[sflag:s8] =	ssyncset.done $0x0  }
0x23d: {  	[sflag:s8] =	ssyncadd.s32 $0xFFFFE000  }
0x23e: {  	_ =	swait.ge [sflag:s8], $0x2000  }
0x23f: {  	[sflag:s8] =	ssyncset.done $0x0  }
0x240: {  	[sflag:s8] =	ssyncadd.s32 $0xFFFFE000  }
0x241: {  	_ =	swait.ge [sflag:s8], $0x2000  }
0x242: {  	[sflag:s8] =	ssyncset.done $0x0  }
0x243: {  	[sflag:s8] =	ssyncadd.s32 $0xFFFFE000  }
0x244: {  	_ =	swait.ge [sflag:s8], $0x2000  }
0x245: {  	[sflag:s8] =	ssyncset.done $0x0  }
0x246: {  	[sflag:s8] =	ssyncadd.s32 $0xFFFFE000  }
0x247: {  	_ =	swait.ge [sflag:s8], $0x2000  }
0x248: {  	[sflag:s8] =	ssyncset.done $0x0  }
0x249: {  	s17 =	rddreg [dreg:$0x9];
	[sflag:s8] =	ssyncadd.s32 $0xFFFFE000  }
0x24a: {  	[hbm4b:s17+s2] =	stream.linear.scatter [tilespmem:s6], [sflag:$0x3], $0xE000, $0x38;
	[tilespmem:$0x1D980] =	vst v63  }
0x24b: {  	_ =	swait.ge [sflag:s3], $0xE000  }
0x24c: {  	[sflag:s3] =	ssyncset.done $0x0  }
0x24d: {  	[sflag:s3] =	ssyncadd.s32 $0xFFFF2000  }
0x24e: {  	[tilespmem:s6], [sflag:$0x2] =	stream.indirect.gather [hbm4b:s5+s7], $0x40, s18, s7, $0xb8;
	[tilespmem:$0x1D980] =	vst v63  }
0x24f: {  	_ = 	snop  }
0x250: {  	[tilespmem:s10], [sflag:$0x2] =	stream.indirect.gather [hbm4b:s5+s7], $0x40, s19, s7, $0xb8;
	[tilespmem:$0x1D980] =	vst v63  }
0x251: {  	_ =	swait.ge [sflag:s9], $0x2000  }
0x252: {  	[sflag:s9] =	ssyncset.done $0x0  }
0x253: {  	[sflag:s9] =	ssyncadd.s32 $0xFFFFE000  }
0x254: {  	_ =	swait.ge [sflag:s9], $0x2000  }
0x255: {  	[sflag:s9] =	ssyncset.done $0x0  }
0x256: {  	[sflag:s9] =	ssyncadd.s32 $0xFFFFE000  }
0x257: {  	_ =	swait.ge [sflag:s9], $0x2000  }
0x258: {  	[sflag:s9] =	ssyncset.done $0x0  }
0x259: {  	[sflag:s9] =	ssyncadd.s32 $0xFFFFE000  }
0x25a: {  	_ =	swait.ge [sflag:s9], $0x2000  }
0x25b: {  	[sflag:s9] =	ssyncset.done $0x0  }
0x25c: {  	[sflag:s9] =	ssyncadd.s32 $0xFFFFE000  }
0x25d: {  	_ =	swait.ge [sflag:s9], $0x2000  }
0x25e: {  	[sflag:s9] =	ssyncset.done $0x0  }
0x25f: {  	[sflag:s9] =	ssyncadd.s32 $0xFFFFE000  }
0x260: {  	_ =	swait.ge [sflag:s9], $0x2000  }
0x261: {  	[sflag:s9] =	ssyncset.done $0x0  }
0x262: {  	[sflag:s9] =	ssyncadd.s32 $0xFFFFE000  }
0x263: {  	_ =	swait.ge [sflag:s9], $0x2000  }
0x264: {  	[sflag:s9] =	ssyncset.done $0x0  }
0x265: {  	s17 =	rddreg [dreg:$0xa];
	[sflag:s9] =	ssyncadd.s32 $0xFFFFE000  }
0x266: {  	[hbm4b:s17+s2] =	stream.linear.scatter [tilespmem:s4], [sflag:$0x3], $0xE000, $0x38;
	[tilespmem:$0x1D980] =	vst v63  }
0x267: {  	_ =	swait.ge [sflag:s3], $0xE000  }
0x268: {  	[sflag:s3] =	ssyncset.done $0x0  }
0x269: {  	[sflag:s3] =	ssyncadd.s32 $0xFFFF2000  }
0x26a: {  	_ =	swait.ge [sflag:s8], $0x2000  }
0x26b: {  	[sflag:s8] =	ssyncset.done $0x0  }
0x26c: {  	[sflag:s8] =	ssyncadd.s32 $0xFFFFE000  }
0x26d: {  	p1 =	sne.s32 s1, $0x1;
	_ =	swait.ge [sflag:s8], $0x2000  }
.Ltmp2:
0x26e: {  	[sflag:s8] =	ssyncset.done $0x0;
	(pc) =	sbr.rel @p1 .LBB2_4-.Ltmp2, $4  }
0x26f: {  	s17 =	rddreg [dreg:$0xb];
	[sflag:s8] =	ssyncadd.s32 $0xFFFFE000  }
0x270: {  	[hbm4b:s17+s2] =	stream.linear.scatter [tilespmem:s6], [sflag:$0x3], $0x3000, $0x38;
	[tilespmem:$0x1D980] =	vst v63  }
0x271: {  	_ =	swait.ge [sflag:s3], $0x3000  }
0x272: {  	s1 =	sadd.s32 $0xFFFFFFFF, s1;
	s0 =	rddreg [dreg:$0x3];
	[sflag:s3] =	ssyncset.done $0x0  }
0x273: {  	s19 =	simm.s32 $0x1800;
	s25 =	simm.s32 $0x1780;
	s24 =	simm.s32 $0x1700  }
0x274: {  	s23 =	simm.s32 $0x1680;
	s22 =	simm.s32 $0x1600;
	s21 =	simm.s32 $0x1580  }
0x275: {  	s20 =	simm.s32 $0x1500;
	s18 =	simm.s32 $0x1880;
	s17 =	stileid.u32  }
.LBB2_6:
0x276: {  	[sflag:s3] =	ssyncadd.s32 @p0 $0xFFFFD000  }
0x277: {  	[tilespmem:s2], [sflag:$0x3] =	stream.linear.gather [hbm4b:s0+s2], $0x1980, $0x38;
	[tilespmem:$0x1D980] =	vst v63  }
0x278: {  	_ =	swait.ge [sflag:s3], $0x1980  }
0x279: {  	[sflag:s3] =	ssyncset.done $0x0  }
0x27a: {  	[sflag:s3] =	ssyncadd.s32 $0xFFFFE680  }
0x27b: {  	[tilespmem:s4], [sflag:$0x1] =	stream.indirect.gather [hbm4b:s5+s7], $0x40, s2, s7, $0xb8;
	[tilespmem:$0x1D980] =	vst v63  }
0x27c: {  	_ = 	snop  }
0x27d: {  	[tilespmem:s11], [sflag:$0x1] =	stream.indirect.gather [hbm4b:s5+s7], $0x40, s7, s7, $0xb8;
	[tilespmem:$0x1D980] =	vst v63  }
0x27e: {  	s0 =	rddreg [dreg:$0xc]  }
0x27f: {  	[tilespmem:s12], [sflag:$0x1] =	stream.indirect.gather [hbm4b:s5+s7], $0x40, s0, s7, $0xb8;
	[tilespmem:$0x1D980] =	vst v63  }
0x280: {  	s1 =	rddreg [dreg:$0xd]  }
0x281: {  	[tilespmem:s13], [sflag:$0x1] =	stream.indirect.gather [hbm4b:s5+s7], $0x40, s1, s7, $0xb8;
	[tilespmem:$0x1D980] =	vst v63  }
0x282: {  	s0 =	rddreg [dreg:$0xe]  }
0x283: {  	[tilespmem:s14], [sflag:$0x1] =	stream.indirect.gather [hbm4b:s5+s7], $0x40, s0, s7, $0xb8;
	[tilespmem:$0x1D980] =	vst v63  }
0x284: {  	s1 =	rddreg [dreg:$0xf]  }
0x285: {  	[tilespmem:s15], [sflag:$0x1] =	stream.indirect.gather [hbm4b:s5+s7], $0x40, s1, s7, $0xb8;
	[tilespmem:$0x1D980] =	vst v63  }
0x286: {  	s0 =	rddreg [dreg:$0x10]  }
0x287: {  	[tilespmem:s16], [sflag:$0x1] =	stream.indirect.gather [hbm4b:s5+s7], $0x40, s0, s7, $0xb8;
	[tilespmem:$0x1D980] =	vst v63  }
0x288: {  	s1 =	rddreg [dreg:$0x11]  }
0x289: {  	[tilespmem:s6], [sflag:$0x2] =	stream.indirect.gather [hbm4b:s5+s7], $0x40, s1, s7, $0xb8;
	[tilespmem:$0x1D980] =	vst v63  }
0x28a: {  	s0 =	rddreg [dreg:$0x12]  }
0x28b: {  	[tilespmem:s10], [sflag:$0x2] =	stream.indirect.gather [hbm4b:s5+s7], $0x40, s0, s7, $0xb8;
	[tilespmem:$0x1D980] =	vst v63  }
0x28c: {  	s1 =	rddreg [dreg:$0x13]  }
0x28d: {  	[tilespmem:s26], [sflag:$0x2] =	stream.indirect.gather [hbm4b:s5+s7], $0x40, s1, s7, $0xb8;
	[tilespmem:$0x1D980] =	vst v63  }
0x28e: {  	s0 =	rddreg [dreg:$0x14]  }
0x28f: {  	[tilespmem:s28], [sflag:$0x2] =	stream.indirect.gather [hbm4b:s5+s7], $0x40, s0, s7, $0xb8;
	[tilespmem:$0x1D980] =	vst v63  }
0x290: {  	s1 =	rddreg [dreg:$0x15]  }
0x291: {  	[tilespmem:s29], [sflag:$0x2] =	stream.indirect.gather [hbm4b:s5+s7], $0x40, s1, s7, $0xb8;
	[tilespmem:$0x1D980] =	vst v63  }
0x292: {  	s0 =	rddreg [dreg:$0x16]  }
0x293: {  	[tilespmem:s30], [sflag:$0x2] =	stream.indirect.gather [hbm4b:s5+s7], $0x40, s0, s7, $0xb8;
	[tilespmem:$0x1D980] =	vst v63  }
0x294: {  	s1 =	rddreg [dreg:$0x17]  }
0x295: {  	[tilespmem:s31], [sflag:$0x2] =	stream.indirect.gather [hbm4b:s5+s7], $0x40, s1, s7, $0xb8;
	[tilespmem:$0x1D980] =	vst v63  }
0x296: {  	_ =	swait.ge [sflag:s9], $0x2000  }
0x297: {  	[sflag:s9] =	ssyncset.done $0x0  }
0x298: {  	[sflag:s9] =	ssyncadd.s32 $0xFFFFE000  }
0x299: {  	_ =	swait.ge [sflag:s9], $0x2000  }
0x29a: {  	[sflag:s9] =	ssyncset.done $0x0  }
0x29b: {  	[sflag:s9] =	ssyncadd.s32 $0xFFFFE000  }
0x29c: {  	_ =	swait.ge [sflag:s9], $0x2000  }
0x29d: {  	[sflag:s9] =	ssyncset.done $0x0  }
0x29e: {  	[sflag:s9] =	ssyncadd.s32 $0xFFFFE000  }
0x29f: {  	_ =	swait.ge [sflag:s9], $0x2000  }
0x2a0: {  	[sflag:s9] =	ssyncset.done $0x0  }
0x2a1: {  	[sflag:s9] =	ssyncadd.s32 $0xFFFFE000  }
0x2a2: {  	_ =	swait.ge [sflag:s9], $0x2000  }
0x2a3: {  	[sflag:s9] =	ssyncset.done $0x0  }
0x2a4: {  	[sflag:s9] =	ssyncadd.s32 $0xFFFFE000  }
0x2a5: {  	_ =	swait.ge [sflag:s9], $0x2000  }
0x2a6: {  	[sflag:s9] =	ssyncset.done $0x0  }
0x2a7: {  	[sflag:s9] =	ssyncadd.s32 $0xFFFFE000  }
0x2a8: {  	_ =	swait.ge [sflag:s9], $0x2000  }
0x2a9: {  	[sflag:s9] =	ssyncset.done $0x0  }
0x2aa: {  	s1 =	rddreg [dreg:$0x4];
	[sflag:s9] =	ssyncadd.s32 $0xFFFFE000  }
0x2ab: {  	[hbm4b:s1+s2] =	stream.linear.scatter [tilespmem:s4], [sflag:$0x3], $0xE000, $0x38;
	[tilespmem:$0x1D980] =	vst v63  }
0x2ac: {  	_ =	swait.ge [sflag:s3], $0xE000  }
0x2ad: {  	[sflag:s3] =	ssyncset.done $0x0  }
0x2ae: {  	s0 =	rddreg [dreg:$0x18];
	[sflag:s3] =	ssyncadd.s32 $0xFFFF2000  }
0x2af: {  	[tilespmem:s4], [sflag:$0x1] =	stream.indirect.gather [hbm4b:s5+s7], $0x40, s0, s7, $0xb8;
	[tilespmem:$0x1D980] =	vst v63  }
0x2b0: {  	s1 =	rddreg [dreg:$0x19]  }
0x2b1: {  	[tilespmem:s11], [sflag:$0x1] =	stream.indirect.gather [hbm4b:s5+s7], $0x40, s1, s7, $0xb8;
	[tilespmem:$0x1D980] =	vst v63  }
0x2b2: {  	s0 =	rddreg [dreg:$0x1a]  }
0x2b3: {  	[tilespmem:s12], [sflag:$0x1] =	stream.indirect.gather [hbm4b:s5+s7], $0x40, s0, s7, $0xb8;
	[tilespmem:$0x1D980] =	vst v63  }
0x2b4: {  	s1 =	rddreg [dreg:$0x1b]  }
0x2b5: {  	[tilespmem:s13], [sflag:$0x1] =	stream.indirect.gather [hbm4b:s5+s7], $0x40, s1, s7, $0xb8;
	[tilespmem:$0x1D980] =	vst v63  }
0x2b6: {  	s0 =	rddreg [dreg:$0x1c]  }
0x2b7: {  	[tilespmem:s14], [sflag:$0x1] =	stream.indirect.gather [hbm4b:s5+s7], $0x40, s0, s7, $0xb8;
	[tilespmem:$0x1D980] =	vst v63  }
0x2b8: {  	s1 =	rddreg [dreg:$0x1d]  }
0x2b9: {  	[tilespmem:s15], [sflag:$0x1] =	stream.indirect.gather [hbm4b:s5+s7], $0x40, s1, s7, $0xb8;
	[tilespmem:$0x1D980] =	vst v63  }
0x2ba: {  	s0 =	rddreg [dreg:$0x1e]  }
0x2bb: {  	[tilespmem:s16], [sflag:$0x1] =	stream.indirect.gather [hbm4b:s5+s7], $0x40, s0, s7, $0xb8;
	[tilespmem:$0x1D980] =	vst v63  }
0x2bc: {  	_ =	swait.ge [sflag:s8], $0x2000  }
0x2bd: {  	[sflag:s8] =	ssyncset.done $0x0  }
0x2be: {  	[sflag:s8] =	ssyncadd.s32 $0xFFFFE000  }
0x2bf: {  	_ =	swait.ge [sflag:s8], $0x2000  }
0x2c0: {  	[sflag:s8] =	ssyncset.done $0x0  }
0x2c1: {  	[sflag:s8] =	ssyncadd.s32 $0xFFFFE000  }
0x2c2: {  	_ =	swait.ge [sflag:s8], $0x2000  }
0x2c3: {  	[sflag:s8] =	ssyncset.done $0x0  }
0x2c4: {  	[sflag:s8] =	ssyncadd.s32 $0xFFFFE000  }
0x2c5: {  	_ =	swait.ge [sflag:s8], $0x2000  }
0x2c6: {  	[sflag:s8] =	ssyncset.done $0x0  }
0x2c7: {  	[sflag:s8] =	ssyncadd.s32 $0xFFFFE000  }
0x2c8: {  	_ =	swait.ge [sflag:s8], $0x2000  }
0x2c9: {  	[sflag:s8] =	ssyncset.done $0x0  }
0x2ca: {  	[sflag:s8] =	ssyncadd.s32 $0xFFFFE000  }
0x2cb: {  	_ =	swait.ge [sflag:s8], $0x2000  }
0x2cc: {  	[sflag:s8] =	ssyncset.done $0x0  }
0x2cd: {  	[sflag:s8] =	ssyncadd.s32 $0xFFFFE000  }
0x2ce: {  	_ =	swait.ge [sflag:s8], $0x2000  }
0x2cf: {  	[sflag:s8] =	ssyncset.done $0x0  }
0x2d0: {  	s1 =	rddreg [dreg:$0x5];
	[sflag:s8] =	ssyncadd.s32 $0xFFFFE000  }
0x2d1: {  	[hbm4b:s1+s2] =	stream.linear.scatter [tilespmem:s6], [sflag:$0x3], $0xE000, $0x38;
	[tilespmem:$0x1D980] =	vst v63  }
0x2d2: {  	_ =	swait.ge [sflag:s3], $0xE000  }
0x2d3: {  	s0 =	rddreg [dreg:$0x1f];
	[sflag:s3] =	ssyncset.done $0x0  }
0x2d4: {  	s1 =	sld [smem:$0x7EA];
	[sflag:s3] =	ssyncadd.s32 $0xFFFF2000  }
0x2d5: {  	[tilespmem:s6], [sflag:$0x2] =	stream.indirect.gather [hbm4b:s5+s7], $0x40, s0, s7, $0xb8;
	[tilespmem:$0x1D980] =	vst v63  }
0x2d6: {  	s0 =	sld [smem:$0x7EB]  }
0x2d7: {  	[tilespmem:s10], [sflag:$0x2] =	stream.indirect.gather [hbm4b:s5+s7], $0x40, s1, s7, $0xb8;
	[tilespmem:$0x1D980] =	vst v63  }
0x2d8: {  	s1 =	sld [smem:$0x7EC]  }
0x2d9: {  	[tilespmem:s26], [sflag:$0x2] =	stream.indirect.gather [hbm4b:s5+s7], $0x40, s0, s7, $0xb8;
	[tilespmem:$0x1D980] =	vst v63  }
0x2da: {  	s0 =	sld [smem:$0x7ED]  }
0x2db: {  	[tilespmem:s28], [sflag:$0x2] =	stream.indirect.gather [hbm4b:s5+s7], $0x40, s1, s7, $0xb8;
	[tilespmem:$0x1D980] =	vst v63  }
0x2dc: {  	s1 =	sld [smem:$0x7EE]  }
0x2dd: {  	[tilespmem:s29], [sflag:$0x2] =	stream.indirect.gather [hbm4b:s5+s7], $0x40, s0, s7, $0xb8;
	[tilespmem:$0x1D980] =	vst v63  }
0x2de: {  	s0 =	sld [smem:$0x7EF]  }
0x2df: {  	[tilespmem:s30], [sflag:$0x2] =	stream.indirect.gather [hbm4b:s5+s7], $0x40, s1, s7, $0xb8;
	[tilespmem:$0x1D980] =	vst v63  }
0x2e0: {  	_ = 	snop  }
0x2e1: {  	[tilespmem:s31], [sflag:$0x2] =	stream.indirect.gather [hbm4b:s5+s7], $0x40, s0, s7, $0xb8;
	[tilespmem:$0x1D980] =	vst v63  }
0x2e2: {  	_ =	swait.ge [sflag:s9], $0x2000  }
0x2e3: {  	[sflag:s9] =	ssyncset.done $0x0  }
0x2e4: {  	[sflag:s9] =	ssyncadd.s32 $0xFFFFE000  }
0x2e5: {  	_ =	swait.ge [sflag:s9], $0x2000  }
0x2e6: {  	[sflag:s9] =	ssyncset.done $0x0  }
0x2e7: {  	[sflag:s9] =	ssyncadd.s32 $0xFFFFE000  }
0x2e8: {  	_ =	swait.ge [sflag:s9], $0x2000  }
0x2e9: {  	[sflag:s9] =	ssyncset.done $0x0  }
0x2ea: {  	[sflag:s9] =	ssyncadd.s32 $0xFFFFE000  }
0x2eb: {  	_ =	swait.ge [sflag:s9], $0x2000  }
0x2ec: {  	[sflag:s9] =	ssyncset.done $0x0  }
0x2ed: {  	[sflag:s9] =	ssyncadd.s32 $0xFFFFE000  }
0x2ee: {  	_ =	swait.ge [sflag:s9], $0x2000  }
0x2ef: {  	[sflag:s9] =	ssyncset.done $0x0  }
0x2f0: {  	[sflag:s9] =	ssyncadd.s32 $0xFFFFE000  }
0x2f1: {  	_ =	swait.ge [sflag:s9], $0x2000  }
0x2f2: {  	[sflag:s9] =	ssyncset.done $0x0  }
0x2f3: {  	[sflag:s9] =	ssyncadd.s32 $0xFFFFE000  }
0x2f4: {  	_ =	swait.ge [sflag:s9], $0x2000  }
0x2f5: {  	[sflag:s9] =	ssyncset.done $0x0  }
0x2f6: {  	s1 =	rddreg [dreg:$0x6];
	[sflag:s9] =	ssyncadd.s32 $0xFFFFE000  }
0x2f7: {  	[hbm4b:s1+s2] =	stream.linear.scatter [tilespmem:s4], [sflag:$0x3], $0xE000, $0x38;
	[tilespmem:$0x1D980] =	vst v63  }
0x2f8: {  	_ =	swait.ge [sflag:s3], $0xE000  }
0x2f9: {  	s0 =	sld [smem:$0x7F0]  }
0x2fa: {  	[sflag:s3] =	ssyncset.done $0x0  }
0x2fb: {  	s1 =	sld [smem:$0x7F1];
	[sflag:s3] =	ssyncadd.s32 $0xFFFF2000  }
0x2fc: {  	[tilespmem:s4], [sflag:$0x1] =	stream.indirect.gather [hbm4b:s5+s7], $0x40, s0, s7, $0xb8;
	[tilespmem:$0x1D980] =	vst v63  }
0x2fd: {  	s0 =	sld [smem:$0x7F2]  }
0x2fe: {  	[tilespmem:s11], [sflag:$0x1] =	stream.indirect.gather [hbm4b:s5+s7], $0x40, s1, s7, $0xb8;
	[tilespmem:$0x1D980] =	vst v63  }
0x2ff: {  	s1 =	sld [smem:$0x7F3]  }
0x300: {  	[tilespmem:s12], [sflag:$0x1] =	stream.indirect.gather [hbm4b:s5+s7], $0x40, s0, s7, $0xb8;
	[tilespmem:$0x1D980] =	vst v63  }
0x301: {  	s0 =	sld [smem:$0x7F4]  }
0x302: {  	[tilespmem:s13], [sflag:$0x1] =	stream.indirect.gather [hbm4b:s5+s7], $0x40, s1, s7, $0xb8;
	[tilespmem:$0x1D980] =	vst v63  }
0x303: {  	s1 =	sld [smem:$0x7F5]  }
0x304: {  	[tilespmem:s14], [sflag:$0x1] =	stream.indirect.gather [hbm4b:s5+s7], $0x40, s0, s7, $0xb8;
	[tilespmem:$0x1D980] =	vst v63  }
0x305: {  	s0 =	sld [smem:$0x7F6]  }
0x306: {  	[tilespmem:s15], [sflag:$0x1] =	stream.indirect.gather [hbm4b:s5+s7], $0x40, s1, s7, $0xb8;
	[tilespmem:$0x1D980] =	vst v63  }
0x307: {  	_ = 	snop  }
0x308: {  	[tilespmem:s16], [sflag:$0x1] =	stream.indirect.gather [hbm4b:s5+s7], $0x40, s0, s7, $0xb8;
	[tilespmem:$0x1D980] =	vst v63  }
0x309: {  	_ =	swait.ge [sflag:s8], $0x2000  }
0x30a: {  	[sflag:s8] =	ssyncset.done $0x0  }
0x30b: {  	[sflag:s8] =	ssyncadd.s32 $0xFFFFE000  }
0x30c: {  	_ =	swait.ge [sflag:s8], $0x2000  }
0x30d: {  	[sflag:s8] =	ssyncset.done $0x0  }
0x30e: {  	[sflag:s8] =	ssyncadd.s32 $0xFFFFE000  }
0x30f: {  	_ =	swait.ge [sflag:s8], $0x2000  }
0x310: {  	[sflag:s8] =	ssyncset.done $0x0  }
0x311: {  	[sflag:s8] =	ssyncadd.s32 $0xFFFFE000  }
0x312: {  	_ =	swait.ge [sflag:s8], $0x2000  }
0x313: {  	[sflag:s8] =	ssyncset.done $0x0  }
0x314: {  	[sflag:s8] =	ssyncadd.s32 $0xFFFFE000  }
0x315: {  	_ =	swait.ge [sflag:s8], $0x2000  }
0x316: {  	[sflag:s8] =	ssyncset.done $0x0  }
0x317: {  	[sflag:s8] =	ssyncadd.s32 $0xFFFFE000  }
0x318: {  	_ =	swait.ge [sflag:s8], $0x2000  }
0x319: {  	[sflag:s8] =	ssyncset.done $0x0  }
0x31a: {  	[sflag:s8] =	ssyncadd.s32 $0xFFFFE000  }
0x31b: {  	_ =	swait.ge [sflag:s8], $0x2000  }
0x31c: {  	[sflag:s8] =	ssyncset.done $0x0  }
0x31d: {  	s1 =	rddreg [dreg:$0x7];
	[sflag:s8] =	ssyncadd.s32 $0xFFFFE000  }
0x31e: {  	[hbm4b:s1+s2] =	stream.linear.scatter [tilespmem:s6], [sflag:$0x3], $0xE000, $0x38;
	[tilespmem:$0x1D980] =	vst v63  }
0x31f: {  	_ =	swait.ge [sflag:s3], $0xE000  }
0x320: {  	s0 =	sld [smem:$0x7F7]  }
0x321: {  	[sflag:s3] =	ssyncset.done $0x0  }
0x322: {  	s1 =	sld [smem:$0x7F8];
	[sflag:s3] =	ssyncadd.s32 $0xFFFF2000  }
0x323: {  	[tilespmem:s6], [sflag:$0x2] =	stream.indirect.gather [hbm4b:s5+s7], $0x40, s0, s7, $0xb8;
	[tilespmem:$0x1D980] =	vst v63  }
0x324: {  	s0 =	sld [smem:$0x7F9]  }
0x325: {  	[tilespmem:s10], [sflag:$0x2] =	stream.indirect.gather [hbm4b:s5+s7], $0x40, s1, s7, $0xb8;
	[tilespmem:$0x1D980] =	vst v63  }
0x326: {  	s1 =	sld [smem:$0x7FA]  }
0x327: {  	[tilespmem:s26], [sflag:$0x2] =	stream.indirect.gather [hbm4b:s5+s7], $0x40, s0, s7, $0xb8;
	[tilespmem:$0x1D980] =	vst v63  }
0x328: {  	s26 =	sld [smem:$0x7FB]  }
0x329: {  	[tilespmem:s28], [sflag:$0x2] =	stream.indirect.gather [hbm4b:s5+s7], $0x40, s1, s7, $0xb8;
	[tilespmem:$0x1D980] =	vst v63  }
0x32a: {  	s28 =	sld [smem:$0x7FC]  }
0x32b: {  	[tilespmem:s29], [sflag:$0x2] =	stream.indirect.gather [hbm4b:s5+s7], $0x40, s26, s7, $0xb8;
	[tilespmem:$0x1D980] =	vst v63  }
0x32c: {  	s29 =	sld [smem:$0x7FD]  }
0x32d: {  	[tilespmem:s30], [sflag:$0x2] =	stream.indirect.gather [hbm4b:s5+s7], $0x40, s28, s7, $0xb8;
	[tilespmem:$0x1D980] =	vst v63  }
0x32e: {  	_ = 	snop  }
0x32f: {  	[tilespmem:s31], [sflag:$0x2] =	stream.indirect.gather [hbm4b:s5+s7], $0x40, s29, s7, $0xb8;
	[tilespmem:$0x1D980] =	vst v63  }
0x330: {  	_ =	swait.ge [sflag:s9], $0x2000  }
0x331: {  	[sflag:s9] =	ssyncset.done $0x0  }
0x332: {  	[sflag:s9] =	ssyncadd.s32 $0xFFFFE000  }
0x333: {  	_ =	swait.ge [sflag:s9], $0x2000  }
0x334: {  	[sflag:s9] =	ssyncset.done $0x0  }
0x335: {  	[sflag:s9] =	ssyncadd.s32 $0xFFFFE000  }
0x336: {  	_ =	swait.ge [sflag:s9], $0x2000  }
0x337: {  	[sflag:s9] =	ssyncset.done $0x0  }
0x338: {  	[sflag:s9] =	ssyncadd.s32 $0xFFFFE000  }
0x339: {  	_ =	swait.ge [sflag:s9], $0x2000  }
0x33a: {  	[sflag:s9] =	ssyncset.done $0x0  }
0x33b: {  	[sflag:s9] =	ssyncadd.s32 $0xFFFFE000  }
0x33c: {  	_ =	swait.ge [sflag:s9], $0x2000  }
0x33d: {  	[sflag:s9] =	ssyncset.done $0x0  }
0x33e: {  	[sflag:s9] =	ssyncadd.s32 $0xFFFFE000  }
0x33f: {  	_ =	swait.ge [sflag:s9], $0x2000  }
0x340: {  	[sflag:s9] =	ssyncset.done $0x0  }
0x341: {  	[sflag:s9] =	ssyncadd.s32 $0xFFFFE000  }
0x342: {  	_ =	swait.ge [sflag:s9], $0x2000  }
0x343: {  	[sflag:s9] =	ssyncset.done $0x0  }
0x344: {  	s26 =	rddreg [dreg:$0x8];
	[sflag:s9] =	ssyncadd.s32 $0xFFFFE000  }
0x345: {  	[hbm4b:s26+s2] =	stream.linear.scatter [tilespmem:s4], [sflag:$0x3], $0xE000, $0x38;
	[tilespmem:$0x1D980] =	vst v63  }
0x346: {  	_ =	swait.ge [sflag:s3], $0xE000  }
0x347: {  	[sflag:s3] =	ssyncset.done $0x0  }
0x348: {  	[sflag:s3] =	ssyncadd.s32 $0xFFFF2000  }
0x349: {  	[tilespmem:s4], [sflag:$0x1] =	stream.indirect.gather [hbm4b:s5+s7], $0x40, s20, s7, $0xb8;
	[tilespmem:$0x1D980] =	vst v63  }
0x34a: {  	_ = 	snop  }
0x34b: {  	[tilespmem:s11], [sflag:$0x1] =	stream.indirect.gather [hbm4b:s5+s7], $0x40, s21, s7, $0xb8;
	[tilespmem:$0x1D980] =	vst v63  }
0x34c: {  	_ = 	snop  }
0x34d: {  	[tilespmem:s12], [sflag:$0x1] =	stream.indirect.gather [hbm4b:s5+s7], $0x40, s22, s7, $0xb8;
	[tilespmem:$0x1D980] =	vst v63  }
0x34e: {  	_ = 	snop  }
0x34f: {  	[tilespmem:s13], [sflag:$0x1] =	stream.indirect.gather [hbm4b:s5+s7], $0x40, s23, s7, $0xb8;
	[tilespmem:$0x1D980] =	vst v63  }
0x350: {  	_ = 	snop  }
0x351: {  	[tilespmem:s14], [sflag:$0x1] =	stream.indirect.gather [hbm4b:s5+s7], $0x40, s24, s7, $0xb8;
	[tilespmem:$0x1D980] =	vst v63  }
0x352: {  	_ = 	snop  }
0x353: {  	[tilespmem:s15], [sflag:$0x1] =	stream.indirect.gather [hbm4b:s5+s7], $0x40, s25, s7, $0xb8;
	[tilespmem:$0x1D980] =	vst v63  }
0x354: {  	_ = 	snop  }
0x355: {  	[tilespmem:s16], [sflag:$0x1] =	stream.indirect.gather [hbm4b:s5+s7], $0x40, s19, s7, $0xb8;
	[tilespmem:$0x1D980] =	vst v63  }
0x356: {  	_ =	swait.ge [sflag:s8], $0x2000  }
0x357: {  	[sflag:s8] =	ssyncset.done $0x0  }
0x358: {  	[sflag:s8] =	ssyncadd.s32 $0xFFFFE000  }
0x359: {  	_ =	swait.ge [sflag:s8], $0x2000  }
0x35a: {  	[sflag:s8] =	ssyncset.done $0x0  }
0x35b: {  	[sflag:s8] =	ssyncadd.s32 $0xFFFFE000  }
0x35c: {  	_ =	swait.ge [sflag:s8], $0x2000  }
0x35d: {  	[sflag:s8] =	ssyncset.done $0x0  }
0x35e: {  	[sflag:s8] =	ssyncadd.s32 $0xFFFFE000  }
0x35f: {  	_ =	swait.ge [sflag:s8], $0x2000  }
0x360: {  	[sflag:s8] =	ssyncset.done $0x0  }
0x361: {  	[sflag:s8] =	ssyncadd.s32 $0xFFFFE000  }
0x362: {  	_ =	swait.ge [sflag:s8], $0x2000  }
0x363: {  	[sflag:s8] =	ssyncset.done $0x0  }
0x364: {  	[sflag:s8] =	ssyncadd.s32 $0xFFFFE000  }
0x365: {  	_ =	swait.ge [sflag:s8], $0x2000  }
0x366: {  	[sflag:s8] =	ssyncset.done $0x0  }
0x367: {  	[sflag:s8] =	ssyncadd.s32 $0xFFFFE000  }
0x368: {  	_ =	swait.ge [sflag:s8], $0x2000  }
0x369: {  	[sflag:s8] =	ssyncset.done $0x0  }
0x36a: {  	s28 =	rddreg [dreg:$0x9];
	[sflag:s8] =	ssyncadd.s32 $0xFFFFE000  }
0x36b: {  	[hbm4b:s28+s2] =	stream.linear.scatter [tilespmem:s6], [sflag:$0x3], $0xE000, $0x38;
	[tilespmem:$0x1D980] =	vst v63  }
0x36c: {  	_ =	swait.ge [sflag:s3], $0xE000  }
0x36d: {  	[sflag:s3] =	ssyncset.done $0x0  }
0x36e: {  	[sflag:s3] =	ssyncadd.s32 $0xFFFF2000  }
0x36f: {  	[tilespmem:s6], [sflag:$0x2] =	stream.indirect.gather [hbm4b:s5+s7], $0x40, s18, s7, $0xb8;
	[tilespmem:$0x1D980] =	vst v63  }
0x370: {  	s29 =	simm.s32 $0x1900  }
0x371: {  	[tilespmem:s10], [sflag:$0x2] =	stream.indirect.gather [hbm4b:s5+s7], $0x40, s29, s7, $0xb8;
	[tilespmem:$0x1D980] =	vst v63  }
0x372: {  	_ =	swait.ge [sflag:s9], $0x2000  }
0x373: {  	[sflag:s9] =	ssyncset.done $0x0  }
0x374: {  	[sflag:s9] =	ssyncadd.s32 $0xFFFFE000  }
0x375: {  	_ =	swait.ge [sflag:s9], $0x2000  }
0x376: {  	[sflag:s9] =	ssyncset.done $0x0  }
0x377: {  	[sflag:s9] =	ssyncadd.s32 $0xFFFFE000  }
0x378: {  	_ =	swait.ge [sflag:s9], $0x2000  }
0x379: {  	[sflag:s9] =	ssyncset.done $0x0  }
0x37a: {  	[sflag:s9] =	ssyncadd.s32 $0xFFFFE000  }
0x37b: {  	_ =	swait.ge [sflag:s9], $0x2000  }
0x37c: {  	[sflag:s9] =	ssyncset.done $0x0  }
0x37d: {  	[sflag:s9] =	ssyncadd.s32 $0xFFFFE000  }
0x37e: {  	_ =	swait.ge [sflag:s9], $0x2000  }
0x37f: {  	[sflag:s9] =	ssyncset.done $0x0  }
0x380: {  	[sflag:s9] =	ssyncadd.s32 $0xFFFFE000  }
0x381: {  	_ =	swait.ge [sflag:s9], $0x2000  }
0x382: {  	[sflag:s9] =	ssyncset.done $0x0  }
0x383: {  	[sflag:s9] =	ssyncadd.s32 $0xFFFFE000  }
0x384: {  	_ =	swait.ge [sflag:s9], $0x2000  }
0x385: {  	[sflag:s9] =	ssyncset.done $0x0  }
0x386: {  	s30 =	rddreg [dreg:$0xa];
	[sflag:s9] =	ssyncadd.s32 $0xFFFFE000  }
0x387: {  	[hbm4b:s30+s2] =	stream.linear.scatter [tilespmem:s4], [sflag:$0x3], $0xE000, $0x38;
	[tilespmem:$0x1D980] =	vst v63  }
0x388: {  	_ =	swait.ge [sflag:s3], $0xE000  }
0x389: {  	[sflag:s3] =	ssyncset.done $0x0  }
0x38a: {  	[sflag:s3] =	ssyncadd.s32 $0xFFFF2000  }
0x38b: {  	_ =	swait.ge [sflag:s8], $0x2000  }
0x38c: {  	[sflag:s8] =	ssyncset.done $0x0  }
0x38d: {  	[sflag:s8] =	ssyncadd.s32 $0xFFFFE000  }
0x38e: {  	_ =	swait.ge [sflag:s8], $0x2000  }
0x38f: {  	[sflag:s8] =	ssyncset.done $0x0  }
0x390: {  	s31 =	rddreg [dreg:$0xb];
	[sflag:s8] =	ssyncadd.s32 $0xFFFFE000  }
0x391: {  	[hbm4b:s31+s2] =	stream.linear.scatter [tilespmem:s6], [sflag:$0x3], $0x3000, $0x38;
	[tilespmem:$0x1D980] =	vst v63  }
0x392: {  	_ =	swait.ge [sflag:s3], $0x3000  }
0x393: {  	[sflag:s3] =	ssyncset.done $0x0  }
0x394: {  	[sflag:s3] =	ssyncadd.s32 $0xFFFFD000  }
0x395: {  	_ =	sfence.sel $0x180000  }
0x396: {  	[bflag:$0x0] =	sbarrier.arrive $0xFFFF  }
0x397: {  	_ =	strace $0x90000047  }
0x398: {  	[bflag:$0x2] =	sbarrier.arrive $0xFFFF  }
0x399: {  	p0 =	sne.s32 s17, $0x0;
	s0 =	rddreg [dreg:$0x2]  }
0x39a: {  	s0 =	sadd.s32 @!p0 $0x100000, s0  }
0x39b: {  	[sflag:s0] =	ssyncadd.tile.s32 @!p0 $0x1;
	_ =	shalt  }
.LBB2_1:
.Ltmp3:
0x39c: {  	(pc) =	sbr.rel .LBB2_6-.Ltmp3, $4  }
0x39d: {  	_ = 	snop  }
0x39e: {  	s19 =	simm.s32 $0x1800;
	s25 =	simm.s32 $0x1780  }
0x39f: {  	s24 =	simm.s32 $0x1700;
	s23 =	simm.s32 $0x1680;
	s22 =	simm.s32 $0x1600  }
0x3a0: {  	s21 =	simm.s32 $0x1580;
	s20 =	simm.s32 $0x1500;
	s18 =	simm.s32 $0x1880  }
.LBB2_3:
.Ltmp4:
0x3a1: {  	(pc) =	sbr.rel .LBB2_6-.Ltmp4, $4  }
0x3a2: {  	_ = 	snop  }
0x3a3: {  	s19 =	simm.s32 $0x1800;
	s25 =	simm.s32 $0x1780;
	s24 =	simm.s32 $0x1700  }
0x3a4: {  	s23 =	simm.s32 $0x1680;
	s22 =	simm.s32 $0x1600;
	s21 =	simm.s32 $0x1580  }
0x3a5: {  	s20 =	simm.s32 $0x1500;
	s18 =	simm.s32 $0x1880;
	s17 =	stileid.u32  }
.Lfunc_end2:
_tile_overlayer_lowered:
.L_overlay_start_2:
0x3a6: {  	(tag) =	ssettag $0x2  }
0x3a7: {  	s0 =	rddreg [dreg:$0x0];
	s2 =	stileid.u32  }
0x3a8: {  	s1 =	rddreg [dreg:$0x1];
	p0 =	sne.s32 s2, $0x0  }
0x3a9: {  	s3 =	rddreg [dreg:$0x2];
	[bflag:$0x3] =	sbarrier.arrive $0xFFFF;
	s2 =	simm.s32 @!p0 $0x1C03  }
0x3aa: {  	[timem:s3], [sflag:s2] =	dma.local @!p0 [hbm:s0], s1  }
0x3ab: {  	s0 =	simm.s32 @!p0 $0x3  }
0x3ac: {  	_ =	swait.ge @!p0 [sflag:s0], s1  }
0x3ad: {  	s1 =	ssub.s32 @!p0 $0x0, s1;
	[sflag:s0] =	ssyncset.done @!p0 $0x0  }
0x3ae: {  	[sflag:s0] =	ssyncadd.s32 @!p0 s1  }
0x3af: {  	[bflag:$0x3] =	sbarrier.arrive $0xFFFF  }
0x3b0: {  	_ =	shalt  }

// kernel: sparse-core-data-format-call.cloned.1.call-start
scs
called_computation_lowered:
.L_overlay_start_0:
0x0: {  	s2 =	sld [smem:$0x3FD9]  }
0x1: {  	s3 =	sld [smem:$0x3FFE];
	_ =	sdelay $0x1  }
0x2: {  	s1 =	srdreg.scid  }
0x3: {  	s0 =	sand.u32 $0x1, s1  }
0x4: {  	s18 =	sshll.u32 s0, $0xA;
	s2 =	sadd.s32 s3, s2  }
0x5: {  	s2 =	sadd.s32 s2, s18  }
0x6: {  	[smem:$0x3FC6] =	sst s2  }
0x7: {  	_ = 	snop  }
0x8: {  	s2 =	sld [smem:$0x3FD0];
	(tm) =	ssettm $0x1  }
0x9: {  	s19 =	sld [smem:$0x3FFB];
	_ =	sdelay $0x3  }
0xa: {  	_ =	strace s19  }
0xb: {  	s3 =	sld [smem:$0x3FFC];
	_ =	sdelay $0x3  }
0xc: {  	_ =	strace s3  }
0xd: {  	s3 =	sld [smem:$0x3FFD];
	_ =	sdelay $0x3  }
0xe: {  	_ =	strace s3  }
0xf: {  	_ =	strace $0x8FFFFFFF  }
0x10: {  	s20 =	sld [smem:$0x3FDB];
	_ =	sdelay $0x1  }
0x11: {  	s4 =	simm.s32 $_scs_section_size  }
0x12: {  	s5 =	simm.s32 $_size__tile_overlayer_lowered;
	s6 =	simm.s32 $_tile_overlayer_lowered  }
0x13: {  	s23 =	simm.s32 $0x1BFF;
	s22 =	sshll.u32 s6, $0x1;
	s3 =	sadd.s32 s4, s20  }
0x14: {  	s7 =	simm.s32 $0x0;
	s21 =	sshll.u32 s5, $0x1;
	s5 =	sadd.s32 s22, s3  }
0x15: {  	[timem:s7], [sflag:s23] =	dma.local [hbm:s5], s21  }
0x16: {  	_ =	swait.ge [sflag:s23], s21  }
0x17: {  	s4 =	ssub.s32 $0x0, s21;
	[sflag:s23] =	ssyncset.done $0x0  }
0x18: {  	[sflag:s23] =	ssyncadd.s32 s4;
	_ =	sdelay $0x1  }
0x19: {  	s24 =	simm.s32 $0x1B8B  }
0x1a: {  	_ =	swait.ge [sflag:s24], $0x1  }
0x1b: {  	[sflag:s24] =	ssyncset.done $0x0  }
0x1c: {  	s26 =	simm.s32 $0x1B8E;
	s25 =	sld [smem:$0x3FFE];
	[sflag:s24] =	ssyncadd.s32 $0xFFFFFFFF  }
0x1d: {  	s27 =	simm.s32 $execute0_lowered;
	[smem:$0x3FD2] =	sst s26  }
0x1e: {  	s5 =	sshll.u32 s27, $0x1;
	_ =	strace $0x80000049;
	[dreg:$0x1] =	wrdreg $0xFFFFFFFF  }
0x1f: {  	s28 =	simm.s32 $_size_execute0_lowered;
	s3 =	sadd.s32 s3, s5;
	[dreg:$0x0] =	wrdreg $0x0  }
0x20: {  	s5 =	sshll.u32 s28, $0x1;
	[dreg:$0x2] =	wrdreg s3  }
0x21: {  	[dreg:$0x3] =	wrdreg s5  }
0x22: {  	[dreg:$0x4] =	wrdreg $0xC0  }
0x23: {  	_ =	task [dreg:s7], $0x5FFFF  }
0x24: {  	[dreg:$0x1] =	wrdreg $0xFFFFFFFF  }
0x25: {  	[dreg:$0x0] =	wrdreg $0x60  }
0x26: {  	[dreg:$0x2] =	wrdreg s25  }
0x27: {  	[dreg:$0x3] =	wrdreg s2  }
0x28: {  	[dreg:$0x4] =	wrdreg $0x9  }
0x29: {  	_ =	task.clear_ibuf [dreg:s7], $0x5FFFF;
	_ =	strace $0x90000049  }
0x2a: {  	s29 =	simm.s32 $0x9;
	_ =	strace $0x8000004B  }
0x2b: {  	_ =	swait.ge [sflag:s29], $0x1  }
0x2c: {  	[sflag:s29] =	ssyncadd.s32 $0xFFFFFFFF  }
0x2d: {  	_ =	strace $0x9000004B  }
0x2e: {  	_ =	sfence  }
0x2f: {  	s30 =	sld [smem:$0x0];
	_ =	sdelay $0x2  }
0x30: {  	s31 =	sshll.u32 s1, $0xD;
	s1 =	sshrl.u32 s1, $0x2  }
0x31: {  	s3 =	sand.u32 $0x4000, s31;
	s1 =	sadd.s32 s1, s30  }
0x32: {  	s0 =	sor.u32 s3, s0;
	s1 =	sshll.u32 s1, $0x11  }
0x33: {  	s0 =	sor.u32 s1, s0  }
0x34: {  	s0 =	sadd.s32 $0x8F2B, s0  }
0x35: {  	[sflag:s0] =	ssyncadd.remote.s32 $0x1  }
0x36: {  	_ =	sfence.sel $0xFFFF  }
0x37: {  	[dreg:$0x0] =	wrdreg $0xFFFFFFFF;
	(pc) =	sbr.abs _section_cstart, $3  }
0x38: {  	[dreg:$0x1] =	wrdreg $0xFFFFFFFF  }
0x39: {  	_ =	task.clear_ibuf [dreg:s7], $0x2FFFF;
	_ =	strace $0x9FFFFFFF  }
0x3a: {  	(tm) =	ssettm $0x7FFFFFFF  }
0x3b: {  	_ =	shalt  }
tec
execute0_lowered:
.L_overlay_start_1:
0x0: {  	(tag) =	ssettag $0x1  }
0x1: {  	s0 =	srdreg.scid  }
0x2: {  	s1 =	sshll.u32 s0, $0x4  }
0x3: {  	s4 =	rddreg [dreg:$0x0];
	s0 =	stileid.u32;
	s1 =	sand.u32 $0x10, s1  }
0x4: {  	s2 =	rddreg [dreg:$0x1];
	s7 =	simm.s32 $0x1;
	s1 =	sor.u32 s0, s1  }
0x5: {  	s8 =	simm.s32 $0x2;
	s11 =	simm.s32 $0x0;
	s3 =	sshll.u32 s1, $0x7  }
0x6: {  	s10 =	simm.s32 $0x0;
	s4 =	sadd.s32 $0xA00, s4;
	s6 =	ssub.s32 $0x32800, s3  }
.Ltmp0:
0x7: {  	s1 =	rddreg [dreg:$0x2];
	s5 =	sand.u32 $0xF80, s6;
	(pc) =	sbr.rel .LBB1_1-.Ltmp0, $4  }
0x8: {  	_ =	strace $0x8000004A;
	s9 =	smov.u32 s3;
	p0 =	sne.s32 s5, $0x0  }
0x9: {  	s6 =	sshrl.u32 s6, $0xC;
	s5 =	simm.s32 $0x1;
	s7 =	simm.s32 @!p0 $0x0  }
0xa: {  	[sflag:s5] =	ssyncpa.u1 $0x0;
	p0 =	por $0x0, $0x0;
	s6 =	sadd.s32 s7, s6  }
0xb: {  	[sflag:s8] =	ssyncpa.u1 $0x0;
	s8 =	simm.s32 $0x194000;
	s7 =	sadd.s32 $0x1, s6  }
.LBB1_4:
0xc: {  	s14 =	sshll.u32 s11, $0x3  }
0xd: {  	s15 =	sshrl.u32 s14, $0xB  }
0xe: {  	s15 =	smulhi.u32 $0x288DF0D, s15;
	_ =	sdelay $0x1  }
0xf: {  	s28 =	sand.u32 $0x7F, s11;
	s14 =	sand.u32 $0xFFFFFC00, s14;
	s16 =	smul.u32 $0x32800, s15  }
0x10: {  	s11 =	sor.u32 s28, s14;
	s29 =	sand.u32 $0x3F, s15  }
0x11: {  	s14 =	smul.u32 $0x6500, s29;
	s11 =	ssub.s32 s11, s16  }
0x12: {  	[tilespmem:s13+$0x810 ss:$0x81] =	vst.msk $0xffff, v2;
	s30 =	sand.u32 $0x7, s11  }
0x13: {  	[tilespmem:s13+$0x1020 ss:$0x81] =	vst.msk $0xffff, v0;
	s11 =	sshrl.u32 s11, $0x3;
	s14 =	sadd.s32 s2, s14;
	s15 =	sshll.u32 s30, $0x12  }
0x14: {  	[tilespmem:s13+$0x0 ss:$0x81] =	vst.msk $0xffff, v1;
	s11 =	sadd.s32 s11, s14;
	s31 =	sor.u32 $0x400, s15  }
0x15: {  	[hbm4b:s11+s31] =	stream.strided.scatter [tilespmem:s12], [sflag:$0x2], $0x2000, s8, s31, $0x20;
	[tilespmem:$0x8080] =	vst v63  }
.LBB1_5:
0x16: {  	s13 =	sadd.s32 $0x1000, s9  }
0x17: {  	p2 =	sgt.s32 s13, $0x327FF  }
0x18: {  	s13 =	smov.u32 @p2 s3;
	p2 =	sne.s32 s10, s7  }
.Ltmp1:
0x19: {  	p1 =	slt.u32 s10, $0x2;
	(pc) =	sbr.rel @!p2 .LBB1_6-.Ltmp1, $4  }
0x1a: {  	s12 =	simm.s32 @!p1 $0x2  }
0x1b: {  	s14 =	sadd.s32 $0x1, s10;
	_ =	swait.ge @!p1 [sflag:s12], $0x2000  }
0x1c: {  	s11 =	smov.u32 s9;
	p0 =	por !p0, !p0;
	[sflag:s12] =	ssyncset.done @!p1 $0x0  }
0x1d: {  	s10 =	smov.u32 s14;
	s9 =	smov.u32 s13;
	[sflag:s12] =	ssyncadd.s32 @!p1 $0xFFFFE000  }
.LBB1_1:
0x1e: {  	p1 =	sge.u32 s10, s6  }
0x1f: {  	s12 =	sand.u32 @!p1 $0x1FFFFFF, s9  }
0x20: {  	s13 =	smulhi.u32 @!p1 $0x288DF0D, s12;
	_ =	sdelay $0x1  }
0x21: {  	s13 =	sshrl.u32 @!p1 s13, $0xB  }
0x22: {  	s13 =	smul.u32 @!p1 $0x32800, s13;
	_ =	sdelay $0x1  }
0x23: {  	s31 =	sadd.s32 $0xFFFFFFFF, s10;
	s14 =	sxor.u32 @!p1 $0xFFFFFFFF, s10;
	s12 =	ssub.s32 @!p1 s12, s13  }
0x24: {  	s15 =	simm.s32 @!p1 $0x80;
	s14 =	sshll.u32 @!p1 s14, $0xD;
	s12 =	sshll.u32 @!p1 s12, $0x4  }
0x25: {  	s13 =	sand.u32 @!p1 $0x2000, s14;
	s14 =	simm.s32 @!p1 $0x40;
	s12 =	sadd.s32 @!p1 s4, s12  }
0x26: {  	[tilespmem:s13], [sflag:$0x1] =	stream.strided.gather @!p1 [hbm4b:s12+s14], $0x2000, s15, s14, $0x38;
	[tilespmem:$0x8080] =	vst v63  }
0x27: {  	p1 =	sge.u32 s31, s6  }
.Ltmp2:
0x28: {  	_ = 	snop;
	(pc) =	sbr.rel @p1 .LBB1_5-.Ltmp2, $1  }
0x29: {  	_ =	sdelay $0x3  }
0x2a: {  	s12 =	simm.s32 $0x1  }
0x2b: {  	_ =	swait.ge [sflag:s5], $0x2000;
	s12 =	simm.s32 @!p0 $0x0  }
0x2c: {  	[sflag:s5] =	ssyncset.done $0x0;
	s13 =	sshll.u32 s12, $0xD  }
0x2d: {  	[sflag:s5] =	ssyncadd.s32 $0xFFFFE000;
	s16 =	sor.u32 $0x20, s13  }
0x2e: {  	s12 =	smul.u32 $0x8100, s12;
	v3 =	vld [tilespmem:s16+$0x10]  }
0x2f: {  	s30 =	sand.u32 $0x1, s10;
	v2 =	vld [tilespmem:s16+$0xFFFFFFF0]  }
0x30: {  	s13 =	smul.u32 $0x8100, s30;
	s12 =	sshrl.u32 s12, $0x2;
	v0 =	vld [tilespmem:s16+$0x0]  }
0x31: {  	v1 =	vld [tilespmem:s16+$0xFFFFFFE0];
	s14 =	sor.u32 $0x4000, s12  }
0x32: {  	s31 =	sshrl.u32 s13, $0x2;
	s13 =	sadd.s32 $0x0, s14  }
0x33: {  	s15 =	simm.s32 $0x4;
	s16 =	sadd.s32 $0x40, s16;
	s12 =	sor.u32 $0x4000, s31;
	[tilespmem:s13+$0x1830 ss:$0x81] =	vst.msk $0xffff, v3  }
.LBB1_3:
0x34: {  	v3 =	vld [tilespmem:s16+$0x10];
	p1 =	sne.s32 s15, $0x1FC;
	[tilespmem:s13+$0x810 ss:$0x81] =	vst.msk $0xffff, v2;
	s17 =	smov.u32 s15;
	s15 =	sadd.s32 $0x4, s15  }
.Ltmp3:
0x35: {  	v2 =	vld [tilespmem:s16+$0xFFFFFFF0];
	[tilespmem:s13+$0x1020 ss:$0x81] =	vst.msk $0xffff, v0;
	(pc) =	sbr.rel @p1 .LBB1_3-.Ltmp3, $4  }
0x36: {  	v0 =	vld [tilespmem:s16+$0x0];
	[tilespmem:s13+$0x0 ss:$0x81] =	vst.msk $0xffff, v1  }
0x37: {  	s13 =	sshra.s32 s17, $0x2;
	v1 =	vld [tilespmem:s16+$0xFFFFFFE0]  }
0x38: {  	s13 =	sadd.s32 s13, s14  }
0x39: {  	s16 =	sadd.s32 $0x40, s16;
	[tilespmem:s13+$0x1830 ss:$0x81] =	vst.msk $0xffff, v3  }
.Ltmp4:
0x3a: {  	_ = 	snop;
	(pc) =	sbr.rel .LBB1_4-.Ltmp4, $1  }
0x3b: {  	_ =	sdelay $0x3  }
.LBB1_6:
0x3c: {  	_ =	sfence.sel $0x180000  }
0x3d: {  	s2 =	simm.s32 $0x1;
	[bflag:$0x0] =	sbarrier.arrive $0xFFFF  }
0x3e: {  	s31 =	simm.s32 $0x2;
	[sflag:s2] =	ssyncpa.u1 $0x1  }
0x3f: {  	[sflag:s31] =	ssyncpa.u1 $0x1  }
0x40: {  	p0 =	sne.s32 s0, $0x0;
	_ =	strace $0x9000004A  }
0x41: {  	s0 =	sadd.s32 @!p0 $0x100000, s1;
	[bflag:$0x2] =	sbarrier.arrive $0xFFFF  }
0x42: {  	[sflag:s0] =	ssyncadd.tile.s32 @!p0 $0x1;
	_ =	shalt  }
.Lfunc_end1:
_tile_overlayer_lowered:
.L_overlay_start_2:
0x43: {  	(tag) =	ssettag $0x2  }
0x44: {  	s0 =	rddreg [dreg:$0x0];
	s2 =	stileid.u32  }
0x45: {  	s1 =	rddreg [dreg:$0x1];
	p0 =	sne.s32 s2, $0x0  }
0x46: {  	s3 =	rddreg [dreg:$0x2];
	[bflag:$0x3] =	sbarrier.arrive $0xFFFF;
	s2 =	simm.s32 @!p0 $0x1C01  }
0x47: {  	[timem:s3], [sflag:s2] =	dma.local @!p0 [hbm:s0], s1  }
0x48: {  	s0 =	simm.s32 @!p0 $0x1  }
0x49: {  	_ =	swait.ge @!p0 [sflag:s0], s1  }
0x4a: {  	s1 =	ssub.s32 @!p0 $0x0, s1;
	[sflag:s0] =	ssyncset.done @!p0 $0x0  }
0x4b: {  	[sflag:s0] =	ssyncadd.s32 @!p0 s1  }
0x4c: {  	[bflag:$0x3] =	sbarrier.arrive $0xFFFF  }
0x4d: {  	_ =	shalt  }

</sc_bundles>
